<compile_context>
chip_gen: v7x
topology: tpu7x:2x2x1
jax: 0.10.2.dev20260603
libtpu: 0.0.44.dev20260713+nightly
codegen_flags: <defaults>
</compile_context>

<pallas_src>
import functools

import jax
import jax.numpy as jnp
from jax import lax
from jax.experimental import pallas as pl
from jax.experimental.pallas import tpu as pltpu
from jax.experimental.pallas import tpu_sc as plsc

N = 8388608
NC, NS, L = 2, 16, 16
NW = NC * NS
NPW = N // NW
SEG = 512
GRP = 4
CHUNK = GRP * L * SEG
NCHUNK = NPW // CHUNK
SPC = GRP * L
SPW = NCHUNK * SPC
NSEG = N // SEG
UNROLL = 4

TR = 2048
TG = NSEG // TR

_mesh = plsc.VectorSubcoreMesh(core_axis_name="c", subcore_axis_name="s")
_params = pltpu.CompilerParams(needs_layout_passes=False)


def _offsets_body(x_ref, o_ref, rs_ref):
    i = pl.program_id(0)
    x = jnp.reshape(x_ref[...], (TR, SEG))
    rs = jnp.sum(x, axis=1)
    rs_ref[pl.ds(i * (TR // 128), TR // 128), :] = jnp.reshape(
        rs, (TR // 128, 128))

    @pl.when(i == TG - 1)
    def _():
        m = rs_ref[...]
        ri = lax.broadcasted_iota(jnp.int32, (128, 128), 0)
        ci = lax.broadcasted_iota(jnp.int32, (128, 128), 1)
        u = (ri <= ci).astype(jnp.float32)
        sl = (ci < ri).astype(jnp.float32)
        incl = lax.dot_general(m, u, (((1,), (0,)), ((), ())),
                               preferred_element_type=jnp.float32,
                               precision=lax.Precision.HIGHEST)
        rowoff = lax.dot_general(sl, incl[:, 127:128],
                                 (((1,), (0,)), ((), ())),
                                 preferred_element_type=jnp.float32,
                                 precision=lax.Precision.HIGHEST)
        o_ref[...] = incl - m + rowoff


def _seg_offsets(x1):
    return pl.pallas_call(
        _offsets_body,
        grid=(TG,),
        in_specs=[pl.BlockSpec((TR * SEG,), lambda i: (i,))],
        out_specs=pl.BlockSpec((128, 128), lambda i: (0, 0)),
        out_shape=jax.ShapeDtypeStruct((128, 128), jnp.float32),
        scratch_shapes=[pltpu.VMEM((128, 128), jnp.float32)],
    )(x1)


@functools.partial(
    pl.kernel,
    mesh=_mesh,
    out_type=jax.ShapeDtypeStruct((N,), jnp.float32),
    compiler_params=_params,
    scratch_types=[
        pltpu.VMEM((SPW // 128, 128), jnp.float32),
        pltpu.VMEM((CHUNK,), jnp.float32),
        pltpu.VMEM((CHUNK,), jnp.float32),
        pltpu.SemaphoreType.DMA,
        pltpu.SemaphoreType.DMA,
        pltpu.SemaphoreType.DMA,
        pltpu.SemaphoreType.DMA,
    ],
)
def _scan_apply(x_hbm, offs_hbm, out_hbm,
                offs_v, buf0, buf1, isem0, isem1, osem0, osem1):
    wid = lax.axis_index("s") * NC + lax.axis_index("c")
    base = wid * NPW
    bufs = (buf0, buf1)
    isems = (isem0, isem1)
    osems = (osem0, osem1)

    pltpu.sync_copy(
        offs_hbm.at[pl.ds(wid * (SPW // 128), SPW // 128), :], offs_v)

    lane = lax.iota(jnp.int32, L)
    idx0 = tuple(lane * (SEG - 1) + g * (L * SEG) for g in range(GRP))

    ih = [None, None]
    oh = [None, None]
    ih[0] = pltpu.async_copy(x_hbm.at[pl.ds(base, CHUNK)], buf0, isem0)
    for c in range(NCHUNK):
        b = c % 2
        if c + 1 < NCHUNK:
            if oh[1 - b] is not None:
                oh[1 - b].wait()
            ih[1 - b] = pltpu.async_copy(
                x_hbm.at[pl.ds(base + (c + 1) * CHUNK, CHUNK)],
                bufs[1 - b], isems[1 - b])
        ih[b].wait()
        buf = bufs[b]
        offs = tuple(
            offs_v[(c * SPC + g * L) // 128,
                   pl.ds((c * SPC + g * L) % 128, L)]
            for g in range(GRP))

        @plsc.parallel_loop(0, SEG + L - 1, unroll=UNROLL,
                            carry=(offs, idx0, -lane))
        def t_body(t, ai):
            accs, idxs, d = ai
            mask = (d >= 0) & (d < SEG)
            new_accs = []
            for g in range(GRP):
                v = plsc.load_gather(buf, [idxs[g]], mask=mask)
                a = accs[g] + jnp.where(mask, v, jnp.float32(0.0))
                plsc.store_scatter(buf, [idxs[g]], a, mask=mask)
                new_accs.append(a)
            return tuple(new_accs), tuple(i + 1 for i in idxs), d + 1

        del t_body
        oh[b] = pltpu.async_copy(
            buf, out_hbm.at[pl.ds(base + c * CHUNK, CHUNK)], osems[b])

    oh[0].wait()
    oh[1].wait()


def kernel(input_array):
    offs = _seg_offsets(input_array)
    return _scan_apply(input_array, offs)

# --- scband reference (transcript-rebuilt; emitter-appended) ---
"""Pipeline reference for scband-partial-sum-module-40080634806339 (READ-ONLY COPY).

The authoritative reference and input builder live on the scoring server;
editing this copy changes nothing except your own understanding.
"""

import jax, jax.numpy as jnp
import numpy as np

N = 8388608

def setup_inputs(seed: int = 0) -> dict:
    key = jax.random.key(seed)
    input_array = jax.random.normal(key, (N,), dtype=jnp.float32)
    return {"input_array": input_array}

def reference(input_array):
    # Faithful translation of PartialSumModule._partial_sum_impl:
    # torch.cumsum(input_array, dim=0) on a 1D tensor.
    return jnp.cumsum(input_array, axis=0)

if __name__ == "__main__":
    import jax
    _d = setup_inputs()
    print(jax.jit(kernel)(*tuple(_d.values())))

</pallas_src>

<mosaic_0001>
#map = affine_map<(d0, d1) -> (0)>
#map1 = affine_map<(d0, d1) -> (0, 0)>
module attributes {stable_mosaic.version = 14 : i64} {
  func.func @_scan_apply(%arg0: i32, %arg1: i32, %arg2: memref<8388608xf32, #tpu.memory_space<hbm>>, %arg3: memref<128x128xf32, #tpu.memory_space<hbm>>, %arg4: memref<8388608xf32, #tpu.memory_space<hbm>>, %arg5: memref<4x128xf32, #tpu.memory_space<vmem>>, %arg6: memref<32768xf32, #tpu.memory_space<vmem>>, %arg7: memref<32768xf32, #tpu.memory_space<vmem>>, %arg8: memref<!tpu.dma_semaphore, #tpu.memory_space<semaphore_mem>>, %arg9: memref<!tpu.dma_semaphore, #tpu.memory_space<semaphore_mem>>, %arg10: memref<!tpu.dma_semaphore, #tpu.memory_space<semaphore_mem>>, %arg11: memref<!tpu.dma_semaphore, #tpu.memory_space<semaphore_mem>>) attributes {dimension_semantics = [#tpu.dimension_semantics<core_parallel>, #tpu.dimension_semantics<subcore_parallel>], iteration_bounds = array<i64: 2, 16>, scalar_prefetch = 0 : i64, scratch_operands = 7 : i64, tpu.core_type = #tpu.core_type<sc_vector_subcore>, window_params = [{transform_indices = #map}, {transform_indices = #map1}, {transform_indices = #map}]} {
    %mul3A = arith.constant 2 : i32
    %mul3A_0 = arith.muli %arg1, %mul3A : i32
    %add3A = arith.addi %mul3A_0, %arg0 : i32
    %mul3A_1 = arith.constant 262144 : i32
    %mul3A_2 = arith.muli %add3A, %mul3A_1 : i32
    %mul3A_3 = arith.constant 4 : i32
    %mul3A_4 = arith.muli %add3A, %mul3A_3 : i32
    "tpu.region"() ({
      %run_scoped3A = tpu.sem_alloc : memref<!tpu.dma_semaphore, #tpu.memory_space<semaphore_mem>>
      %dma_start3A_302 = arith.constant 0 : i32
      %dma_start3A_303 = tpu.memref_slice %arg3[%mul3A_4, %dma_start3A_302] : memref<128x128xf32, #tpu.memory_space<hbm>> -> memref<4x128xf32, #tpu.memory_space<hbm>>
      %dma_start3A_304 = arith.constant 0 : i32
      %dma_start3A_305 = tpu.memref_slice %arg3[%mul3A_4, %dma_start3A_304] : memref<128x128xf32, #tpu.memory_space<hbm>> -> memref<4x128xf32, #tpu.memory_space<hbm>>
      tpu.enqueue_dma source(%dma_start3A_305 : memref<4x128xf32, #tpu.memory_space<hbm>>) target(%arg5 : memref<4x128xf32, #tpu.memory_space<vmem>>) target_semaphore(%run_scoped3A : memref<!tpu.dma_semaphore, #tpu.memory_space<semaphore_mem>>)
      %dma_wait3A_306 = arith.constant 0 : i32
      %dma_wait3A_307 = tpu.memref_slice %arg3[%mul3A_4, %dma_wait3A_306] : memref<128x128xf32, #tpu.memory_space<hbm>> -> memref<4x128xf32, #tpu.memory_space<hbm>>
      %dma_wait3A_308 = arith.constant 0 : i32
      %dma_wait3A_309 = tpu.memref_slice %arg3[%mul3A_4, %dma_wait3A_308] : memref<128x128xf32, #tpu.memory_space<hbm>> -> memref<4x128xf32, #tpu.memory_space<hbm>>
      tpu.wait_dma2 semaphore(%run_scoped3A : memref<!tpu.dma_semaphore, #tpu.memory_space<semaphore_mem>>) src(%dma_wait3A_309 : memref<4x128xf32, #tpu.memory_space<hbm>>) dst(%arg5 : memref<4x128xf32, #tpu.memory_space<vmem>>)
      tpu.yield
    }) : () -> ()
    %iota3A = tpu.iota {dimensions = array<i32: 0>} : vector<16xi32>
    %mul3A_5 = arith.constant 511 : i32
    %mul3A_6 = vector.broadcast %mul3A_5 : i32 to vector<16xi32>
    %mul3A_7 = arith.muli %iota3A, %mul3A_6 : vector<16xi32>
    %add3A_8 = arith.constant 0 : i32
    %add3A_9 = vector.broadcast %add3A_8 : i32 to vector<16xi32>
    %add3A_10 = arith.addi %mul3A_7, %add3A_9 : vector<16xi32>
    %mul3A_11 = arith.constant 511 : i32
    %mul3A_12 = vector.broadcast %mul3A_11 : i32 to vector<16xi32>
    %mul3A_13 = arith.muli %iota3A, %mul3A_12 : vector<16xi32>
    %add3A_14 = arith.constant 8192 : i32
    %add3A_15 = vector.broadcast %add3A_14 : i32 to vector<16xi32>
    %add3A_16 = arith.addi %mul3A_13, %add3A_15 : vector<16xi32>
    %mul3A_17 = arith.constant 511 : i32
    %mul3A_18 = vector.broadcast %mul3A_17 : i32 to vector<16xi32>
    %mul3A_19 = arith.muli %iota3A, %mul3A_18 : vector<16xi32>
    %add3A_20 = arith.constant 16384 : i32
    %add3A_21 = vector.broadcast %add3A_20 : i32 to vector<16xi32>
    %add3A_22 = arith.addi %mul3A_19, %add3A_21 : vector<16xi32>
    %mul3A_23 = arith.constant 511 : i32
    %mul3A_24 = vector.broadcast %mul3A_23 : i32 to vector<16xi32>
    %mul3A_25 = arith.muli %iota3A, %mul3A_24 : vector<16xi32>
    %add3A_26 = arith.constant 24576 : i32
    %add3A_27 = vector.broadcast %add3A_26 : i32 to vector<16xi32>
    %add3A_28 = arith.addi %mul3A_25, %add3A_27 : vector<16xi32>
    %dma_start3A = tpu.memref_slice %arg2[%mul3A_2] : memref<8388608xf32, #tpu.memory_space<hbm>> -> memref<32768xf32, #tpu.memory_space<hbm>>
    %dma_start3A_29 = tpu.memref_slice %arg2[%mul3A_2] : memref<8388608xf32, #tpu.memory_space<hbm>> -> memref<32768xf32, #tpu.memory_space<hbm>>
    tpu.enqueue_dma source(%dma_start3A_29 : memref<32768xf32, #tpu.memory_space<hbm>>) target(%arg6 : memref<32768xf32, #tpu.memory_space<vmem>>) target_semaphore(%arg8 : memref<!tpu.dma_semaphore, #tpu.memory_space<semaphore_mem>>)
    %add3A_30 = arith.constant 32768 : i32
    %add3A_31 = arith.addi %mul3A_2, %add3A_30 : i32
    %dma_start3A_32 = tpu.memref_slice %arg2[%add3A_31] : memref<8388608xf32, #tpu.memory_space<hbm>> -> memref<32768xf32, #tpu.memory_space<hbm>>
    %dma_start3A_33 = tpu.memref_slice %arg2[%add3A_31] : memref<8388608xf32, #tpu.memory_space<hbm>> -> memref<32768xf32, #tpu.memory_space<hbm>>
    tpu.enqueue_dma source(%dma_start3A_33 : memref<32768xf32, #tpu.memory_space<hbm>>) target(%arg7 : memref<32768xf32, #tpu.memory_space<vmem>>) target_semaphore(%arg9 : memref<!tpu.dma_semaphore, #tpu.memory_space<semaphore_mem>>)
    %dma_wait3A = tpu.memref_slice %arg2[%mul3A_2] : memref<8388608xf32, #tpu.memory_space<hbm>> -> memref<32768xf32, #tpu.memory_space<hbm>>
    %dma_wait3A_34 = tpu.memref_slice %arg2[%mul3A_2] : memref<8388608xf32, #tpu.memory_space<hbm>> -> memref<32768xf32, #tpu.memory_space<hbm>>
    tpu.wait_dma2 semaphore(%arg8 : memref<!tpu.dma_semaphore, #tpu.memory_space<semaphore_mem>>) src(%dma_wait3A_34 : memref<32768xf32, #tpu.memory_space<hbm>>) dst(%arg6 : memref<32768xf32, #tpu.memory_space<vmem>>)
    %get3A = arith.constant 0 : i32
    %get3A_35 = arith.index_cast %get3A : i32 to index
    %get3A_36 = arith.constant 0 : index
    %get3A_37 = tpu.vector_load %arg5[%get3A_35, %get3A_36] {strides = array<i32>} : memref<4x128xf32, #tpu.memory_space<vmem>>, vector<16xf32>,
    %get3A_38 = arith.constant 0 : i32
    %get3A_39 = arith.index_cast %get3A_38 : i32 to index
    %get3A_40 = arith.constant 16 : index
    %get3A_41 = tpu.vector_load %arg5[%get3A_39, %get3A_40] {strides = array<i32>} : memref<4x128xf32, #tpu.memory_space<vmem>>, vector<16xf32>,
    %get3A_42 = arith.constant 0 : i32
    %get3A_43 = arith.index_cast %get3A_42 : i32 to index
    %get3A_44 = arith.constant 32 : index
    %get3A_45 = tpu.vector_load %arg5[%get3A_43, %get3A_44] {strides = array<i32>} : memref<4x128xf32, #tpu.memory_space<vmem>>, vector<16xf32>,
    %get3A_46 = arith.constant 0 : i32
    %get3A_47 = arith.index_cast %get3A_46 : i32 to index
    %get3A_48 = arith.constant 48 : index
    %get3A_49 = tpu.vector_load %arg5[%get3A_47, %get3A_48] {strides = array<i32>} : memref<4x128xf32, #tpu.memory_space<vmem>>, vector<16xf32>,
    %neg3A = arith.constant 0 : i32
    %neg3A_50 = vector.broadcast %neg3A : i32 to vector<16xi32>
    %neg3A_51 = arith.subi %neg3A_50, %iota3A : vector<16xi32>
    %parallel_loop3A = arith.constant 0 : i32
    %parallel_loop3A_52 = arith.constant 527 : i32
    %parallel_loop3A_53 = arith.constant 1 : i32
    %parallel_loop3A_54:9 = scf.for %parallel_loop3A_302 = %parallel_loop3A to %parallel_loop3A_52 step %parallel_loop3A_53 iter_args(%parallel_loop3A_303 = %get3A_37, %parallel_loop3A_304 = %get3A_41, %parallel_loop3A_305 = %get3A_45, %parallel_loop3A_306 = %get3A_49, %parallel_loop3A_307 = %add3A_10, %parallel_loop3A_308 = %add3A_16, %parallel_loop3A_309 = %add3A_22, %parallel_loop3A_310 = %add3A_28, %parallel_loop3A_311 = %neg3A_51) -> (vector<16xf32>, vector<16xf32>, vector<16xf32>, vector<16xf32>, vector<16xi32>, vector<16xi32>, vector<16xi32>, vector<16xi32>, vector<16xi32>)  : i32 {
      %parallel_loop3A_312 = arith.constant 0 : i32
      %parallel_loop3A_313 = vector.broadcast %parallel_loop3A_312 : i32 to vector<16xi32>
      %parallel_loop3A_314 = arith.cmpi sge, %parallel_loop3A_311, %parallel_loop3A_313 : vector<16xi32>
      %parallel_loop3A_315 = arith.constant 512 : i32
      %parallel_loop3A_316 = vector.broadcast %parallel_loop3A_315 : i32 to vector<16xi32>
      %parallel_loop3A_317 = arith.cmpi slt, %parallel_loop3A_311, %parallel_loop3A_316 : vector<16xi32>
      %parallel_loop3A_318 = arith.andi %parallel_loop3A_314, %parallel_loop3A_317 : vector<16xi1>
      %parallel_loop3A_319 = tpu.vector_load_idx %arg6[%parallel_loop3A_307] masked %parallel_loop3A_318 : memref<32768xf32, #tpu.memory_space<vmem>>[vector<16xi32>], vector<16xf32>, vector<16xi1>
      %parallel_loop3A_320 = arith.constant 0.000000e+00 : f32
      %parallel_loop3A_321 = vector.broadcast %parallel_loop3A_320 : f32 to vector<16xf32>
      %parallel_loop3A_322 = arith.select %parallel_loop3A_318, %parallel_loop3A_319, %parallel_loop3A_321 : vector<16xi1>, vector<16xf32>
      %parallel_loop3A_323 = arith.addf %parallel_loop3A_303, %parallel_loop3A_322 : vector<16xf32>
      tpu.vector_store_idx %arg6[%parallel_loop3A_307], %parallel_loop3A_323 masked %parallel_loop3A_318 : memref<32768xf32, #tpu.memory_space<vmem>>[vector<16xi32>], vector<16xf32>, vector<16xi1>
      %parallel_loop3A_324 = tpu.vector_load_idx %arg6[%parallel_loop3A_308] masked %parallel_loop3A_318 : memref<32768xf32, #tpu.memory_space<vmem>>[vector<16xi32>], vector<16xf32>, vector<16xi1>
      %parallel_loop3A_325 = arith.constant 0.000000e+00 : f32
      %parallel_loop3A_326 = vector.broadcast %parallel_loop3A_325 : f32 to vector<16xf32>
      %parallel_loop3A_327 = arith.select %parallel_loop3A_318, %parallel_loop3A_324, %parallel_loop3A_326 : vector<16xi1>, vector<16xf32>
      %parallel_loop3A_328 = arith.addf %parallel_loop3A_304, %parallel_loop3A_327 : vector<16xf32>
      tpu.vector_store_idx %arg6[%parallel_loop3A_308], %parallel_loop3A_328 masked %parallel_loop3A_318 : memref<32768xf32, #tpu.memory_space<vmem>>[vector<16xi32>], vector<16xf32>, vector<16xi1>
      %parallel_loop3A_329 = tpu.vector_load_idx %arg6[%parallel_loop3A_309] masked %parallel_loop3A_318 : memref<32768xf32, #tpu.memory_space<vmem>>[vector<16xi32>], vector<16xf32>, vector<16xi1>
      %parallel_loop3A_330 = arith.constant 0.000000e+00 : f32
      %parallel_loop3A_331 = vector.broadcast %parallel_loop3A_330 : f32 to vector<16xf32>
      %parallel_loop3A_332 = arith.select %parallel_loop3A_318, %parallel_loop3A_329, %parallel_loop3A_331 : vector<16xi1>, vector<16xf32>
      %parallel_loop3A_333 = arith.addf %parallel_loop3A_305, %parallel_loop3A_332 : vector<16xf32>
      tpu.vector_store_idx %arg6[%parallel_loop3A_309], %parallel_loop3A_333 masked %parallel_loop3A_318 : memref<32768xf32, #tpu.memory_space<vmem>>[vector<16xi32>], vector<16xf32>, vector<16xi1>
      %parallel_loop3A_334 = tpu.vector_load_idx %arg6[%parallel_loop3A_310] masked %parallel_loop3A_318 : memref<32768xf32, #tpu.memory_space<vmem>>[vector<16xi32>], vector<16xf32>, vector<16xi1>
      %parallel_loop3A_335 = arith.constant 0.000000e+00 : f32
      %parallel_loop3A_336 = vector.broadcast %parallel_loop3A_335 : f32 to vector<16xf32>
      %parallel_loop3A_337 = arith.select %parallel_loop3A_318, %parallel_loop3A_334, %parallel_loop3A_336 : vector<16xi1>, vector<16xf32>
      %parallel_loop3A_338 = arith.addf %parallel_loop3A_306, %parallel_loop3A_337 : vector<16xf32>
      tpu.vector_store_idx %arg6[%parallel_loop3A_310], %parallel_loop3A_338 masked %parallel_loop3A_318 : memref<32768xf32, #tpu.memory_space<vmem>>[vector<16xi32>], vector<16xf32>, vector<16xi1>
      %parallel_loop3A_339 = arith.constant 1 : i32
      %parallel_loop3A_340 = vector.broadcast %parallel_loop3A_339 : i32 to vector<16xi32>
      %parallel_loop3A_341 = arith.addi %parallel_loop3A_307, %parallel_loop3A_340 : vector<16xi32>
      %parallel_loop3A_342 = arith.constant 1 : i32
      %parallel_loop3A_343 = vector.broadcast %parallel_loop3A_342 : i32 to vector<16xi32>
      %parallel_loop3A_344 = arith.addi %parallel_loop3A_308, %parallel_loop3A_343 : vector<16xi32>
      %parallel_loop3A_345 = arith.constant 1 : i32
      %parallel_loop3A_346 = vector.broadcast %parallel_loop3A_345 : i32 to vector<16xi32>
      %parallel_loop3A_347 = arith.addi %parallel_loop3A_309, %parallel_loop3A_346 : vector<16xi32>
      %parallel_loop3A_348 = arith.constant 1 : i32
      %parallel_loop3A_349 = vector.broadcast %parallel_loop3A_348 : i32 to vector<16xi32>
      %parallel_loop3A_350 = arith.addi %parallel_loop3A_310, %parallel_loop3A_349 : vector<16xi32>
      %parallel_loop3A_351 = arith.constant 1 : i32
      %parallel_loop3A_352 = vector.broadcast %parallel_loop3A_351 : i32 to vector<16xi32>
      %parallel_loop3A_353 = arith.addi %parallel_loop3A_311, %parallel_loop3A_352 : vector<16xi32>
      scf.yield %parallel_loop3A_323, %parallel_loop3A_328, %parallel_loop3A_333, %parallel_loop3A_338, %parallel_loop3A_341, %parallel_loop3A_344, %parallel_loop3A_347, %parallel_loop3A_350, %parallel_loop3A_353 : vector<16xf32>, vector<16xf32>, vector<16xf32>, vector<16xf32>, vector<16xi32>, vector<16xi32>, vector<16xi32>, vector<16xi32>, vector<16xi32>
    } {sc.loop_unroll_factor = 4 : i64, sc.parallel_access}
    %add3A_55 = arith.constant 0 : i32
    %add3A_56 = arith.addi %mul3A_2, %add3A_55 : i32
    %dma_start3A_57 = tpu.memref_slice %arg4[%add3A_56] : memref<8388608xf32, #tpu.memory_space<hbm>> -> memref<32768xf32, #tpu.memory_space<hbm>>
    %dma_start3A_58 = tpu.memref_slice %arg4[%add3A_56] : memref<8388608xf32, #tpu.memory_space<hbm>> -> memref<32768xf32, #tpu.memory_space<hbm>>
    tpu.enqueue_dma source(%arg6 : memref<32768xf32, #tpu.memory_space<vmem>>) target(%dma_start3A_58 : memref<32768xf32, #tpu.memory_space<hbm>>) target_semaphore(%arg10 : memref<!tpu.dma_semaphore, #tpu.memory_space<semaphore_mem>>)
    %dma_wait3A_59 = tpu.memref_slice %arg4[%add3A_56] : memref<8388608xf32, #tpu.memory_space<hbm>> -> memref<32768xf32, #tpu.memory_space<hbm>>
    %dma_wait3A_60 = tpu.memref_slice %arg4[%add3A_56] : memref<8388608xf32, #tpu.memory_space<hbm>> -> memref<32768xf32, #tpu.memory_space<hbm>>
    tpu.wait_dma2 semaphore(%arg10 : memref<!tpu.dma_semaphore, #tpu.memory_space<semaphore_mem>>) src(%arg6 : memref<32768xf32, #tpu.memory_space<vmem>>) dst(%dma_wait3A_60 : memref<32768xf32, #tpu.memory_space<hbm>>)
    %add3A_61 = arith.constant 65536 : i32
    %add3A_62 = arith.addi %mul3A_2, %add3A_61 : i32
    %dma_start3A_63 = tpu.memref_slice %arg2[%add3A_62] : memref<8388608xf32, #tpu.memory_space<hbm>> -> memref<32768xf32, #tpu.memory_space<hbm>>
    %dma_start3A_64 = tpu.memref_slice %arg2[%add3A_62] : memref<8388608xf32, #tpu.memory_space<hbm>> -> memref<32768xf32, #tpu.memory_space<hbm>>
    tpu.enqueue_dma source(%dma_start3A_64 : memref<32768xf32, #tpu.memory_space<hbm>>) target(%arg6 : memref<32768xf32, #tpu.memory_space<vmem>>) target_semaphore(%arg8 : memref<!tpu.dma_semaphore, #tpu.memory_space<semaphore_mem>>)
    %dma_wait3A_65 = tpu.memref_slice %arg2[%add3A_31] : memref<8388608xf32, #tpu.memory_space<hbm>> -> memref<32768xf32, #tpu.memory_space<hbm>>
    %dma_wait3A_66 = tpu.memref_slice %arg2[%add3A_31] : memref<8388608xf32, #tpu.memory_space<hbm>> -> memref<32768xf32, #tpu.memory_space<hbm>>
    tpu.wait_dma2 semaphore(%arg9 : memref<!tpu.dma_semaphore, #tpu.memory_space<semaphore_mem>>) src(%dma_wait3A_66 : memref<32768xf32, #tpu.memory_space<hbm>>) dst(%arg7 : memref<32768xf32, #tpu.memory_space<vmem>>)
    %get3A_67 = arith.constant 0 : i32
    %get3A_68 = arith.index_cast %get3A_67 : i32 to index
    %get3A_69 = arith.constant 64 : index
    %get3A_70 = tpu.vector_load %arg5[%get3A_68, %get3A_69] {strides = array<i32>} : memref<4x128xf32, #tpu.memory_space<vmem>>, vector<16xf32>,
    %get3A_71 = arith.constant 0 : i32
    %get3A_72 = arith.index_cast %get3A_71 : i32 to index
    %get3A_73 = arith.constant 80 : index
    %get3A_74 = tpu.vector_load %arg5[%get3A_72, %get3A_73] {strides = array<i32>} : memref<4x128xf32, #tpu.memory_space<vmem>>, vector<16xf32>,
    %get3A_75 = arith.constant 0 : i32
    %get3A_76 = arith.index_cast %get3A_75 : i32 to index
    %get3A_77 = arith.constant 96 : index
    %get3A_78 = tpu.vector_load %arg5[%get3A_76, %get3A_77] {strides = array<i32>} : memref<4x128xf32, #tpu.memory_space<vmem>>, vector<16xf32>,
    %get3A_79 = arith.constant 0 : i32
    %get3A_80 = arith.index_cast %get3A_79 : i32 to index
    %get3A_81 = arith.constant 112 : index
    %get3A_82 = tpu.vector_load %arg5[%get3A_80, %get3A_81] {strides = array<i32>} : memref<4x128xf32, #tpu.memory_space<vmem>>, vector<16xf32>,
    %neg3A_83 = arith.constant 0 : i32
    %neg3A_84 = vector.broadcast %neg3A_83 : i32 to vector<16xi32>
    %neg3A_85 = arith.subi %neg3A_84, %iota3A : vector<16xi32>
    %parallel_loop3A_86 = arith.constant 0 : i32
    %parallel_loop3A_87 = arith.constant 527 : i32
    %parallel_loop3A_88 = arith.constant 1 : i32
    %parallel_loop3A_89:9 = scf.for %parallel_loop3A_302 = %parallel_loop3A_86 to %parallel_loop3A_87 step %parallel_loop3A_88 iter_args(%parallel_loop3A_303 = %get3A_70, %parallel_loop3A_304 = %get3A_74, %parallel_loop3A_305 = %get3A_78, %parallel_loop3A_306 = %get3A_82, %parallel_loop3A_307 = %add3A_10, %parallel_loop3A_308 = %add3A_16, %parallel_loop3A_309 = %add3A_22, %parallel_loop3A_310 = %add3A_28, %parallel_loop3A_311 = %neg3A_85) -> (vector<16xf32>, vector<16xf32>, vector<16xf32>, vector<16xf32>, vector<16xi32>, vector<16xi32>, vector<16xi32>, vector<16xi32>, vector<16xi32>)  : i32 {
      %parallel_loop3A_312 = arith.constant 0 : i32
      %parallel_loop3A_313 = vector.broadcast %parallel_loop3A_312 : i32 to vector<16xi32>
      %parallel_loop3A_314 = arith.cmpi sge, %parallel_loop3A_311, %parallel_loop3A_313 : vector<16xi32>
      %parallel_loop3A_315 = arith.constant 512 : i32
      %parallel_loop3A_316 = vector.broadcast %parallel_loop3A_315 : i32 to vector<16xi32>
      %parallel_loop3A_317 = arith.cmpi slt, %parallel_loop3A_311, %parallel_loop3A_316 : vector<16xi32>
      %parallel_loop3A_318 = arith.andi %parallel_loop3A_314, %parallel_loop3A_317 : vector<16xi1>
      %parallel_loop3A_319 = tpu.vector_load_idx %arg7[%parallel_loop3A_307] masked %parallel_loop3A_318 : memref<32768xf32, #tpu.memory_space<vmem>>[vector<16xi32>], vector<16xf32>, vector<16xi1>
      %parallel_loop3A_320 = arith.constant 0.000000e+00 : f32
      %parallel_loop3A_321 = vector.broadcast %parallel_loop3A_320 : f32 to vector<16xf32>
      %parallel_loop3A_322 = arith.select %parallel_loop3A_318, %parallel_loop3A_319, %parallel_loop3A_321 : vector<16xi1>, vector<16xf32>
      %parallel_loop3A_323 = arith.addf %parallel_loop3A_303, %parallel_loop3A_322 : vector<16xf32>
      tpu.vector_store_idx %arg7[%parallel_loop3A_307], %parallel_loop3A_323 masked %parallel_loop3A_318 : memref<32768xf32, #tpu.memory_space<vmem>>[vector<16xi32>], vector<16xf32>, vector<16xi1>
      %parallel_loop3A_324 = tpu.vector_load_idx %arg7[%parallel_loop3A_308] masked %parallel_loop3A_318 : memref<32768xf32, #tpu.memory_space<vmem>>[vector<16xi32>], vector<16xf32>, vector<16xi1>
      %parallel_loop3A_325 = arith.constant 0.000000e+00 : f32
      %parallel_loop3A_326 = vector.broadcast %parallel_loop3A_325 : f32 to vector<16xf32>
      %parallel_loop3A_327 = arith.select %parallel_loop3A_318, %parallel_loop3A_324, %parallel_loop3A_326 : vector<16xi1>, vector<16xf32>
      %parallel_loop3A_328 = arith.addf %parallel_loop3A_304, %parallel_loop3A_327 : vector<16xf32>
      tpu.vector_store_idx %arg7[%parallel_loop3A_308], %parallel_loop3A_328 masked %parallel_loop3A_318 : memref<32768xf32, #tpu.memory_space<vmem>>[vector<16xi32>], vector<16xf32>, vector<16xi1>
      %parallel_loop3A_329 = tpu.vector_load_idx %arg7[%parallel_loop3A_309] masked %parallel_loop3A_318 : memref<32768xf32, #tpu.memory_space<vmem>>[vector<16xi32>], vector<16xf32>, vector<16xi1>
      %parallel_loop3A_330 = arith.constant 0.000000e+00 : f32
      %parallel_loop3A_331 = vector.broadcast %parallel_loop3A_330 : f32 to vector<16xf32>
      %parallel_loop3A_332 = arith.select %parallel_loop3A_318, %parallel_loop3A_329, %parallel_loop3A_331 : vector<16xi1>, vector<16xf32>
      %parallel_loop3A_333 = arith.addf %parallel_loop3A_305, %parallel_loop3A_332 : vector<16xf32>
      tpu.vector_store_idx %arg7[%parallel_loop3A_309], %parallel_loop3A_333 masked %parallel_loop3A_318 : memref<32768xf32, #tpu.memory_space<vmem>>[vector<16xi32>], vector<16xf32>, vector<16xi1>
      %parallel_loop3A_334 = tpu.vector_load_idx %arg7[%parallel_loop3A_310] masked %parallel_loop3A_318 : memref<32768xf32, #tpu.memory_space<vmem>>[vector<16xi32>], vector<16xf32>, vector<16xi1>
      %parallel_loop3A_335 = arith.constant 0.000000e+00 : f32
      %parallel_loop3A_336 = vector.broadcast %parallel_loop3A_335 : f32 to vector<16xf32>
      %parallel_loop3A_337 = arith.select %parallel_loop3A_318, %parallel_loop3A_334, %parallel_loop3A_336 : vector<16xi1>, vector<16xf32>
      %parallel_loop3A_338 = arith.addf %parallel_loop3A_306, %parallel_loop3A_337 : vector<16xf32>
      tpu.vector_store_idx %arg7[%parallel_loop3A_310], %parallel_loop3A_338 masked %parallel_loop3A_318 : memref<32768xf32, #tpu.memory_space<vmem>>[vector<16xi32>], vector<16xf32>, vector<16xi1>
      %parallel_loop3A_339 = arith.constant 1 : i32
      %parallel_loop3A_340 = vector.broadcast %parallel_loop3A_339 : i32 to vector<16xi32>
      %parallel_loop3A_341 = arith.addi %parallel_loop3A_307, %parallel_loop3A_340 : vector<16xi32>
      %parallel_loop3A_342 = arith.constant 1 : i32
      %parallel_loop3A_343 = vector.broadcast %parallel_loop3A_342 : i32 to vector<16xi32>
      %parallel_loop3A_344 = arith.addi %parallel_loop3A_308, %parallel_loop3A_343 : vector<16xi32>
      %parallel_loop3A_345 = arith.constant 1 : i32
      %parallel_loop3A_346 = vector.broadcast %parallel_loop3A_345 : i32 to vector<16xi32>
      %parallel_loop3A_347 = arith.addi %parallel_loop3A_309, %parallel_loop3A_346 : vector<16xi32>
      %parallel_loop3A_348 = arith.constant 1 : i32
      %parallel_loop3A_349 = vector.broadcast %parallel_loop3A_348 : i32 to vector<16xi32>
      %parallel_loop3A_350 = arith.addi %parallel_loop3A_310, %parallel_loop3A_349 : vector<16xi32>
      %parallel_loop3A_351 = arith.constant 1 : i32
      %parallel_loop3A_352 = vector.broadcast %parallel_loop3A_351 : i32 to vector<16xi32>
      %parallel_loop3A_353 = arith.addi %parallel_loop3A_311, %parallel_loop3A_352 : vector<16xi32>
      scf.yield %parallel_loop3A_323, %parallel_loop3A_328, %parallel_loop3A_333, %parallel_loop3A_338, %parallel_loop3A_341, %parallel_loop3A_344, %parallel_loop3A_347, %parallel_loop3A_350, %parallel_loop3A_353 : vector<16xf32>, vector<16xf32>, vector<16xf32>, vector<16xf32>, vector<16xi32>, vector<16xi32>, vector<16xi32>, vector<16xi32>, vector<16xi32>
    } {sc.loop_unroll_factor = 4 : i64, sc.parallel_access}
    %add3A_90 = arith.constant 32768 : i32
    %add3A_91 = arith.addi %mul3A_2, %add3A_90 : i32
    %dma_start3A_92 = tpu.memref_slice %arg4[%add3A_91] : memref<8388608xf32, #tpu.memory_space<hbm>> -> memref<32768xf32, #tpu.memory_space<hbm>>
    %dma_start3A_93 = tpu.memref_slice %arg4[%add3A_91] : memref<8388608xf32, #tpu.memory_space<hbm>> -> memref<32768xf32, #tpu.memory_space<hbm>>
    tpu.enqueue_dma source(%arg7 : memref<32768xf32, #tpu.memory_space<vmem>>) target(%dma_start3A_93 : memref<32768xf32, #tpu.memory_space<hbm>>) target_semaphore(%arg11 : memref<!tpu.dma_semaphore, #tpu.memory_space<semaphore_mem>>)
    %dma_wait3A_94 = tpu.memref_slice %arg4[%add3A_91] : memref<8388608xf32, #tpu.memory_space<hbm>> -> memref<32768xf32, #tpu.memory_space<hbm>>
    %dma_wait3A_95 = tpu.memref_slice %arg4[%add3A_91] : memref<8388608xf32, #tpu.memory_space<hbm>> -> memref<32768xf32, #tpu.memory_space<hbm>>
    tpu.wait_dma2 semaphore(%arg11 : memref<!tpu.dma_semaphore, #tpu.memory_space<semaphore_mem>>) src(%arg7 : memref<32768xf32, #tpu.memory_space<vmem>>) dst(%dma_wait3A_95 : memref<32768xf32, #tpu.memory_space<hbm>>)
    %add3A_96 = arith.constant 98304 : i32
    %add3A_97 = arith.addi %mul3A_2, %add3A_96 : i32
    %dma_start3A_98 = tpu.memref_slice %arg2[%add3A_97] : memref<8388608xf32, #tpu.memory_space<hbm>> -> memref<32768xf32, #tpu.memory_space<hbm>>
    %dma_start3A_99 = tpu.memref_slice %arg2[%add3A_97] : memref<8388608xf32, #tpu.memory_space<hbm>> -> memref<32768xf32, #tpu.memory_space<hbm>>
    tpu.enqueue_dma source(%dma_start3A_99 : memref<32768xf32, #tpu.memory_space<hbm>>) target(%arg7 : memref<32768xf32, #tpu.memory_space<vmem>>) target_semaphore(%arg9 : memref<!tpu.dma_semaphore, #tpu.memory_space<semaphore_mem>>)
    %dma_wait3A_100 = tpu.memref_slice %arg2[%add3A_62] : memref<8388608xf32, #tpu.memory_space<hbm>> -> memref<32768xf32, #tpu.memory_space<hbm>>
    %dma_wait3A_101 = tpu.memref_slice %arg2[%add3A_62] : memref<8388608xf32, #tpu.memory_space<hbm>> -> memref<32768xf32, #tpu.memory_space<hbm>>
    tpu.wait_dma2 semaphore(%arg8 : memref<!tpu.dma_semaphore, #tpu.memory_space<semaphore_mem>>) src(%dma_wait3A_101 : memref<32768xf32, #tpu.memory_space<hbm>>) dst(%arg6 : memref<32768xf32, #tpu.memory_space<vmem>>)
    %get3A_102 = arith.constant 1 : i32
    %get3A_103 = arith.index_cast %get3A_102 : i32 to index
    %get3A_104 = arith.constant 0 : index
    %get3A_105 = tpu.vector_load %arg5[%get3A_103, %get3A_104] {strides = array<i32>} : memref<4x128xf32, #tpu.memory_space<vmem>>, vector<16xf32>,
    %get3A_106 = arith.constant 1 : i32
    %get3A_107 = arith.index_cast %get3A_106 : i32 to index
    %get3A_108 = arith.constant 16 : index
    %get3A_109 = tpu.vector_load %arg5[%get3A_107, %get3A_108] {strides = array<i32>} : memref<4x128xf32, #tpu.memory_space<vmem>>, vector<16xf32>,
    %get3A_110 = arith.constant 1 : i32
    %get3A_111 = arith.index_cast %get3A_110 : i32 to index
    %get3A_112 = arith.constant 32 : index
    %get3A_113 = tpu.vector_load %arg5[%get3A_111, %get3A_112] {strides = array<i32>} : memref<4x128xf32, #tpu.memory_space<vmem>>, vector<16xf32>,
    %get3A_114 = arith.constant 1 : i32
    %get3A_115 = arith.index_cast %get3A_114 : i32 to index
    %get3A_116 = arith.constant 48 : index
    %get3A_117 = tpu.vector_load %arg5[%get3A_115, %get3A_116] {strides = array<i32>} : memref<4x128xf32, #tpu.memory_space<vmem>>, vector<16xf32>,
    %neg3A_118 = arith.constant 0 : i32
    %neg3A_119 = vector.broadcast %neg3A_118 : i32 to vector<16xi32>
    %neg3A_120 = arith.subi %neg3A_119, %iota3A : vector<16xi32>
    %parallel_loop3A_121 = arith.constant 0 : i32
    %parallel_loop3A_122 = arith.constant 527 : i32
    %parallel_loop3A_123 = arith.constant 1 : i32
    %parallel_loop3A_124:9 = scf.for %parallel_loop3A_302 = %parallel_loop3A_121 to %parallel_loop3A_122 step %parallel_loop3A_123 iter_args(%parallel_loop3A_303 = %get3A_105, %parallel_loop3A_304 = %get3A_109, %parallel_loop3A_305 = %get3A_113, %parallel_loop3A_306 = %get3A_117, %parallel_loop3A_307 = %add3A_10, %parallel_loop3A_308 = %add3A_16, %parallel_loop3A_309 = %add3A_22, %parallel_loop3A_310 = %add3A_28, %parallel_loop3A_311 = %neg3A_120) -> (vector<16xf32>, vector<16xf32>, vector<16xf32>, vector<16xf32>, vector<16xi32>, vector<16xi32>, vector<16xi32>, vector<16xi32>, vector<16xi32>)  : i32 {
      %parallel_loop3A_312 = arith.constant 0 : i32
      %parallel_loop3A_313 = vector.broadcast %parallel_loop3A_312 : i32 to vector<16xi32>
      %parallel_loop3A_314 = arith.cmpi sge, %parallel_loop3A_311, %parallel_loop3A_313 : vector<16xi32>
      %parallel_loop3A_315 = arith.constant 512 : i32
      %parallel_loop3A_316 = vector.broadcast %parallel_loop3A_315 : i32 to vector<16xi32>
      %parallel_loop3A_317 = arith.cmpi slt, %parallel_loop3A_311, %parallel_loop3A_316 : vector<16xi32>
      %parallel_loop3A_318 = arith.andi %parallel_loop3A_314, %parallel_loop3A_317 : vector<16xi1>
      %parallel_loop3A_319 = tpu.vector_load_idx %arg6[%parallel_loop3A_307] masked %parallel_loop3A_318 : memref<32768xf32, #tpu.memory_space<vmem>>[vector<16xi32>], vector<16xf32>, vector<16xi1>
      %parallel_loop3A_320 = arith.constant 0.000000e+00 : f32
      %parallel_loop3A_321 = vector.broadcast %parallel_loop3A_320 : f32 to vector<16xf32>
      %parallel_loop3A_322 = arith.select %parallel_loop3A_318, %parallel_loop3A_319, %parallel_loop3A_321 : vector<16xi1>, vector<16xf32>
      %parallel_loop3A_323 = arith.addf %parallel_loop3A_303, %parallel_loop3A_322 : vector<16xf32>
      tpu.vector_store_idx %arg6[%parallel_loop3A_307], %parallel_loop3A_323 masked %parallel_loop3A_318 : memref<32768xf32, #tpu.memory_space<vmem>>[vector<16xi32>], vector<16xf32>, vector<16xi1>
      %parallel_loop3A_324 = tpu.vector_load_idx %arg6[%parallel_loop3A_308] masked %parallel_loop3A_318 : memref<32768xf32, #tpu.memory_space<vmem>>[vector<16xi32>], vector<16xf32>, vector<16xi1>
      %parallel_loop3A_325 = arith.constant 0.000000e+00 : f32
      %parallel_loop3A_326 = vector.broadcast %parallel_loop3A_325 : f32 to vector<16xf32>
      %parallel_loop3A_327 = arith.select %parallel_loop3A_318, %parallel_loop3A_324, %parallel_loop3A_326 : vector<16xi1>, vector<16xf32>
      %parallel_loop3A_328 = arith.addf %parallel_loop3A_304, %parallel_loop3A_327 : vector<16xf32>
      tpu.vector_store_idx %arg6[%parallel_loop3A_308], %parallel_loop3A_328 masked %parallel_loop3A_318 : memref<32768xf32, #tpu.memory_space<vmem>>[vector<16xi32>], vector<16xf32>, vector<16xi1>
      %parallel_loop3A_329 = tpu.vector_load_idx %arg6[%parallel_loop3A_309] masked %parallel_loop3A_318 : memref<32768xf32, #tpu.memory_space<vmem>>[vector<16xi32>], vector<16xf32>, vector<16xi1>
      %parallel_loop3A_330 = arith.constant 0.000000e+00 : f32
      %parallel_loop3A_331 = vector.broadcast %parallel_loop3A_330 : f32 to vector<16xf32>
      %parallel_loop3A_332 = arith.select %parallel_loop3A_318, %parallel_loop3A_329, %parallel_loop3A_331 : vector<16xi1>, vector<16xf32>
      %parallel_loop3A_333 = arith.addf %parallel_loop3A_305, %parallel_loop3A_332 : vector<16xf32>
      tpu.vector_store_idx %arg6[%parallel_loop3A_309], %parallel_loop3A_333 masked %parallel_loop3A_318 : memref<32768xf32, #tpu.memory_space<vmem>>[vector<16xi32>], vector<16xf32>, vector<16xi1>
      %parallel_loop3A_334 = tpu.vector_load_idx %arg6[%parallel_loop3A_310] masked %parallel_loop3A_318 : memref<32768xf32, #tpu.memory_space<vmem>>[vector<16xi32>], vector<16xf32>, vector<16xi1>
      %parallel_loop3A_335 = arith.constant 0.000000e+00 : f32
      %parallel_loop3A_336 = vector.broadcast %parallel_loop3A_335 : f32 to vector<16xf32>
      %parallel_loop3A_337 = arith.select %parallel_loop3A_318, %parallel_loop3A_334, %parallel_loop3A_336 : vector<16xi1>, vector<16xf32>
      %parallel_loop3A_338 = arith.addf %parallel_loop3A_306, %parallel_loop3A_337 : vector<16xf32>
      tpu.vector_store_idx %arg6[%parallel_loop3A_310], %parallel_loop3A_338 masked %parallel_loop3A_318 : memref<32768xf32, #tpu.memory_space<vmem>>[vector<16xi32>], vector<16xf32>, vector<16xi1>
      %parallel_loop3A_339 = arith.constant 1 : i32
      %parallel_loop3A_340 = vector.broadcast %parallel_loop3A_339 : i32 to vector<16xi32>
      %parallel_loop3A_341 = arith.addi %parallel_loop3A_307, %parallel_loop3A_340 : vector<16xi32>
      %parallel_loop3A_342 = arith.constant 1 : i32
      %parallel_loop3A_343 = vector.broadcast %parallel_loop3A_342 : i32 to vector<16xi32>
      %parallel_loop3A_344 = arith.addi %parallel_loop3A_308, %parallel_loop3A_343 : vector<16xi32>
      %parallel_loop3A_345 = arith.constant 1 : i32
      %parallel_loop3A_346 = vector.broadcast %parallel_loop3A_345 : i32 to vector<16xi32>
      %parallel_loop3A_347 = arith.addi %parallel_loop3A_309, %parallel_loop3A_346 : vector<16xi32>
      %parallel_loop3A_348 = arith.constant 1 : i32
      %parallel_loop3A_349 = vector.broadcast %parallel_loop3A_348 : i32 to vector<16xi32>
      %parallel_loop3A_350 = arith.addi %parallel_loop3A_310, %parallel_loop3A_349 : vector<16xi32>
      %parallel_loop3A_351 = arith.constant 1 : i32
      %parallel_loop3A_352 = vector.broadcast %parallel_loop3A_351 : i32 to vector<16xi32>
      %parallel_loop3A_353 = arith.addi %parallel_loop3A_311, %parallel_loop3A_352 : vector<16xi32>
      scf.yield %parallel_loop3A_323, %parallel_loop3A_328, %parallel_loop3A_333, %parallel_loop3A_338, %parallel_loop3A_341, %parallel_loop3A_344, %parallel_loop3A_347, %parallel_loop3A_350, %parallel_loop3A_353 : vector<16xf32>, vector<16xf32>, vector<16xf32>, vector<16xf32>, vector<16xi32>, vector<16xi32>, vector<16xi32>, vector<16xi32>, vector<16xi32>
    } {sc.loop_unroll_factor = 4 : i64, sc.parallel_access}
    %add3A_125 = arith.constant 65536 : i32
    %add3A_126 = arith.addi %mul3A_2, %add3A_125 : i32
    %dma_start3A_127 = tpu.memref_slice %arg4[%add3A_126] : memref<8388608xf32, #tpu.memory_space<hbm>> -> memref<32768xf32, #tpu.memory_space<hbm>>
    %dma_start3A_128 = tpu.memref_slice %arg4[%add3A_126] : memref<8388608xf32, #tpu.memory_space<hbm>> -> memref<32768xf32, #tpu.memory_space<hbm>>
    tpu.enqueue_dma source(%arg6 : memref<32768xf32, #tpu.memory_space<vmem>>) target(%dma_start3A_128 : memref<32768xf32, #tpu.memory_space<hbm>>) target_semaphore(%arg10 : memref<!tpu.dma_semaphore, #tpu.memory_space<semaphore_mem>>)
    %dma_wait3A_129 = tpu.memref_slice %arg4[%add3A_126] : memref<8388608xf32, #tpu.memory_space<hbm>> -> memref<32768xf32, #tpu.memory_space<hbm>>
    %dma_wait3A_130 = tpu.memref_slice %arg4[%add3A_126] : memref<8388608xf32, #tpu.memory_space<hbm>> -> memref<32768xf32, #tpu.memory_space<hbm>>
    tpu.wait_dma2 semaphore(%arg10 : memref<!tpu.dma_semaphore, #tpu.memory_space<semaphore_mem>>) src(%arg6 : memref<32768xf32, #tpu.memory_space<vmem>>) dst(%dma_wait3A_130 : memref<32768xf32, #tpu.memory_space<hbm>>)
    %add3A_131 = arith.constant 131072 : i32
    %add3A_132 = arith.addi %mul3A_2, %add3A_131 : i32
    %dma_start3A_133 = tpu.memref_slice %arg2[%add3A_132] : memref<8388608xf32, #tpu.memory_space<hbm>> -> memref<32768xf32, #tpu.memory_space<hbm>>
    %dma_start3A_134 = tpu.memref_slice %arg2[%add3A_132] : memref<8388608xf32, #tpu.memory_space<hbm>> -> memref<32768xf32, #tpu.memory_space<hbm>>
    tpu.enqueue_dma source(%dma_start3A_134 : memref<32768xf32, #tpu.memory_space<hbm>>) target(%arg6 : memref<32768xf32, #tpu.memory_space<vmem>>) target_semaphore(%arg8 : memref<!tpu.dma_semaphore, #tpu.memory_space<semaphore_mem>>)
    %dma_wait3A_135 = tpu.memref_slice %arg2[%add3A_97] : memref<8388608xf32, #tpu.memory_space<hbm>> -> memref<32768xf32, #tpu.memory_space<hbm>>
    %dma_wait3A_136 = tpu.memref_slice %arg2[%add3A_97] : memref<8388608xf32, #tpu.memory_space<hbm>> -> memref<32768xf32, #tpu.memory_space<hbm>>
    tpu.wait_dma2 semaphore(%arg9 : memref<!tpu.dma_semaphore, #tpu.memory_space<semaphore_mem>>) src(%dma_wait3A_136 : memref<32768xf32, #tpu.memory_space<hbm>>) dst(%arg7 : memref<32768xf32, #tpu.memory_space<vmem>>)
    %get3A_137 = arith.constant 1 : i32
    %get3A_138 = arith.index_cast %get3A_137 : i32 to index
    %get3A_139 = arith.constant 64 : index
    %get3A_140 = tpu.vector_load %arg5[%get3A_138, %get3A_139] {strides = array<i32>} : memref<4x128xf32, #tpu.memory_space<vmem>>, vector<16xf32>,
    %get3A_141 = arith.constant 1 : i32
    %get3A_142 = arith.index_cast %get3A_141 : i32 to index
    %get3A_143 = arith.constant 80 : index
    %get3A_144 = tpu.vector_load %arg5[%get3A_142, %get3A_143] {strides = array<i32>} : memref<4x128xf32, #tpu.memory_space<vmem>>, vector<16xf32>,
    %get3A_145 = arith.constant 1 : i32
    %get3A_146 = arith.index_cast %get3A_145 : i32 to index
    %get3A_147 = arith.constant 96 : index
    %get3A_148 = tpu.vector_load %arg5[%get3A_146, %get3A_147] {strides = array<i32>} : memref<4x128xf32, #tpu.memory_space<vmem>>, vector<16xf32>,
    %get3A_149 = arith.constant 1 : i32
    %get3A_150 = arith.index_cast %get3A_149 : i32 to index
    %get3A_151 = arith.constant 112 : index
    %get3A_152 = tpu.vector_load %arg5[%get3A_150, %get3A_151] {strides = array<i32>} : memref<4x128xf32, #tpu.memory_space<vmem>>, vector<16xf32>,
    %neg3A_153 = arith.constant 0 : i32
    %neg3A_154 = vector.broadcast %neg3A_153 : i32 to vector<16xi32>
    %neg3A_155 = arith.subi %neg3A_154, %iota3A : vector<16xi32>
    %parallel_loop3A_156 = arith.constant 0 : i32
    %parallel_loop3A_157 = arith.constant 527 : i32
    %parallel_loop3A_158 = arith.constant 1 : i32
    %parallel_loop3A_159:9 = scf.for %parallel_loop3A_302 = %parallel_loop3A_156 to %parallel_loop3A_157 step %parallel_loop3A_158 iter_args(%parallel_loop3A_303 = %get3A_140, %parallel_loop3A_304 = %get3A_144, %parallel_loop3A_305 = %get3A_148, %parallel_loop3A_306 = %get3A_152, %parallel_loop3A_307 = %add3A_10, %parallel_loop3A_308 = %add3A_16, %parallel_loop3A_309 = %add3A_22, %parallel_loop3A_310 = %add3A_28, %parallel_loop3A_311 = %neg3A_155) -> (vector<16xf32>, vector<16xf32>, vector<16xf32>, vector<16xf32>, vector<16xi32>, vector<16xi32>, vector<16xi32>, vector<16xi32>, vector<16xi32>)  : i32 {
      %parallel_loop3A_312 = arith.constant 0 : i32
      %parallel_loop3A_313 = vector.broadcast %parallel_loop3A_312 : i32 to vector<16xi32>
      %parallel_loop3A_314 = arith.cmpi sge, %parallel_loop3A_311, %parallel_loop3A_313 : vector<16xi32>
      %parallel_loop3A_315 = arith.constant 512 : i32
      %parallel_loop3A_316 = vector.broadcast %parallel_loop3A_315 : i32 to vector<16xi32>
      %parallel_loop3A_317 = arith.cmpi slt, %parallel_loop3A_311, %parallel_loop3A_316 : vector<16xi32>
      %parallel_loop3A_318 = arith.andi %parallel_loop3A_314, %parallel_loop3A_317 : vector<16xi1>
      %parallel_loop3A_319 = tpu.vector_load_idx %arg7[%parallel_loop3A_307] masked %parallel_loop3A_318 : memref<32768xf32, #tpu.memory_space<vmem>>[vector<16xi32>], vector<16xf32>, vector<16xi1>
      %parallel_loop3A_320 = arith.constant 0.000000e+00 : f32
      %parallel_loop3A_321 = vector.broadcast %parallel_loop3A_320 : f32 to vector<16xf32>
      %parallel_loop3A_322 = arith.select %parallel_loop3A_318, %parallel_loop3A_319, %parallel_loop3A_321 : vector<16xi1>, vector<16xf32>
      %parallel_loop3A_323 = arith.addf %parallel_loop3A_303, %parallel_loop3A_322 : vector<16xf32>
      tpu.vector_store_idx %arg7[%parallel_loop3A_307], %parallel_loop3A_323 masked %parallel_loop3A_318 : memref<32768xf32, #tpu.memory_space<vmem>>[vector<16xi32>], vector<16xf32>, vector<16xi1>
      %parallel_loop3A_324 = tpu.vector_load_idx %arg7[%parallel_loop3A_308] masked %parallel_loop3A_318 : memref<32768xf32, #tpu.memory_space<vmem>>[vector<16xi32>], vector<16xf32>, vector<16xi1>
      %parallel_loop3A_325 = arith.constant 0.000000e+00 : f32
      %parallel_loop3A_326 = vector.broadcast %parallel_loop3A_325 : f32 to vector<16xf32>
      %parallel_loop3A_327 = arith.select %parallel_loop3A_318, %parallel_loop3A_324, %parallel_loop3A_326 : vector<16xi1>, vector<16xf32>
      %parallel_loop3A_328 = arith.addf %parallel_loop3A_304, %parallel_loop3A_327 : vector<16xf32>
      tpu.vector_store_idx %arg7[%parallel_loop3A_308], %parallel_loop3A_328 masked %parallel_loop3A_318 : memref<32768xf32, #tpu.memory_space<vmem>>[vector<16xi32>], vector<16xf32>, vector<16xi1>
      %parallel_loop3A_329 = tpu.vector_load_idx %arg7[%parallel_loop3A_309] masked %parallel_loop3A_318 : memref<32768xf32, #tpu.memory_space<vmem>>[vector<16xi32>], vector<16xf32>, vector<16xi1>
      %parallel_loop3A_330 = arith.constant 0.000000e+00 : f32
      %parallel_loop3A_331 = vector.broadcast %parallel_loop3A_330 : f32 to vector<16xf32>
      %parallel_loop3A_332 = arith.select %parallel_loop3A_318, %parallel_loop3A_329, %parallel_loop3A_331 : vector<16xi1>, vector<16xf32>
      %parallel_loop3A_333 = arith.addf %parallel_loop3A_305, %parallel_loop3A_332 : vector<16xf32>
      tpu.vector_store_idx %arg7[%parallel_loop3A_309], %parallel_loop3A_333 masked %parallel_loop3A_318 : memref<32768xf32, #tpu.memory_space<vmem>>[vector<16xi32>], vector<16xf32>, vector<16xi1>
      %parallel_loop3A_334 = tpu.vector_load_idx %arg7[%parallel_loop3A_310] masked %parallel_loop3A_318 : memref<32768xf32, #tpu.memory_space<vmem>>[vector<16xi32>], vector<16xf32>, vector<16xi1>
      %parallel_loop3A_335 = arith.constant 0.000000e+00 : f32
      %parallel_loop3A_336 = vector.broadcast %parallel_loop3A_335 : f32 to vector<16xf32>
      %parallel_loop3A_337 = arith.select %parallel_loop3A_318, %parallel_loop3A_334, %parallel_loop3A_336 : vector<16xi1>, vector<16xf32>
      %parallel_loop3A_338 = arith.addf %parallel_loop3A_306, %parallel_loop3A_337 : vector<16xf32>
      tpu.vector_store_idx %arg7[%parallel_loop3A_310], %parallel_loop3A_338 masked %parallel_loop3A_318 : memref<32768xf32, #tpu.memory_space<vmem>>[vector<16xi32>], vector<16xf32>, vector<16xi1>
      %parallel_loop3A_339 = arith.constant 1 : i32
      %parallel_loop3A_340 = vector.broadcast %parallel_loop3A_339 : i32 to vector<16xi32>
      %parallel_loop3A_341 = arith.addi %parallel_loop3A_307, %parallel_loop3A_340 : vector<16xi32>
      %parallel_loop3A_342 = arith.constant 1 : i32
      %parallel_loop3A_343 = vector.broadcast %parallel_loop3A_342 : i32 to vector<16xi32>
      %parallel_loop3A_344 = arith.addi %parallel_loop3A_308, %parallel_loop3A_343 : vector<16xi32>
      %parallel_loop3A_345 = arith.constant 1 : i32
      %parallel_loop3A_346 = vector.broadcast %parallel_loop3A_345 : i32 to vector<16xi32>
      %parallel_loop3A_347 = arith.addi %parallel_loop3A_309, %parallel_loop3A_346 : vector<16xi32>
      %parallel_loop3A_348 = arith.constant 1 : i32
      %parallel_loop3A_349 = vector.broadcast %parallel_loop3A_348 : i32 to vector<16xi32>
      %parallel_loop3A_350 = arith.addi %parallel_loop3A_310, %parallel_loop3A_349 : vector<16xi32>
      %parallel_loop3A_351 = arith.constant 1 : i32
      %parallel_loop3A_352 = vector.broadcast %parallel_loop3A_351 : i32 to vector<16xi32>
      %parallel_loop3A_353 = arith.addi %parallel_loop3A_311, %parallel_loop3A_352 : vector<16xi32>
      scf.yield %parallel_loop3A_323, %parallel_loop3A_328, %parallel_loop3A_333, %parallel_loop3A_338, %parallel_loop3A_341, %parallel_loop3A_344, %parallel_loop3A_347, %parallel_loop3A_350, %parallel_loop3A_353 : vector<16xf32>, vector<16xf32>, vector<16xf32>, vector<16xf32>, vector<16xi32>, vector<16xi32>, vector<16xi32>, vector<16xi32>, vector<16xi32>
    } {sc.loop_unroll_factor = 4 : i64, sc.parallel_access}
    %add3A_160 = arith.constant 98304 : i32
    %add3A_161 = arith.addi %mul3A_2, %add3A_160 : i32
    %dma_start3A_162 = tpu.memref_slice %arg4[%add3A_161] : memref<8388608xf32, #tpu.memory_space<hbm>> -> memref<32768xf32, #tpu.memory_space<hbm>>
    %dma_start3A_163 = tpu.memref_slice %arg4[%add3A_161] : memref<8388608xf32, #tpu.memory_space<hbm>> -> memref<32768xf32, #tpu.memory_space<hbm>>
    tpu.enqueue_dma source(%arg7 : memref<32768xf32, #tpu.memory_space<vmem>>) target(%dma_start3A_163 : memref<32768xf32, #tpu.memory_space<hbm>>) target_semaphore(%arg11 : memref<!tpu.dma_semaphore, #tpu.memory_space<semaphore_mem>>)
    %dma_wait3A_164 = tpu.memref_slice %arg4[%add3A_161] : memref<8388608xf32, #tpu.memory_space<hbm>> -> memref<32768xf32, #tpu.memory_space<hbm>>
    %dma_wait3A_165 = tpu.memref_slice %arg4[%add3A_161] : memref<8388608xf32, #tpu.memory_space<hbm>> -> memref<32768xf32, #tpu.memory_space<hbm>>
    tpu.wait_dma2 semaphore(%arg11 : memref<!tpu.dma_semaphore, #tpu.memory_space<semaphore_mem>>) src(%arg7 : memref<32768xf32, #tpu.memory_space<vmem>>) dst(%dma_wait3A_165 : memref<32768xf32, #tpu.memory_space<hbm>>)
    %add3A_166 = arith.constant 163840 : i32
    %add3A_167 = arith.addi %mul3A_2, %add3A_166 : i32
    %dma_start3A_168 = tpu.memref_slice %arg2[%add3A_167] : memref<8388608xf32, #tpu.memory_space<hbm>> -> memref<32768xf32, #tpu.memory_space<hbm>>
    %dma_start3A_169 = tpu.memref_slice %arg2[%add3A_167] : memref<8388608xf32, #tpu.memory_space<hbm>> -> memref<32768xf32, #tpu.memory_space<hbm>>
    tpu.enqueue_dma source(%dma_start3A_169 : memref<32768xf32, #tpu.memory_space<hbm>>) target(%arg7 : memref<32768xf32, #tpu.memory_space<vmem>>) target_semaphore(%arg9 : memref<!tpu.dma_semaphore, #tpu.memory_space<semaphore_mem>>)
    %dma_wait3A_170 = tpu.memref_slice %arg2[%add3A_132] : memref<8388608xf32, #tpu.memory_space<hbm>> -> memref<32768xf32, #tpu.memory_space<hbm>>
    %dma_wait3A_171 = tpu.memref_slice %arg2[%add3A_132] : memref<8388608xf32, #tpu.memory_space<hbm>> -> memref<32768xf32, #tpu.memory_space<hbm>>
    tpu.wait_dma2 semaphore(%arg8 : memref<!tpu.dma_semaphore, #tpu.memory_space<semaphore_mem>>) src(%dma_wait3A_171 : memref<32768xf32, #tpu.memory_space<hbm>>) dst(%arg6 : memref<32768xf32, #tpu.memory_space<vmem>>)
    %get3A_172 = arith.constant 2 : i32
    %get3A_173 = arith.index_cast %get3A_172 : i32 to index
    %get3A_174 = arith.constant 0 : index
    %get3A_175 = tpu.vector_load %arg5[%get3A_173, %get3A_174] {strides = array<i32>} : memref<4x128xf32, #tpu.memory_space<vmem>>, vector<16xf32>,
    %get3A_176 = arith.constant 2 : i32
    %get3A_177 = arith.index_cast %get3A_176 : i32 to index
    %get3A_178 = arith.constant 16 : index
    %get3A_179 = tpu.vector_load %arg5[%get3A_177, %get3A_178] {strides = array<i32>} : memref<4x128xf32, #tpu.memory_space<vmem>>, vector<16xf32>,
    %get3A_180 = arith.constant 2 : i32
    %get3A_181 = arith.index_cast %get3A_180 : i32 to index
    %get3A_182 = arith.constant 32 : index
    %get3A_183 = tpu.vector_load %arg5[%get3A_181, %get3A_182] {strides = array<i32>} : memref<4x128xf32, #tpu.memory_space<vmem>>, vector<16xf32>,
    %get3A_184 = arith.constant 2 : i32
    %get3A_185 = arith.index_cast %get3A_184 : i32 to index
    %get3A_186 = arith.constant 48 : index
    %get3A_187 = tpu.vector_load %arg5[%get3A_185, %get3A_186] {strides = array<i32>} : memref<4x128xf32, #tpu.memory_space<vmem>>, vector<16xf32>,
    %neg3A_188 = arith.constant 0 : i32
    %neg3A_189 = vector.broadcast %neg3A_188 : i32 to vector<16xi32>
    %neg3A_190 = arith.subi %neg3A_189, %iota3A : vector<16xi32>
    %parallel_loop3A_191 = arith.constant 0 : i32
    %parallel_loop3A_192 = arith.constant 527 : i32
    %parallel_loop3A_193 = arith.constant 1 : i32
    %parallel_loop3A_194:9 = scf.for %parallel_loop3A_302 = %parallel_loop3A_191 to %parallel_loop3A_192 step %parallel_loop3A_193 iter_args(%parallel_loop3A_303 = %get3A_175, %parallel_loop3A_304 = %get3A_179, %parallel_loop3A_305 = %get3A_183, %parallel_loop3A_306 = %get3A_187, %parallel_loop3A_307 = %add3A_10, %parallel_loop3A_308 = %add3A_16, %parallel_loop3A_309 = %add3A_22, %parallel_loop3A_310 = %add3A_28, %parallel_loop3A_311 = %neg3A_190) -> (vector<16xf32>, vector<16xf32>, vector<16xf32>, vector<16xf32>, vector<16xi32>, vector<16xi32>, vector<16xi32>, vector<16xi32>, vector<16xi32>)  : i32 {
      %parallel_loop3A_312 = arith.constant 0 : i32
      %parallel_loop3A_313 = vector.broadcast %parallel_loop3A_312 : i32 to vector<16xi32>
      %parallel_loop3A_314 = arith.cmpi sge, %parallel_loop3A_311, %parallel_loop3A_313 : vector<16xi32>
      %parallel_loop3A_315 = arith.constant 512 : i32
      %parallel_loop3A_316 = vector.broadcast %parallel_loop3A_315 : i32 to vector<16xi32>
      %parallel_loop3A_317 = arith.cmpi slt, %parallel_loop3A_311, %parallel_loop3A_316 : vector<16xi32>
      %parallel_loop3A_318 = arith.andi %parallel_loop3A_314, %parallel_loop3A_317 : vector<16xi1>
      %parallel_loop3A_319 = tpu.vector_load_idx %arg6[%parallel_loop3A_307] masked %parallel_loop3A_318 : memref<32768xf32, #tpu.memory_space<vmem>>[vector<16xi32>], vector<16xf32>, vector<16xi1>
      %parallel_loop3A_320 = arith.constant 0.000000e+00 : f32
      %parallel_loop3A_321 = vector.broadcast %parallel_loop3A_320 : f32 to vector<16xf32>
      %parallel_loop3A_322 = arith.select %parallel_loop3A_318, %parallel_loop3A_319, %parallel_loop3A_321 : vector<16xi1>, vector<16xf32>
      %parallel_loop3A_323 = arith.addf %parallel_loop3A_303, %parallel_loop3A_322 : vector<16xf32>
      tpu.vector_store_idx %arg6[%parallel_loop3A_307], %parallel_loop3A_323 masked %parallel_loop3A_318 : memref<32768xf32, #tpu.memory_space<vmem>>[vector<16xi32>], vector<16xf32>, vector<16xi1>
      %parallel_loop3A_324 = tpu.vector_load_idx %arg6[%parallel_loop3A_308] masked %parallel_loop3A_318 : memref<32768xf32, #tpu.memory_space<vmem>>[vector<16xi32>], vector<16xf32>, vector<16xi1>
      %parallel_loop3A_325 = arith.constant 0.000000e+00 : f32
      %parallel_loop3A_326 = vector.broadcast %parallel_loop3A_325 : f32 to vector<16xf32>
      %parallel_loop3A_327 = arith.select %parallel_loop3A_318, %parallel_loop3A_324, %parallel_loop3A_326 : vector<16xi1>, vector<16xf32>
      %parallel_loop3A_328 = arith.addf %parallel_loop3A_304, %parallel_loop3A_327 : vector<16xf32>
      tpu.vector_store_idx %arg6[%parallel_loop3A_308], %parallel_loop3A_328 masked %parallel_loop3A_318 : memref<32768xf32, #tpu.memory_space<vmem>>[vector<16xi32>], vector<16xf32>, vector<16xi1>
      %parallel_loop3A_329 = tpu.vector_load_idx %arg6[%parallel_loop3A_309] masked %parallel_loop3A_318 : memref<32768xf32, #tpu.memory_space<vmem>>[vector<16xi32>], vector<16xf32>, vector<16xi1>
      %parallel_loop3A_330 = arith.constant 0.000000e+00 : f32
      %parallel_loop3A_331 = vector.broadcast %parallel_loop3A_330 : f32 to vector<16xf32>
      %parallel_loop3A_332 = arith.select %parallel_loop3A_318, %parallel_loop3A_329, %parallel_loop3A_331 : vector<16xi1>, vector<16xf32>
      %parallel_loop3A_333 = arith.addf %parallel_loop3A_305, %parallel_loop3A_332 : vector<16xf32>
      tpu.vector_store_idx %arg6[%parallel_loop3A_309], %parallel_loop3A_333 masked %parallel_loop3A_318 : memref<32768xf32, #tpu.memory_space<vmem>>[vector<16xi32>], vector<16xf32>, vector<16xi1>
      %parallel_loop3A_334 = tpu.vector_load_idx %arg6[%parallel_loop3A_310] masked %parallel_loop3A_318 : memref<32768xf32, #tpu.memory_space<vmem>>[vector<16xi32>], vector<16xf32>, vector<16xi1>
      %parallel_loop3A_335 = arith.constant 0.000000e+00 : f32
      %parallel_loop3A_336 = vector.broadcast %parallel_loop3A_335 : f32 to vector<16xf32>
      %parallel_loop3A_337 = arith.select %parallel_loop3A_318, %parallel_loop3A_334, %parallel_loop3A_336 : vector<16xi1>, vector<16xf32>
      %parallel_loop3A_338 = arith.addf %parallel_loop3A_306, %parallel_loop3A_337 : vector<16xf32>
      tpu.vector_store_idx %arg6[%parallel_loop3A_310], %parallel_loop3A_338 masked %parallel_loop3A_318 : memref<32768xf32, #tpu.memory_space<vmem>>[vector<16xi32>], vector<16xf32>, vector<16xi1>
      %parallel_loop3A_339 = arith.constant 1 : i32
      %parallel_loop3A_340 = vector.broadcast %parallel_loop3A_339 : i32 to vector<16xi32>
      %parallel_loop3A_341 = arith.addi %parallel_loop3A_307, %parallel_loop3A_340 : vector<16xi32>
      %parallel_loop3A_342 = arith.constant 1 : i32
      %parallel_loop3A_343 = vector.broadcast %parallel_loop3A_342 : i32 to vector<16xi32>
      %parallel_loop3A_344 = arith.addi %parallel_loop3A_308, %parallel_loop3A_343 : vector<16xi32>
      %parallel_loop3A_345 = arith.constant 1 : i32
      %parallel_loop3A_346 = vector.broadcast %parallel_loop3A_345 : i32 to vector<16xi32>
      %parallel_loop3A_347 = arith.addi %parallel_loop3A_309, %parallel_loop3A_346 : vector<16xi32>
      %parallel_loop3A_348 = arith.constant 1 : i32
      %parallel_loop3A_349 = vector.broadcast %parallel_loop3A_348 : i32 to vector<16xi32>
      %parallel_loop3A_350 = arith.addi %parallel_loop3A_310, %parallel_loop3A_349 : vector<16xi32>
      %parallel_loop3A_351 = arith.constant 1 : i32
      %parallel_loop3A_352 = vector.broadcast %parallel_loop3A_351 : i32 to vector<16xi32>
      %parallel_loop3A_353 = arith.addi %parallel_loop3A_311, %parallel_loop3A_352 : vector<16xi32>
      scf.yield %parallel_loop3A_323, %parallel_loop3A_328, %parallel_loop3A_333, %parallel_loop3A_338, %parallel_loop3A_341, %parallel_loop3A_344, %parallel_loop3A_347, %parallel_loop3A_350, %parallel_loop3A_353 : vector<16xf32>, vector<16xf32>, vector<16xf32>, vector<16xf32>, vector<16xi32>, vector<16xi32>, vector<16xi32>, vector<16xi32>, vector<16xi32>
    } {sc.loop_unroll_factor = 4 : i64, sc.parallel_access}
    %add3A_195 = arith.constant 131072 : i32
    %add3A_196 = arith.addi %mul3A_2, %add3A_195 : i32
    %dma_start3A_197 = tpu.memref_slice %arg4[%add3A_196] : memref<8388608xf32, #tpu.memory_space<hbm>> -> memref<32768xf32, #tpu.memory_space<hbm>>
    %dma_start3A_198 = tpu.memref_slice %arg4[%add3A_196] : memref<8388608xf32, #tpu.memory_space<hbm>> -> memref<32768xf32, #tpu.memory_space<hbm>>
    tpu.enqueue_dma source(%arg6 : memref<32768xf32, #tpu.memory_space<vmem>>) target(%dma_start3A_198 : memref<32768xf32, #tpu.memory_space<hbm>>) target_semaphore(%arg10 : memref<!tpu.dma_semaphore, #tpu.memory_space<semaphore_mem>>)
    %dma_wait3A_199 = tpu.memref_slice %arg4[%add3A_196] : memref<8388608xf32, #tpu.memory_space<hbm>> -> memref<32768xf32, #tpu.memory_space<hbm>>
    %dma_wait3A_200 = tpu.memref_slice %arg4[%add3A_196] : memref<8388608xf32, #tpu.memory_space<hbm>> -> memref<32768xf32, #tpu.memory_space<hbm>>
    tpu.wait_dma2 semaphore(%arg10 : memref<!tpu.dma_semaphore, #tpu.memory_space<semaphore_mem>>) src(%arg6 : memref<32768xf32, #tpu.memory_space<vmem>>) dst(%dma_wait3A_200 : memref<32768xf32, #tpu.memory_space<hbm>>)
    %add3A_201 = arith.constant 196608 : i32
    %add3A_202 = arith.addi %mul3A_2, %add3A_201 : i32
    %dma_start3A_203 = tpu.memref_slice %arg2[%add3A_202] : memref<8388608xf32, #tpu.memory_space<hbm>> -> memref<32768xf32, #tpu.memory_space<hbm>>
    %dma_start3A_204 = tpu.memref_slice %arg2[%add3A_202] : memref<8388608xf32, #tpu.memory_space<hbm>> -> memref<32768xf32, #tpu.memory_space<hbm>>
    tpu.enqueue_dma source(%dma_start3A_204 : memref<32768xf32, #tpu.memory_space<hbm>>) target(%arg6 : memref<32768xf32, #tpu.memory_space<vmem>>) target_semaphore(%arg8 : memref<!tpu.dma_semaphore, #tpu.memory_space<semaphore_mem>>)
    %dma_wait3A_205 = tpu.memref_slice %arg2[%add3A_167] : memref<8388608xf32, #tpu.memory_space<hbm>> -> memref<32768xf32, #tpu.memory_space<hbm>>
    %dma_wait3A_206 = tpu.memref_slice %arg2[%add3A_167] : memref<8388608xf32, #tpu.memory_space<hbm>> -> memref<32768xf32, #tpu.memory_space<hbm>>
    tpu.wait_dma2 semaphore(%arg9 : memref<!tpu.dma_semaphore, #tpu.memory_space<semaphore_mem>>) src(%dma_wait3A_206 : memref<32768xf32, #tpu.memory_space<hbm>>) dst(%arg7 : memref<32768xf32, #tpu.memory_space<vmem>>)
    %get3A_207 = arith.constant 2 : i32
    %get3A_208 = arith.index_cast %get3A_207 : i32 to index
    %get3A_209 = arith.constant 64 : index
    %get3A_210 = tpu.vector_load %arg5[%get3A_208, %get3A_209] {strides = array<i32>} : memref<4x128xf32, #tpu.memory_space<vmem>>, vector<16xf32>,
    %get3A_211 = arith.constant 2 : i32
    %get3A_212 = arith.index_cast %get3A_211 : i32 to index
    %get3A_213 = arith.constant 80 : index
    %get3A_214 = tpu.vector_load %arg5[%get3A_212, %get3A_213] {strides = array<i32>} : memref<4x128xf32, #tpu.memory_space<vmem>>, vector<16xf32>,
    %get3A_215 = arith.constant 2 : i32
    %get3A_216 = arith.index_cast %get3A_215 : i32 to index
    %get3A_217 = arith.constant 96 : index
    %get3A_218 = tpu.vector_load %arg5[%get3A_216, %get3A_217] {strides = array<i32>} : memref<4x128xf32, #tpu.memory_space<vmem>>, vector<16xf32>,
    %get3A_219 = arith.constant 2 : i32
    %get3A_220 = arith.index_cast %get3A_219 : i32 to index
    %get3A_221 = arith.constant 112 : index
    %get3A_222 = tpu.vector_load %arg5[%get3A_220, %get3A_221] {strides = array<i32>} : memref<4x128xf32, #tpu.memory_space<vmem>>, vector<16xf32>,
    %neg3A_223 = arith.constant 0 : i32
    %neg3A_224 = vector.broadcast %neg3A_223 : i32 to vector<16xi32>
    %neg3A_225 = arith.subi %neg3A_224, %iota3A : vector<16xi32>
    %parallel_loop3A_226 = arith.constant 0 : i32
    %parallel_loop3A_227 = arith.constant 527 : i32
    %parallel_loop3A_228 = arith.constant 1 : i32
    %parallel_loop3A_229:9 = scf.for %parallel_loop3A_302 = %parallel_loop3A_226 to %parallel_loop3A_227 step %parallel_loop3A_228 iter_args(%parallel_loop3A_303 = %get3A_210, %parallel_loop3A_304 = %get3A_214, %parallel_loop3A_305 = %get3A_218, %parallel_loop3A_306 = %get3A_222, %parallel_loop3A_307 = %add3A_10, %parallel_loop3A_308 = %add3A_16, %parallel_loop3A_309 = %add3A_22, %parallel_loop3A_310 = %add3A_28, %parallel_loop3A_311 = %neg3A_225) -> (vector<16xf32>, vector<16xf32>, vector<16xf32>, vector<16xf32>, vector<16xi32>, vector<16xi32>, vector<16xi32>, vector<16xi32>, vector<16xi32>)  : i32 {
      %parallel_loop3A_312 = arith.constant 0 : i32
      %parallel_loop3A_313 = vector.broadcast %parallel_loop3A_312 : i32 to vector<16xi32>
      %parallel_loop3A_314 = arith.cmpi sge, %parallel_loop3A_311, %parallel_loop3A_313 : vector<16xi32>
      %parallel_loop3A_315 = arith.constant 512 : i32
      %parallel_loop3A_316 = vector.broadcast %parallel_loop3A_315 : i32 to vector<16xi32>
      %parallel_loop3A_317 = arith.cmpi slt, %parallel_loop3A_311, %parallel_loop3A_316 : vector<16xi32>
      %parallel_loop3A_318 = arith.andi %parallel_loop3A_314, %parallel_loop3A_317 : vector<16xi1>
      %parallel_loop3A_319 = tpu.vector_load_idx %arg7[%parallel_loop3A_307] masked %parallel_loop3A_318 : memref<32768xf32, #tpu.memory_space<vmem>>[vector<16xi32>], vector<16xf32>, vector<16xi1>
      %parallel_loop3A_320 = arith.constant 0.000000e+00 : f32
      %parallel_loop3A_321 = vector.broadcast %parallel_loop3A_320 : f32 to vector<16xf32>
      %parallel_loop3A_322 = arith.select %parallel_loop3A_318, %parallel_loop3A_319, %parallel_loop3A_321 : vector<16xi1>, vector<16xf32>
      %parallel_loop3A_323 = arith.addf %parallel_loop3A_303, %parallel_loop3A_322 : vector<16xf32>
      tpu.vector_store_idx %arg7[%parallel_loop3A_307], %parallel_loop3A_323 masked %parallel_loop3A_318 : memref<32768xf32, #tpu.memory_space<vmem>>[vector<16xi32>], vector<16xf32>, vector<16xi1>
      %parallel_loop3A_324 = tpu.vector_load_idx %arg7[%parallel_loop3A_308] masked %parallel_loop3A_318 : memref<32768xf32, #tpu.memory_space<vmem>>[vector<16xi32>], vector<16xf32>, vector<16xi1>
      %parallel_loop3A_325 = arith.constant 0.000000e+00 : f32
      %parallel_loop3A_326 = vector.broadcast %parallel_loop3A_325 : f32 to vector<16xf32>
      %parallel_loop3A_327 = arith.select %parallel_loop3A_318, %parallel_loop3A_324, %parallel_loop3A_326 : vector<16xi1>, vector<16xf32>
      %parallel_loop3A_328 = arith.addf %parallel_loop3A_304, %parallel_loop3A_327 : vector<16xf32>
      tpu.vector_store_idx %arg7[%parallel_loop3A_308], %parallel_loop3A_328 masked %parallel_loop3A_318 : memref<32768xf32, #tpu.memory_space<vmem>>[vector<16xi32>], vector<16xf32>, vector<16xi1>
      %parallel_loop3A_329 = tpu.vector_load_idx %arg7[%parallel_loop3A_309] masked %parallel_loop3A_318 : memref<32768xf32, #tpu.memory_space<vmem>>[vector<16xi32>], vector<16xf32>, vector<16xi1>
      %parallel_loop3A_330 = arith.constant 0.000000e+00 : f32
      %parallel_loop3A_331 = vector.broadcast %parallel_loop3A_330 : f32 to vector<16xf32>
      %parallel_loop3A_332 = arith.select %parallel_loop3A_318, %parallel_loop3A_329, %parallel_loop3A_331 : vector<16xi1>, vector<16xf32>
      %parallel_loop3A_333 = arith.addf %parallel_loop3A_305, %parallel_loop3A_332 : vector<16xf32>
      tpu.vector_store_idx %arg7[%parallel_loop3A_309], %parallel_loop3A_333 masked %parallel_loop3A_318 : memref<32768xf32, #tpu.memory_space<vmem>>[vector<16xi32>], vector<16xf32>, vector<16xi1>
      %parallel_loop3A_334 = tpu.vector_load_idx %arg7[%parallel_loop3A_310] masked %parallel_loop3A_318 : memref<32768xf32, #tpu.memory_space<vmem>>[vector<16xi32>], vector<16xf32>, vector<16xi1>
      %parallel_loop3A_335 = arith.constant 0.000000e+00 : f32
      %parallel_loop3A_336 = vector.broadcast %parallel_loop3A_335 : f32 to vector<16xf32>
      %parallel_loop3A_337 = arith.select %parallel_loop3A_318, %parallel_loop3A_334, %parallel_loop3A_336 : vector<16xi1>, vector<16xf32>
      %parallel_loop3A_338 = arith.addf %parallel_loop3A_306, %parallel_loop3A_337 : vector<16xf32>
      tpu.vector_store_idx %arg7[%parallel_loop3A_310], %parallel_loop3A_338 masked %parallel_loop3A_318 : memref<32768xf32, #tpu.memory_space<vmem>>[vector<16xi32>], vector<16xf32>, vector<16xi1>
      %parallel_loop3A_339 = arith.constant 1 : i32
      %parallel_loop3A_340 = vector.broadcast %parallel_loop3A_339 : i32 to vector<16xi32>
      %parallel_loop3A_341 = arith.addi %parallel_loop3A_307, %parallel_loop3A_340 : vector<16xi32>
      %parallel_loop3A_342 = arith.constant 1 : i32
      %parallel_loop3A_343 = vector.broadcast %parallel_loop3A_342 : i32 to vector<16xi32>
      %parallel_loop3A_344 = arith.addi %parallel_loop3A_308, %parallel_loop3A_343 : vector<16xi32>
      %parallel_loop3A_345 = arith.constant 1 : i32
      %parallel_loop3A_346 = vector.broadcast %parallel_loop3A_345 : i32 to vector<16xi32>
      %parallel_loop3A_347 = arith.addi %parallel_loop3A_309, %parallel_loop3A_346 : vector<16xi32>
      %parallel_loop3A_348 = arith.constant 1 : i32
      %parallel_loop3A_349 = vector.broadcast %parallel_loop3A_348 : i32 to vector<16xi32>
      %parallel_loop3A_350 = arith.addi %parallel_loop3A_310, %parallel_loop3A_349 : vector<16xi32>
      %parallel_loop3A_351 = arith.constant 1 : i32
      %parallel_loop3A_352 = vector.broadcast %parallel_loop3A_351 : i32 to vector<16xi32>
      %parallel_loop3A_353 = arith.addi %parallel_loop3A_311, %parallel_loop3A_352 : vector<16xi32>
      scf.yield %parallel_loop3A_323, %parallel_loop3A_328, %parallel_loop3A_333, %parallel_loop3A_338, %parallel_loop3A_341, %parallel_loop3A_344, %parallel_loop3A_347, %parallel_loop3A_350, %parallel_loop3A_353 : vector<16xf32>, vector<16xf32>, vector<16xf32>, vector<16xf32>, vector<16xi32>, vector<16xi32>, vector<16xi32>, vector<16xi32>, vector<16xi32>
    } {sc.loop_unroll_factor = 4 : i64, sc.parallel_access}
    %add3A_230 = arith.constant 163840 : i32
    %add3A_231 = arith.addi %mul3A_2, %add3A_230 : i32
    %dma_start3A_232 = tpu.memref_slice %arg4[%add3A_231] : memref<8388608xf32, #tpu.memory_space<hbm>> -> memref<32768xf32, #tpu.memory_space<hbm>>
    %dma_start3A_233 = tpu.memref_slice %arg4[%add3A_231] : memref<8388608xf32, #tpu.memory_space<hbm>> -> memref<32768xf32, #tpu.memory_space<hbm>>
    tpu.enqueue_dma source(%arg7 : memref<32768xf32, #tpu.memory_space<vmem>>) target(%dma_start3A_233 : memref<32768xf32, #tpu.memory_space<hbm>>) target_semaphore(%arg11 : memref<!tpu.dma_semaphore, #tpu.memory_space<semaphore_mem>>)
    %dma_wait3A_234 = tpu.memref_slice %arg4[%add3A_231] : memref<8388608xf32, #tpu.memory_space<hbm>> -> memref<32768xf32, #tpu.memory_space<hbm>>
    %dma_wait3A_235 = tpu.memref_slice %arg4[%add3A_231] : memref<8388608xf32, #tpu.memory_space<hbm>> -> memref<32768xf32, #tpu.memory_space<hbm>>
    tpu.wait_dma2 semaphore(%arg11 : memref<!tpu.dma_semaphore, #tpu.memory_space<semaphore_mem>>) src(%arg7 : memref<32768xf32, #tpu.memory_space<vmem>>) dst(%dma_wait3A_235 : memref<32768xf32, #tpu.memory_space<hbm>>)
    %add3A_236 = arith.constant 229376 : i32
    %add3A_237 = arith.addi %mul3A_2, %add3A_236 : i32
    %dma_start3A_238 = tpu.memref_slice %arg2[%add3A_237] : memref<8388608xf32, #tpu.memory_space<hbm>> -> memref<32768xf32, #tpu.memory_space<hbm>>
    %dma_start3A_239 = tpu.memref_slice %arg2[%add3A_237] : memref<8388608xf32, #tpu.memory_space<hbm>> -> memref<32768xf32, #tpu.memory_space<hbm>>
    tpu.enqueue_dma source(%dma_start3A_239 : memref<32768xf32, #tpu.memory_space<hbm>>) target(%arg7 : memref<32768xf32, #tpu.memory_space<vmem>>) target_semaphore(%arg9 : memref<!tpu.dma_semaphore, #tpu.memory_space<semaphore_mem>>)
    %dma_wait3A_240 = tpu.memref_slice %arg2[%add3A_202] : memref<8388608xf32, #tpu.memory_space<hbm>> -> memref<32768xf32, #tpu.memory_space<hbm>>
    %dma_wait3A_241 = tpu.memref_slice %arg2[%add3A_202] : memref<8388608xf32, #tpu.memory_space<hbm>> -> memref<32768xf32, #tpu.memory_space<hbm>>
    tpu.wait_dma2 semaphore(%arg8 : memref<!tpu.dma_semaphore, #tpu.memory_space<semaphore_mem>>) src(%dma_wait3A_241 : memref<32768xf32, #tpu.memory_space<hbm>>) dst(%arg6 : memref<32768xf32, #tpu.memory_space<vmem>>)
    %get3A_242 = arith.constant 3 : i32
    %get3A_243 = arith.index_cast %get3A_242 : i32 to index
    %get3A_244 = arith.constant 0 : index
    %get3A_245 = tpu.vector_load %arg5[%get3A_243, %get3A_244] {strides = array<i32>} : memref<4x128xf32, #tpu.memory_space<vmem>>, vector<16xf32>,
    %get3A_246 = arith.constant 3 : i32
    %get3A_247 = arith.index_cast %get3A_246 : i32 to index
    %get3A_248 = arith.constant 16 : index
    %get3A_249 = tpu.vector_load %arg5[%get3A_247, %get3A_248] {strides = array<i32>} : memref<4x128xf32, #tpu.memory_space<vmem>>, vector<16xf32>,
    %get3A_250 = arith.constant 3 : i32
    %get3A_251 = arith.index_cast %get3A_250 : i32 to index
    %get3A_252 = arith.constant 32 : index
    %get3A_253 = tpu.vector_load %arg5[%get3A_251, %get3A_252] {strides = array<i32>} : memref<4x128xf32, #tpu.memory_space<vmem>>, vector<16xf32>,
    %get3A_254 = arith.constant 3 : i32
    %get3A_255 = arith.index_cast %get3A_254 : i32 to index
    %get3A_256 = arith.constant 48 : index
    %get3A_257 = tpu.vector_load %arg5[%get3A_255, %get3A_256] {strides = array<i32>} : memref<4x128xf32, #tpu.memory_space<vmem>>, vector<16xf32>,
    %neg3A_258 = arith.constant 0 : i32
    %neg3A_259 = vector.broadcast %neg3A_258 : i32 to vector<16xi32>
    %neg3A_260 = arith.subi %neg3A_259, %iota3A : vector<16xi32>
    %parallel_loop3A_261 = arith.constant 0 : i32
    %parallel_loop3A_262 = arith.constant 527 : i32
    %parallel_loop3A_263 = arith.constant 1 : i32
    %parallel_loop3A_264:9 = scf.for %parallel_loop3A_302 = %parallel_loop3A_261 to %parallel_loop3A_262 step %parallel_loop3A_263 iter_args(%parallel_loop3A_303 = %get3A_245, %parallel_loop3A_304 = %get3A_249, %parallel_loop3A_305 = %get3A_253, %parallel_loop3A_306 = %get3A_257, %parallel_loop3A_307 = %add3A_10, %parallel_loop3A_308 = %add3A_16, %parallel_loop3A_309 = %add3A_22, %parallel_loop3A_310 = %add3A_28, %parallel_loop3A_311 = %neg3A_260) -> (vector<16xf32>, vector<16xf32>, vector<16xf32>, vector<16xf32>, vector<16xi32>, vector<16xi32>, vector<16xi32>, vector<16xi32>, vector<16xi32>)  : i32 {
      %parallel_loop3A_312 = arith.constant 0 : i32
      %parallel_loop3A_313 = vector.broadcast %parallel_loop3A_312 : i32 to vector<16xi32>
      %parallel_loop3A_314 = arith.cmpi sge, %parallel_loop3A_311, %parallel_loop3A_313 : vector<16xi32>
      %parallel_loop3A_315 = arith.constant 512 : i32
      %parallel_loop3A_316 = vector.broadcast %parallel_loop3A_315 : i32 to vector<16xi32>
      %parallel_loop3A_317 = arith.cmpi slt, %parallel_loop3A_311, %parallel_loop3A_316 : vector<16xi32>
      %parallel_loop3A_318 = arith.andi %parallel_loop3A_314, %parallel_loop3A_317 : vector<16xi1>
      %parallel_loop3A_319 = tpu.vector_load_idx %arg6[%parallel_loop3A_307] masked %parallel_loop3A_318 : memref<32768xf32, #tpu.memory_space<vmem>>[vector<16xi32>], vector<16xf32>, vector<16xi1>
      %parallel_loop3A_320 = arith.constant 0.000000e+00 : f32
      %parallel_loop3A_321 = vector.broadcast %parallel_loop3A_320 : f32 to vector<16xf32>
      %parallel_loop3A_322 = arith.select %parallel_loop3A_318, %parallel_loop3A_319, %parallel_loop3A_321 : vector<16xi1>, vector<16xf32>
      %parallel_loop3A_323 = arith.addf %parallel_loop3A_303, %parallel_loop3A_322 : vector<16xf32>
      tpu.vector_store_idx %arg6[%parallel_loop3A_307], %parallel_loop3A_323 masked %parallel_loop3A_318 : memref<32768xf32, #tpu.memory_space<vmem>>[vector<16xi32>], vector<16xf32>, vector<16xi1>
      %parallel_loop3A_324 = tpu.vector_load_idx %arg6[%parallel_loop3A_308] masked %parallel_loop3A_318 : memref<32768xf32, #tpu.memory_space<vmem>>[vector<16xi32>], vector<16xf32>, vector<16xi1>
      %parallel_loop3A_325 = arith.constant 0.000000e+00 : f32
      %parallel_loop3A_326 = vector.broadcast %parallel_loop3A_325 : f32 to vector<16xf32>
      %parallel_loop3A_327 = arith.select %parallel_loop3A_318, %parallel_loop3A_324, %parallel_loop3A_326 : vector<16xi1>, vector<16xf32>
      %parallel_loop3A_328 = arith.addf %parallel_loop3A_304, %parallel_loop3A_327 : vector<16xf32>
      tpu.vector_store_idx %arg6[%parallel_loop3A_308], %parallel_loop3A_328 masked %parallel_loop3A_318 : memref<32768xf32, #tpu.memory_space<vmem>>[vector<16xi32>], vector<16xf32>, vector<16xi1>
      %parallel_loop3A_329 = tpu.vector_load_idx %arg6[%parallel_loop3A_309] masked %parallel_loop3A_318 : memref<32768xf32, #tpu.memory_space<vmem>>[vector<16xi32>], vector<16xf32>, vector<16xi1>
      %parallel_loop3A_330 = arith.constant 0.000000e+00 : f32
      %parallel_loop3A_331 = vector.broadcast %parallel_loop3A_330 : f32 to vector<16xf32>
      %parallel_loop3A_332 = arith.select %parallel_loop3A_318, %parallel_loop3A_329, %parallel_loop3A_331 : vector<16xi1>, vector<16xf32>
      %parallel_loop3A_333 = arith.addf %parallel_loop3A_305, %parallel_loop3A_332 : vector<16xf32>
      tpu.vector_store_idx %arg6[%parallel_loop3A_309], %parallel_loop3A_333 masked %parallel_loop3A_318 : memref<32768xf32, #tpu.memory_space<vmem>>[vector<16xi32>], vector<16xf32>, vector<16xi1>
      %parallel_loop3A_334 = tpu.vector_load_idx %arg6[%parallel_loop3A_310] masked %parallel_loop3A_318 : memref<32768xf32, #tpu.memory_space<vmem>>[vector<16xi32>], vector<16xf32>, vector<16xi1>
      %parallel_loop3A_335 = arith.constant 0.000000e+00 : f32
      %parallel_loop3A_336 = vector.broadcast %parallel_loop3A_335 : f32 to vector<16xf32>
      %parallel_loop3A_337 = arith.select %parallel_loop3A_318, %parallel_loop3A_334, %parallel_loop3A_336 : vector<16xi1>, vector<16xf32>
      %parallel_loop3A_338 = arith.addf %parallel_loop3A_306, %parallel_loop3A_337 : vector<16xf32>
      tpu.vector_store_idx %arg6[%parallel_loop3A_310], %parallel_loop3A_338 masked %parallel_loop3A_318 : memref<32768xf32, #tpu.memory_space<vmem>>[vector<16xi32>], vector<16xf32>, vector<16xi1>
      %parallel_loop3A_339 = arith.constant 1 : i32
      %parallel_loop3A_340 = vector.broadcast %parallel_loop3A_339 : i32 to vector<16xi32>
      %parallel_loop3A_341 = arith.addi %parallel_loop3A_307, %parallel_loop3A_340 : vector<16xi32>
      %parallel_loop3A_342 = arith.constant 1 : i32
      %parallel_loop3A_343 = vector.broadcast %parallel_loop3A_342 : i32 to vector<16xi32>
      %parallel_loop3A_344 = arith.addi %parallel_loop3A_308, %parallel_loop3A_343 : vector<16xi32>
      %parallel_loop3A_345 = arith.constant 1 : i32
      %parallel_loop3A_346 = vector.broadcast %parallel_loop3A_345 : i32 to vector<16xi32>
      %parallel_loop3A_347 = arith.addi %parallel_loop3A_309, %parallel_loop3A_346 : vector<16xi32>
      %parallel_loop3A_348 = arith.constant 1 : i32
      %parallel_loop3A_349 = vector.broadcast %parallel_loop3A_348 : i32 to vector<16xi32>
      %parallel_loop3A_350 = arith.addi %parallel_loop3A_310, %parallel_loop3A_349 : vector<16xi32>
      %parallel_loop3A_351 = arith.constant 1 : i32
      %parallel_loop3A_352 = vector.broadcast %parallel_loop3A_351 : i32 to vector<16xi32>
      %parallel_loop3A_353 = arith.addi %parallel_loop3A_311, %parallel_loop3A_352 : vector<16xi32>
      scf.yield %parallel_loop3A_323, %parallel_loop3A_328, %parallel_loop3A_333, %parallel_loop3A_338, %parallel_loop3A_341, %parallel_loop3A_344, %parallel_loop3A_347, %parallel_loop3A_350, %parallel_loop3A_353 : vector<16xf32>, vector<16xf32>, vector<16xf32>, vector<16xf32>, vector<16xi32>, vector<16xi32>, vector<16xi32>, vector<16xi32>, vector<16xi32>
    } {sc.loop_unroll_factor = 4 : i64, sc.parallel_access}
    %add3A_265 = arith.constant 196608 : i32
    %add3A_266 = arith.addi %mul3A_2, %add3A_265 : i32
    %dma_start3A_267 = tpu.memref_slice %arg4[%add3A_266] : memref<8388608xf32, #tpu.memory_space<hbm>> -> memref<32768xf32, #tpu.memory_space<hbm>>
    %dma_start3A_268 = tpu.memref_slice %arg4[%add3A_266] : memref<8388608xf32, #tpu.memory_space<hbm>> -> memref<32768xf32, #tpu.memory_space<hbm>>
    tpu.enqueue_dma source(%arg6 : memref<32768xf32, #tpu.memory_space<vmem>>) target(%dma_start3A_268 : memref<32768xf32, #tpu.memory_space<hbm>>) target_semaphore(%arg10 : memref<!tpu.dma_semaphore, #tpu.memory_space<semaphore_mem>>)
    %dma_wait3A_269 = tpu.memref_slice %arg2[%add3A_237] : memref<8388608xf32, #tpu.memory_space<hbm>> -> memref<32768xf32, #tpu.memory_space<hbm>>
    %dma_wait3A_270 = tpu.memref_slice %arg2[%add3A_237] : memref<8388608xf32, #tpu.memory_space<hbm>> -> memref<32768xf32, #tpu.memory_space<hbm>>
    tpu.wait_dma2 semaphore(%arg9 : memref<!tpu.dma_semaphore, #tpu.memory_space<semaphore_mem>>) src(%dma_wait3A_270 : memref<32768xf32, #tpu.memory_space<hbm>>) dst(%arg7 : memref<32768xf32, #tpu.memory_space<vmem>>)
    %get3A_271 = arith.constant 3 : i32
    %get3A_272 = arith.index_cast %get3A_271 : i32 to index
    %get3A_273 = arith.constant 64 : index
    %get3A_274 = tpu.vector_load %arg5[%get3A_272, %get3A_273] {strides = array<i32>} : memref<4x128xf32, #tpu.memory_space<vmem>>, vector<16xf32>,
    %get3A_275 = arith.constant 3 : i32
    %get3A_276 = arith.index_cast %get3A_275 : i32 to index
    %get3A_277 = arith.constant 80 : index
    %get3A_278 = tpu.vector_load %arg5[%get3A_276, %get3A_277] {strides = array<i32>} : memref<4x128xf32, #tpu.memory_space<vmem>>, vector<16xf32>,
    %get3A_279 = arith.constant 3 : i32
    %get3A_280 = arith.index_cast %get3A_279 : i32 to index
    %get3A_281 = arith.constant 96 : index
    %get3A_282 = tpu.vector_load %arg5[%get3A_280, %get3A_281] {strides = array<i32>} : memref<4x128xf32, #tpu.memory_space<vmem>>, vector<16xf32>,
    %get3A_283 = arith.constant 3 : i32
    %get3A_284 = arith.index_cast %get3A_283 : i32 to index
    %get3A_285 = arith.constant 112 : index
    %get3A_286 = tpu.vector_load %arg5[%get3A_284, %get3A_285] {strides = array<i32>} : memref<4x128xf32, #tpu.memory_space<vmem>>, vector<16xf32>,
    %neg3A_287 = arith.constant 0 : i32
    %neg3A_288 = vector.broadcast %neg3A_287 : i32 to vector<16xi32>
    %neg3A_289 = arith.subi %neg3A_288, %iota3A : vector<16xi32>
    %parallel_loop3A_290 = arith.constant 0 : i32
    %parallel_loop3A_291 = arith.constant 527 : i32
    %parallel_loop3A_292 = arith.constant 1 : i32
    %parallel_loop3A_293:9 = scf.for %parallel_loop3A_302 = %parallel_loop3A_290 to %parallel_loop3A_291 step %parallel_loop3A_292 iter_args(%parallel_loop3A_303 = %get3A_274, %parallel_loop3A_304 = %get3A_278, %parallel_loop3A_305 = %get3A_282, %parallel_loop3A_306 = %get3A_286, %parallel_loop3A_307 = %add3A_10, %parallel_loop3A_308 = %add3A_16, %parallel_loop3A_309 = %add3A_22, %parallel_loop3A_310 = %add3A_28, %parallel_loop3A_311 = %neg3A_289) -> (vector<16xf32>, vector<16xf32>, vector<16xf32>, vector<16xf32>, vector<16xi32>, vector<16xi32>, vector<16xi32>, vector<16xi32>, vector<16xi32>)  : i32 {
      %parallel_loop3A_312 = arith.constant 0 : i32
      %parallel_loop3A_313 = vector.broadcast %parallel_loop3A_312 : i32 to vector<16xi32>
      %parallel_loop3A_314 = arith.cmpi sge, %parallel_loop3A_311, %parallel_loop3A_313 : vector<16xi32>
      %parallel_loop3A_315 = arith.constant 512 : i32
      %parallel_loop3A_316 = vector.broadcast %parallel_loop3A_315 : i32 to vector<16xi32>
      %parallel_loop3A_317 = arith.cmpi slt, %parallel_loop3A_311, %parallel_loop3A_316 : vector<16xi32>
      %parallel_loop3A_318 = arith.andi %parallel_loop3A_314, %parallel_loop3A_317 : vector<16xi1>
      %parallel_loop3A_319 = tpu.vector_load_idx %arg7[%parallel_loop3A_307] masked %parallel_loop3A_318 : memref<32768xf32, #tpu.memory_space<vmem>>[vector<16xi32>], vector<16xf32>, vector<16xi1>
      %parallel_loop3A_320 = arith.constant 0.000000e+00 : f32
      %parallel_loop3A_321 = vector.broadcast %parallel_loop3A_320 : f32 to vector<16xf32>
      %parallel_loop3A_322 = arith.select %parallel_loop3A_318, %parallel_loop3A_319, %parallel_loop3A_321 : vector<16xi1>, vector<16xf32>
      %parallel_loop3A_323 = arith.addf %parallel_loop3A_303, %parallel_loop3A_322 : vector<16xf32>
      tpu.vector_store_idx %arg7[%parallel_loop3A_307], %parallel_loop3A_323 masked %parallel_loop3A_318 : memref<32768xf32, #tpu.memory_space<vmem>>[vector<16xi32>], vector<16xf32>, vector<16xi1>
      %parallel_loop3A_324 = tpu.vector_load_idx %arg7[%parallel_loop3A_308] masked %parallel_loop3A_318 : memref<32768xf32, #tpu.memory_space<vmem>>[vector<16xi32>], vector<16xf32>, vector<16xi1>
      %parallel_loop3A_325 = arith.constant 0.000000e+00 : f32
      %parallel_loop3A_326 = vector.broadcast %parallel_loop3A_325 : f32 to vector<16xf32>
      %parallel_loop3A_327 = arith.select %parallel_loop3A_318, %parallel_loop3A_324, %parallel_loop3A_326 : vector<16xi1>, vector<16xf32>
      %parallel_loop3A_328 = arith.addf %parallel_loop3A_304, %parallel_loop3A_327 : vector<16xf32>
      tpu.vector_store_idx %arg7[%parallel_loop3A_308], %parallel_loop3A_328 masked %parallel_loop3A_318 : memref<32768xf32, #tpu.memory_space<vmem>>[vector<16xi32>], vector<16xf32>, vector<16xi1>
      %parallel_loop3A_329 = tpu.vector_load_idx %arg7[%parallel_loop3A_309] masked %parallel_loop3A_318 : memref<32768xf32, #tpu.memory_space<vmem>>[vector<16xi32>], vector<16xf32>, vector<16xi1>
      %parallel_loop3A_330 = arith.constant 0.000000e+00 : f32
      %parallel_loop3A_331 = vector.broadcast %parallel_loop3A_330 : f32 to vector<16xf32>
      %parallel_loop3A_332 = arith.select %parallel_loop3A_318, %parallel_loop3A_329, %parallel_loop3A_331 : vector<16xi1>, vector<16xf32>
      %parallel_loop3A_333 = arith.addf %parallel_loop3A_305, %parallel_loop3A_332 : vector<16xf32>
      tpu.vector_store_idx %arg7[%parallel_loop3A_309], %parallel_loop3A_333 masked %parallel_loop3A_318 : memref<32768xf32, #tpu.memory_space<vmem>>[vector<16xi32>], vector<16xf32>, vector<16xi1>
      %parallel_loop3A_334 = tpu.vector_load_idx %arg7[%parallel_loop3A_310] masked %parallel_loop3A_318 : memref<32768xf32, #tpu.memory_space<vmem>>[vector<16xi32>], vector<16xf32>, vector<16xi1>
      %parallel_loop3A_335 = arith.constant 0.000000e+00 : f32
      %parallel_loop3A_336 = vector.broadcast %parallel_loop3A_335 : f32 to vector<16xf32>
      %parallel_loop3A_337 = arith.select %parallel_loop3A_318, %parallel_loop3A_334, %parallel_loop3A_336 : vector<16xi1>, vector<16xf32>
      %parallel_loop3A_338 = arith.addf %parallel_loop3A_306, %parallel_loop3A_337 : vector<16xf32>
      tpu.vector_store_idx %arg7[%parallel_loop3A_310], %parallel_loop3A_338 masked %parallel_loop3A_318 : memref<32768xf32, #tpu.memory_space<vmem>>[vector<16xi32>], vector<16xf32>, vector<16xi1>
      %parallel_loop3A_339 = arith.constant 1 : i32
      %parallel_loop3A_340 = vector.broadcast %parallel_loop3A_339 : i32 to vector<16xi32>
      %parallel_loop3A_341 = arith.addi %parallel_loop3A_307, %parallel_loop3A_340 : vector<16xi32>
      %parallel_loop3A_342 = arith.constant 1 : i32
      %parallel_loop3A_343 = vector.broadcast %parallel_loop3A_342 : i32 to vector<16xi32>
      %parallel_loop3A_344 = arith.addi %parallel_loop3A_308, %parallel_loop3A_343 : vector<16xi32>
      %parallel_loop3A_345 = arith.constant 1 : i32
      %parallel_loop3A_346 = vector.broadcast %parallel_loop3A_345 : i32 to vector<16xi32>
      %parallel_loop3A_347 = arith.addi %parallel_loop3A_309, %parallel_loop3A_346 : vector<16xi32>
      %parallel_loop3A_348 = arith.constant 1 : i32
      %parallel_loop3A_349 = vector.broadcast %parallel_loop3A_348 : i32 to vector<16xi32>
      %parallel_loop3A_350 = arith.addi %parallel_loop3A_310, %parallel_loop3A_349 : vector<16xi32>
      %parallel_loop3A_351 = arith.constant 1 : i32
      %parallel_loop3A_352 = vector.broadcast %parallel_loop3A_351 : i32 to vector<16xi32>
      %parallel_loop3A_353 = arith.addi %parallel_loop3A_311, %parallel_loop3A_352 : vector<16xi32>
      scf.yield %parallel_loop3A_323, %parallel_loop3A_328, %parallel_loop3A_333, %parallel_loop3A_338, %parallel_loop3A_341, %parallel_loop3A_344, %parallel_loop3A_347, %parallel_loop3A_350, %parallel_loop3A_353 : vector<16xf32>, vector<16xf32>, vector<16xf32>, vector<16xf32>, vector<16xi32>, vector<16xi32>, vector<16xi32>, vector<16xi32>, vector<16xi32>
    } {sc.loop_unroll_factor = 4 : i64, sc.parallel_access}
    %add3A_294 = arith.constant 229376 : i32
    %add3A_295 = arith.addi %mul3A_2, %add3A_294 : i32
    %dma_start3A_296 = tpu.memref_slice %arg4[%add3A_295] : memref<8388608xf32, #tpu.memory_space<hbm>> -> memref<32768xf32, #tpu.memory_space<hbm>>
    %dma_start3A_297 = tpu.memref_slice %arg4[%add3A_295] : memref<8388608xf32, #tpu.memory_space<hbm>> -> memref<32768xf32, #tpu.memory_space<hbm>>
    tpu.enqueue_dma source(%arg7 : memref<32768xf32, #tpu.memory_space<vmem>>) target(%dma_start3A_297 : memref<32768xf32, #tpu.memory_space<hbm>>) target_semaphore(%arg11 : memref<!tpu.dma_semaphore, #tpu.memory_space<semaphore_mem>>)
    %dma_wait3A_298 = tpu.memref_slice %arg4[%add3A_266] : memref<8388608xf32, #tpu.memory_space<hbm>> -> memref<32768xf32, #tpu.memory_space<hbm>>
    %dma_wait3A_299 = tpu.memref_slice %arg4[%add3A_266] : memref<8388608xf32, #tpu.memory_space<hbm>> -> memref<32768xf32, #tpu.memory_space<hbm>>
    tpu.wait_dma2 semaphore(%arg10 : memref<!tpu.dma_semaphore, #tpu.memory_space<semaphore_mem>>) src(%arg6 : memref<32768xf32, #tpu.memory_space<vmem>>) dst(%dma_wait3A_299 : memref<32768xf32, #tpu.memory_space<hbm>>)
    %dma_wait3A_300 = tpu.memref_slice %arg4[%add3A_295] : memref<8388608xf32, #tpu.memory_space<hbm>> -> memref<32768xf32, #tpu.memory_space<hbm>>
    %dma_wait3A_301 = tpu.memref_slice %arg4[%add3A_295] : memref<8388608xf32, #tpu.memory_space<hbm>> -> memref<32768xf32, #tpu.memory_space<hbm>>
    tpu.wait_dma2 semaphore(%arg11 : memref<!tpu.dma_semaphore, #tpu.memory_space<semaphore_mem>>) src(%arg7 : memref<32768xf32, #tpu.memory_space<vmem>>) dst(%dma_wait3A_301 : memref<32768xf32, #tpu.memory_space<hbm>>)
    return
  }
}

module attributes {stable_mosaic.version = 14 : i64} {
  func.func @_offsets_body(%arg0: i32, %arg1: memref<1048576xf32, #tpu.memory_space<vmem>>, %arg2: memref<128x128xf32, #tpu.memory_space<vmem>>, %arg3: memref<128x128xf32, #tpu.memory_space<vmem>>) attributes {dimension_semantics = [#tpu.dimension_semantics<arbitrary>], iteration_bounds = array<i64: 8>, scalar_prefetch = 0 : i64, scratch_operands = 1 : i64, tpu.core_type = #tpu.core_type<tc>, window_params = [{transform_indices = @transform_0, window_bounds = array<i64: 1048576>}, {pipeline_mode = #tpu.pipeline_mode<synchronous>, transform_indices = @transform_1, window_bounds = array<i64: 128, 128>}]} {
    %get3A = arith.constant 0 : index
    %get3A_0 = vector.load %arg1[%get3A] : memref<1048576xf32, #tpu.memory_space<vmem>>, vector<1048576xf32>
    %reshape3A = vector.shape_cast %get3A_0 : vector<1048576xf32> to vector<2048x512xf32>
    %reduce_sum3A = arith.constant dense<0.000000e+00> : vector<2048xf32>
    %reduce_sum3A_1 = vector.multi_reduction <add>, %reshape3A, %reduce_sum3A [1] : vector<2048x512xf32> to vector<2048xf32>
    %reshape3A_2 = vector.shape_cast %reduce_sum3A_1 : vector<2048xf32> to vector<16x128xf32>
    %mul3A = arith.constant 16 : i32
    %mul3A_3 = arith.muli %arg0, %mul3A : i32
    %swap3A = arith.index_cast %mul3A_3 : i32 to index
    %swap3A_4 = arith.constant 0 : index
    %swap3A_5 = vector.load %arg3[%swap3A, %swap3A_4] : memref<128x128xf32, #tpu.memory_space<vmem>>, vector<16x128xf32>
    tpu.vector_store %arg3[%swap3A, %swap3A_4], %reshape3A_2 {strides = array<i32>} : memref<128x128xf32, #tpu.memory_space<vmem>>, vector<16x128xf32>,
    %eq3A = arith.constant 7 : i32
    %eq3A_6 = arith.cmpi eq, %arg0, %eq3A : i32
    %convert_element_type3A = arith.extui %eq3A_6 : i1 to i32
    %cond3A = arith.constant 0 : i32
    %cond3A_7 = arith.cmpi ne, %convert_element_type3A, %cond3A : i32
    scf.if %cond3A_7 {
      %get3A_8 = arith.constant 0 : index
      %get3A_9 = arith.constant 0 : index
      %get3A_10 = vector.load %arg3[%get3A_8, %get3A_9] : memref<128x128xf32, #tpu.memory_space<vmem>>, vector<128x128xf32>
      %iota3A = tpu.iota {dimensions = array<i32: 0>} : vector<128x128xi32>
      %iota3A_11 = tpu.iota {dimensions = array<i32: 1>} : vector<128x128xi32>
      %le3A = arith.cmpi sle, %iota3A, %iota3A_11 : vector<128x128xi32>
      %convert_element_type3A_12 = arith.extui %le3A : vector<128x128xi1> to vector<128x128xi32>
      %convert_element_type3A_13 = arith.sitofp %convert_element_type3A_12 : vector<128x128xi32> to vector<128x128xf32>
      %lt3A = arith.cmpi slt, %iota3A_11, %iota3A : vector<128x128xi32>
      %convert_element_type3A_14 = arith.extui %lt3A : vector<128x128xi1> to vector<128x128xi32>
      %convert_element_type3A_15 = arith.sitofp %convert_element_type3A_14 : vector<128x128xi32> to vector<128x128xf32>
      %dot_general3A = arith.constant dense<0.000000e+00> : vector<128x128xf32>
      %dot_general3A_16 = tpu.matmul %get3A_10, %convert_element_type3A_13, %dot_general3A {dimension_numbers = #tpu.dot_dimension_numbers<[1], [0], [0], [1], [0, 0, 1, 1], [], []>, precision = #tpu.contract_precision<fp32>, transpose_lhs_hint = false} : vector<128x128xf32>, vector<128x128xf32>, vector<128x128xf32> -> vector<128x128xf32>
      %slice3A = vector.extract_strided_slice %dot_general3A_16 {offsets = [0, 127], sizes = [128, 1], strides = [1, 1]} : vector<128x128xf32> to vector<128x1xf32>
      %dot_general3A_17 = arith.constant dense<0.000000e+00> : vector<128x1xf32>
      %dot_general3A_18 = tpu.matmul %convert_element_type3A_15, %slice3A, %dot_general3A_17 {dimension_numbers = #tpu.dot_dimension_numbers<[1], [0], [0], [1], [0, 0, 1, 1], [], []>, precision = #tpu.contract_precision<fp32>, transpose_lhs_hint = false} : vector<128x128xf32>, vector<128x1xf32>, vector<128x1xf32> -> vector<128x1xf32>
      %sub3A = arith.subf %dot_general3A_16, %get3A_10 : vector<128x128xf32>
      %add3A = vector.broadcast %dot_general3A_18 : vector<128x1xf32> to vector<128x128xf32>
      %add3A_19 = arith.addf %sub3A, %add3A : vector<128x128xf32>
      %swap3A_20 = arith.constant 0 : index
      %swap3A_21 = arith.constant 0 : index
      %swap3A_22 = vector.load %arg2[%swap3A_20, %swap3A_21] : memref<128x128xf32, #tpu.memory_space<vmem>>, vector<128x128xf32>
      tpu.vector_store %arg2[%swap3A_20, %swap3A_21], %add3A_19 {strides = array<i32>} : memref<128x128xf32, #tpu.memory_space<vmem>>, vector<128x128xf32>,
    } else {
    }
    return
  }
  func.func @transform_0(%arg0: i32) -> i32 {
    %c0_i32 = arith.constant 0 : i32
    return %arg0 : i32
  }
  func.func @transform_1(%arg0: i32) -> (i32, i32) {
    %c0_i32 = arith.constant 0 : i32
    %c0_i32_0 = arith.constant 0 : i32
    %c0_i32_1 = arith.constant 0 : i32
    return %c0_i32, %c0_i32_0 : i32, i32
  }
}

</mosaic_0001>

<sc_bundles>
// kernel: kernel.4.cloned.1.call-start
scs
__scs_entry_jumppad:
0x0: {  	(pc) =	sbr.rel $0x88, $3  }
0x1: {  	(tag) =	ssettag $0x0;
	lr =	simm.s32 $0x1  }
0x2: {  	[smem:$0x3FA0] =	sst lr;
	_ =	strace $0xD0000000  }
0x3: {  	_ = 	snop  }
0x4: {  	_ = 	snop  }
0x5: {  	_ = 	snop  }
0x6: {  	_ = 	snop  }
0x7: {  	_ = 	snop  }
__scs_overlays_trampoline_lowered:
0x8: {  	[smem:$0x3FAF] =	sst s0  }
0x9: {  	[smem:$0x3FB0] =	sst s1  }
0xa: {  	[smem:$0x3FB1] =	sst s2  }
0xb: {  	[smem:$0x3FB2] =	sst s3  }
0xc: {  	[smem:$0x3FB3] =	sst s4  }
0xd: {  	[smem:$0x3FB4] =	sst s5  }
0xe: {  	[smem:$0x3FB5] =	sst s6  }
0xf: {  	[smem:$0x3FB6] =	sst s7  }
0x10: {  	[smem:$0x3FB7] =	sst s8  }
0x11: {  	[smem:$0x3FB8] =	sst s9;
	s0 =	simm.s32 @!p0 $0x0  }
0x12: {  	s1 =	sld [smem:$0x3F9E];
	s0 =	simm.s32 @p0 $0x1  }
0x13: {  	[smem:$0x3FB9] =	sst s0;
	s0 =	simm.s32 @!p1 $0x0  }
0x14: {  	s2 =	sld [smem:$0x3F9D];
	s0 =	simm.s32 @p1 $0x1  }
0x15: {  	[smem:$0x3FBA] =	sst s0;
	s0 =	simm.s32 @!p2 $0x0  }
0x16: {  	s3 =	sld [smem:$0x3FDB];
	s0 =	simm.s32 @p2 $0x1  }
0x17: {  	s4 =	simm.s32 $0x1BF5;
	[smem:$0x3FBC] =	sst s0  }
0x18: {  	s0 =	sld [smem:$0x3F9F];
	_ =	swait.ge [sflag:s4], $0x0  }
0x19: {  	s7 =	sld [smem:$0x3FA0]  }
0x1a: {  	s8 =	sadd.s32 $0xFFFFE003, lr  }
0x1b: {  	s9 =	sadd.s32 $0xFFFFFEF7, lr;
	s5 =	simm.s32 $0xFFFFFFFF;
	p2 =	slt.u32 s8, $0xFFFFF086  }
0x1c: {  	p1 =	slt.u32 s9, $0xF7A;
	s5 =	simm.s32 @!p2 $0x0  }
0x1d: {  	s5 =	simm.s32 @p1 $0x1;
	p0 =	seq.s32 s7, s2  }
0x1e: {  	s7 =	smul.u32 @!p0 $0xF7A, s2;
	p2 =	seq.s32 @!p0 s5, $0x0  }
0x1f: {  	s9 =	smul.u32 $0xF7A, s1;
	s8 =	simm.s32 @!p0 $0x1BF5;
	p2 =	por !p2, p0  }
0x20: {  	[sflag:s8] =	ssyncset.s32 @!p0 $0xFFFFF086;
	s6 =	sadd.s32 @!p0 s3, s7;
	s7 =	simm.s32 @!p0 $0x108  }
0x21: {  	s3 =	sadd.s32 s3, s9;
	s6 =	sadd.s32 @!p0 $0x88, s6;
	s7 =	simm.s32 @p2 $0x1082  }
0x22: {  	[simem:s7], [sflag:s8] =	dma.local @!p0 [hbm:s6], $0xF7A  }
0x23: {  	s9 =	sor.u32 $0xD0000000, s2;
	s6 =	simm.s32 $0x108;
	_ =	swait.ge @!p0 [sflag:s8], $0x0  }
0x24: {  	s3 =	sadd.s32 $0x88, s3;
	s6 =	simm.s32 @!p1 $0x1082;
	[sflag:s4] =	ssyncset.s32 $0xFFFFF086  }
0x25: {  	[simem:s6], [sflag:s4] =	dma.local [hbm:s3], $0xF7A  }
0x26: {  	[smem:$0x3FA0] =	sst s1;
	(tag) =	ssettag s2;
	_ =	strace s9  }
0x27: {  	s1 =	sld [smem:$0x3FB0]  }
0x28: {  	s2 =	sld [smem:$0x3FB1]  }
0x29: {  	s4 =	sld [smem:$0x3FB3]  }
0x2a: {  	p0 =	seq.s32 s5, $0x0;
	s5 =	sld [smem:$0x3FB4]  }
0x2b: {  	s6 =	sld [smem:$0x3FB5]  }
0x2c: {  	s7 =	sld [smem:$0x3FB6]  }
0x2d: {  	s3 =	simm.s32 $0x108;
	s8 =	sld [smem:$0x3FB7]  }
0x2e: {  	s3 =	simm.s32 @!p0 $0x1082;
	s9 =	sld [smem:$0x3FB8]  }
0x2f: {  	lr =	sadd.s32 s0, s3;
	s0 =	sld [smem:$0x3FAF]  }
0x30: {  	s3 =	sld [smem:$0x3FB2]  }
0x31: {  	[smem:$0x3FBB] =	sst s10  }
0x32: {  	s10 =	sld [smem:$0x3FB9];
	_ =	sdelay $0x3  }
0x33: {  	p0 =	seq.s32 s10, $0x1;
	s10 =	sld [smem:$0x3FBB];
	_ =	sdelay $0x3  }
0x34: {  	[smem:$0x3FBB] =	sst s10  }
0x35: {  	s10 =	sld [smem:$0x3FBA];
	_ =	sdelay $0x3  }
0x36: {  	p1 =	seq.s32 s10, $0x1;
	s10 =	sld [smem:$0x3FBB];
	_ =	sdelay $0x3  }
0x37: {  	[smem:$0x3FBB] =	sst s10  }
0x38: {  	s10 =	sld [smem:$0x3FBC]  }
0x39: {  	_ = 	snop;
	(pc) =	sbr.ind lr, $3  }
0x3a: {  	_ = 	snop  }
0x3b: {  	_ = 	snop  }
0x3c: {  	p2 =	seq.s32 s10, $0x1;
	s10 =	sld [smem:$0x3FBB]  }
0x3d: {  	_ =	shalt  }
0x3e: {  	_ =	shalt  }
0x3f: {  	_ =	shalt  }
0x40: {  	_ =	shalt  }
0x41: {  	_ =	shalt  }
0x42: {  	_ =	shalt  }
0x43: {  	_ =	shalt  }
0x44: {  	_ =	shalt  }
0x45: {  	_ =	shalt  }
0x46: {  	_ =	shalt  }
0x47: {  	_ =	shalt  }
0x48: {  	_ =	shalt  }
0x49: {  	_ =	shalt  }
0x4a: {  	_ =	shalt  }
0x4b: {  	_ =	shalt  }
0x4c: {  	_ =	shalt  }
0x4d: {  	_ =	shalt  }
0x4e: {  	_ =	shalt  }
0x4f: {  	_ =	shalt  }
0x50: {  	_ =	shalt  }
0x51: {  	_ =	shalt  }
0x52: {  	_ =	shalt  }
0x53: {  	_ =	shalt  }
0x54: {  	_ =	shalt  }
0x55: {  	_ =	shalt  }
0x56: {  	_ =	shalt  }
0x57: {  	_ =	shalt  }
0x58: {  	_ =	shalt  }
0x59: {  	_ =	shalt  }
0x5a: {  	_ =	shalt  }
0x5b: {  	_ =	shalt  }
0x5c: {  	_ =	shalt  }
0x5d: {  	_ =	shalt  }
0x5e: {  	_ =	shalt  }
0x5f: {  	_ =	shalt  }
0x60: {  	_ =	shalt  }
0x61: {  	_ =	shalt  }
0x62: {  	_ =	shalt  }
0x63: {  	_ =	shalt  }
0x64: {  	_ =	shalt  }
0x65: {  	_ =	shalt  }
0x66: {  	_ =	shalt  }
0x67: {  	_ =	shalt  }
0x68: {  	_ =	shalt  }
0x69: {  	_ =	shalt  }
0x6a: {  	_ =	shalt  }
0x6b: {  	_ =	shalt  }
0x6c: {  	_ =	shalt  }
0x6d: {  	_ =	shalt  }
0x6e: {  	_ =	shalt  }
0x6f: {  	_ =	shalt  }
0x70: {  	_ =	shalt  }
0x71: {  	_ =	shalt  }
0x72: {  	_ =	shalt  }
0x73: {  	_ =	shalt  }
0x74: {  	_ =	shalt  }
0x75: {  	_ =	shalt  }
0x76: {  	_ =	shalt  }
0x77: {  	_ =	shalt  }
0x78: {  	_ =	shalt  }
0x79: {  	_ =	shalt  }
0x7a: {  	_ =	shalt  }
0x7b: {  	_ =	shalt  }
0x7c: {  	_ =	shalt  }
0x7d: {  	_ =	shalt  }
0x7e: {  	_ =	shalt  }
0x7f: {  	_ =	shalt  }
0x80: {  	_ =	shalt  }
0x81: {  	_ =	shalt  }
0x82: {  	_ =	shalt  }
0x83: {  	_ =	shalt  }
0x84: {  	_ =	shalt  }
0x85: {  	_ =	shalt  }
0x86: {  	_ =	shalt  }
0x87: {  	_ =	shalt  }
.Lfunc_end0:
.L_simem_size_0:
called_computation_lowered:
.L_overlay_start_0:
0x88: {  	s2 =	sld [smem:$0x3FD9]  }
0x89: {  	s3 =	sld [smem:$0x3FFE];
	_ =	sdelay $0x1  }
0x8a: {  	s1 =	srdreg.scid  }
0x8b: {  	s0 =	sand.u32 $0x1, s1  }
0x8c: {  	s17 =	sshll.u32 s0, $0xA;
	s2 =	sadd.s32 s3, s2  }
0x8d: {  	s2 =	sadd.s32 s2, s17  }
0x8e: {  	[smem:$0x3FC7] =	sst s2  }
0x8f: {  	_ = 	snop  }
0x90: {  	s2 =	sld [smem:$0x3FC9]  }
0x91: {  	s18 =	sld [smem:$0x3FD0];
	(tm) =	ssettm $0x1  }
0x92: {  	s4 =	sld [smem:$0x3FFB];
	_ =	sdelay $0x3  }
0x93: {  	_ =	strace s4  }
0x94: {  	s4 =	sld [smem:$0x3FFC];
	_ =	sdelay $0x3  }
0x95: {  	_ =	strace s4  }
0x96: {  	s4 =	sld [smem:$0x3FFD];
	_ =	sdelay $0x3  }
0x97: {  	_ =	strace s4  }
0x98: {  	_ =	strace $0x8FFFFFFF  }
0x99: {  	s19 =	sld [smem:$0x3FDB];
	_ =	sdelay $0x1  }
0x9a: {  	s5 =	simm.s32 $_scs_section_size  }
0x9b: {  	s6 =	simm.s32 $_size__tile_overlayer_lowered;
	s7 =	simm.s32 $_tile_overlayer_lowered  }
0x9c: {  	s22 =	simm.s32 $0x1BFF;
	s21 =	sshll.u32 s7, $0x1;
	s4 =	sadd.s32 s5, s19  }
0x9d: {  	s8 =	simm.s32 $0x0;
	s20 =	sshll.u32 s6, $0x1;
	s6 =	sadd.s32 s21, s4  }
0x9e: {  	[timem:s8], [sflag:s22] =	dma.local [hbm:s6], s20  }
0x9f: {  	_ =	swait.ge [sflag:s22], s20  }
0xa0: {  	s5 =	ssub.s32 $0x0, s20;
	[sflag:s22] =	ssyncset.done $0x0  }
0xa1: {  	[sflag:s22] =	ssyncadd.s32 s5;
	_ =	sdelay $0x1  }
0xa2: {  	s23 =	simm.s32 $0x1B8B  }
0xa3: {  	_ =	swait.ge [sflag:s23], $0x1  }
0xa4: {  	[sflag:s23] =	ssyncset.done $0x0  }
0xa5: {  	s25 =	simm.s32 $0x1B8E;
	s24 =	sld [smem:$0x3FFE];
	[sflag:s23] =	ssyncadd.s32 $0xFFFFFFFF  }
0xa6: {  	s26 =	simm.s32 $execute0_lowered;
	[smem:$0x3FD2] =	sst s25  }
0xa7: {  	s6 =	sshll.u32 s26, $0x1;
	_ =	strace $0x80000046;
	[dreg:$0x1] =	wrdreg $0xFFFFFFFF  }
0xa8: {  	s28 =	simm.s32 $_size_execute0_lowered;
	s4 =	sadd.s32 s4, s6;
	[dreg:$0x0] =	wrdreg $0x0  }
0xa9: {  	s6 =	sshll.u32 s28, $0x1;
	[dreg:$0x2] =	wrdreg s4  }
0xaa: {  	[dreg:$0x3] =	wrdreg s6  }
0xab: {  	[dreg:$0x4] =	wrdreg $0xC0  }
0xac: {  	_ =	task [dreg:s8], $0x5FFFF  }
0xad: {  	[dreg:$0x1] =	wrdreg $0xFFFFFFFF  }
0xae: {  	[dreg:$0x0] =	wrdreg $0x60  }
0xaf: {  	[dreg:$0x2] =	wrdreg s2  }
0xb0: {  	[dreg:$0x3] =	wrdreg s24  }
0xb1: {  	[dreg:$0x4] =	wrdreg s18  }
0xb2: {  	[dreg:$0x5] =	wrdreg $0x9  }
0xb3: {  	_ =	task.clear_ibuf [dreg:s8], $0x6FFFF;
	_ =	strace $0x90000046  }
0xb4: {  	s29 =	simm.s32 $0x9;
	_ =	strace $0x80000048  }
0xb5: {  	_ =	swait.ge [sflag:s29], $0x1  }
0xb6: {  	[sflag:s29] =	ssyncadd.s32 $0xFFFFFFFF  }
0xb7: {  	_ =	strace $0x90000048  }
0xb8: {  	_ =	sfence  }
0xb9: {  	s30 =	sld [smem:$0x0];
	_ =	sdelay $0x2  }
0xba: {  	s31 =	sshll.u32 s1, $0xD;
	s1 =	sshrl.u32 s1, $0x2  }
0xbb: {  	s3 =	sand.u32 $0x4000, s31;
	s1 =	sadd.s32 s1, s30  }
0xbc: {  	s0 =	sor.u32 s3, s0;
	s1 =	sshll.u32 s1, $0x11  }
0xbd: {  	s0 =	sor.u32 s1, s0  }
0xbe: {  	s0 =	sadd.s32 $0x8F2B, s0  }
0xbf: {  	[sflag:s0] =	ssyncadd.remote.s32 $0x1  }
0xc0: {  	_ =	sfence.sel $0xFFFF  }
0xc1: {  	[dreg:$0x0] =	wrdreg $0xFFFFFFFF;
	(pc) =	sbr.abs _section_cstart, $3  }
0xc2: {  	[dreg:$0x1] =	wrdreg $0xFFFFFFFF  }
0xc3: {  	_ =	task.clear_ibuf [dreg:s8], $0x2FFFF;
	_ =	strace $0x9FFFFFFF  }
0xc4: {  	(tm) =	ssettm $0x7FFFFFFF  }
0xc5: {  	_ =	shalt  }
tec
execute0_lowered:
.L_overlay_start_1:
0x0: {  	(tag) =	ssettag $0x1  }
0x1: {  	s17 =	rddreg [dreg:$0x0]  }
0x2: {  	s2 =	rddreg [dreg:$0x1]  }
0x3: {  	s19 =	rddreg [dreg:$0x2]  }
0x4: {  	s0 =	rddreg [dreg:$0x3];
	s1 =	simm.s32 $0x0  }
0x5: {  	s3 =	srdreg.scid;
	s23 =	simm.s32 $0x8200;
	s24 =	simm.s32 $0x1  }
0x6: {  	s25 =	simm.s32 $0x3;
	s26 =	simm.s32 $0x2;
	s28 =	simm.s32 $0x4  }
0x7: {  	s29 =	simm.s32 $0x0;
	[smem:$0x7FF] =	sst s1;
	s3 =	sand.u32 $0x1, s3  }
0x8: {  	_ =	strace $0x80000047;
	s4 =	sshll.u32 s3, $0x6;
	s5 =	ssub.s32 $0x2, s3  }
0x9: {  	s3 =	sshll.u32 s3, $0xF;
	s4 =	sadd.s32 s4, s2;
	s2 =	stileid.u32  }
0xa: {  	s6 =	sshrl.u32 s5, $0x1;
	s7 =	sshll.u32 s2, $0x7;
	s8 =	sshll.u32 s2, $0x10  }
0xb: {  	s20 =	ssub.s32 s5, s6;
	s4 =	sadd.s32 s7, s4;
	s18 =	sor.u32 s3, s8  }
0xc: {  	s20 =	smax.u32 s20, $0x1;
	s3 =	sadd.s32 $0x600, s4;
	s4 =	sadd.s32 s17, s18  }
0xd: {  	s8 =	sor.u32 $0x1000, s18;
	s6 =	sadd.s32 s19, s18;
	s10 =	sor.u32 $0x2000, s18  }
0xe: {  	s12 =	sor.u32 $0x3000, s18;
	s14 =	sor.u32 $0x4000, s18;
	s16 =	sor.u32 $0x5000, s18  }
0xf: {  	s21 =	sor.u32 $0x6000, s18;
	s22 =	sor.u32 $0x7000, s18;
	s5 =	sadd.s32 s17, s8  }
0x10: {  	s7 =	sadd.s32 s17, s10;
	s8 =	sadd.s32 s19, s8;
	s9 =	sadd.s32 s17, s12  }
0x11: {  	v1 =	vlaneseq.u32;
	s10 =	sadd.s32 s19, s10;
	s11 =	sadd.s32 s17, s14;
	s12 =	sadd.s32 s19, s12  }
0x12: {  	v0 =	vmul.u32 $0x1FF, v1;
	s13 =	sadd.s32 s17, s16;
	s14 =	sadd.s32 s19, s14;
	s15 =	sadd.s32 s17, s21  }
0x13: {  	v1 =	vmul.u32 $0xFFFFFFFF, v1;
	s16 =	sadd.s32 s19, s16;
	s17 =	sadd.s32 s17, s22;
	s18 =	sadd.s32 s19, s21  }
0x14: {  	v2 =	vor.u32 $0x2000, v0;
	v3 =	vor.u32 $0x4000, v0;
	v4 =	vor.u32 $0x6000, v0;
	s19 =	sadd.s32 s19, s22;
	s21 =	simm.s32 $0x5;
	s22 =	simm.s32 $0x200  }
.LBB2_1:
0x15: {  	[tilespmem:s1], [sflag:$0x5] =	stream.linear.gather [hbm4b:s3+s1], $0x200, $0x38;
	[tilespmem:$0x10200] =	vst v63  }
0x16: {  	_ =	swait.ge [sflag:s21], $0x200  }
0x17: {  	[sflag:s21] =	ssyncset.done $0x0  }
0x18: {  	[sflag:s21] =	ssyncadd.s32 $0xFFFFFE00  }
0x19: {  	vm0 =	vlt.u32 v1, $0x200;
	[tilespmem:s22], [sflag:$0x1] =	stream.linear.gather [hbm4b:s4+s1], $0x8000, $0x38;
	[tilespmem:$0x10200] =	vst v63  }
0x1a: {  	v5 =	vadd.s32 $0x1, v1  }
0x1b: {  	vm1 =	vlt.u32 v5, $0x200;
	[tilespmem:s23], [sflag:$0x2] =	stream.linear.gather [hbm4b:s5+s1], $0x8000, $0x38;
	[tilespmem:$0x10200] =	vst v63  }
0x1c: {  	v14 =	vadd.s32 $0x1, v0;
	v5 =	vadd.s32 $0x2, v1;
	_ =	swait.ge [sflag:s24], $0x8000  }
0x1d: {  	vm4 =	vlt.u32 v5, $0x200;
	[sflag:s24] =	ssyncset.done $0x0  }
0x1e: {  	v15 =	vadd.s32 $0x2, v0;
	v5 =	vadd.s32 $0x3, v1;
	[sflag:s24] =	ssyncadd.s32 $0xFFFF8000  }
0x1f: {  	v8 =	vimm.s32 $0x0;
	vm3 =	vlt.u32 v5, $0x200;
	v6 =	vld.idx.msk [tilespmem:v0+s22+$0x0], vm0  }
0x20: {  	v17 =	vadd.s32 $0x3, v0;
	v9 =	vimm.s32 $0x0;
	v8 =	vsel vm0, $0xFFFFFFFF, v8;
	v5 =	vld [tilespmem:$0x0]  }
0x21: {  	vm2 =	vmmov vm0;
	v9 =	vsel vm1, $0xFFFFFFFF, v9;
	v7 =	vld.idx.msk [tilespmem:v14+s22+$0x0], vm1;
	[tilespmem:$0x1FF90] =	vst v8  }
0x22: {  	v10 =	vimm.s32 $0x0;
	[tilespmem:$0x1FFA0] =	vst v9  }
0x23: {  	v10 =	vsel vm4, $0xFFFFFFFF, v10;
	vm0 =	vmmov vm1;
	v9 =	vld.idx.msk [tilespmem:v15+s22+$0x0], vm4  }
0x24: {  	v8 =	vld [tilespmem:$0x10];
	[tilespmem:$0x1FFB0] =	vst v10;
	v6 =	vnsel vm2, $0x0, v6  }
0x25: {  	v16 =	vadd.s32 $0x1, v2;
	v10 =	vld.idx.msk [tilespmem:v17+s22+$0x0], vm3;
	v5 =	vadd.f32 v6, v5  }
0x26: {  	v21 =	vld [tilespmem:$0x20];
	v6 =	vnsel vm0, $0x0, v7  }
0x27: {  	v13 =	vadd.s32 $0x2, v2;
	vm1 =	vmmov vm4;
	v22 =	vld [tilespmem:$0x30];
	[tilespmem:v0+s22+$0x0] =	vst.idx.msk vm2, v5;
	v5 =	vadd.f32 v6, v5  }
0x28: {  	v6 =	vnsel vm1, $0x0, v9;
	v7 =	vld.idx.msk [tilespmem:v2+s22+$0x0], vm2  }
0x29: {  	v12 =	vadd.s32 $0x3, v2;
	[tilespmem:v14+s22+$0x0] =	vst.idx.msk vm0, v5;
	v5 =	vadd.f32 v6, v5  }
0x2a: {  	v6 =	vnsel vm3, $0x0, v10;
	v18 =	vld.idx.msk [tilespmem:v16+s22+$0x0], vm0  }
0x2b: {  	[tilespmem:v15+s22+$0x0] =	vst.idx.msk vm4, v5;
	v23 =	vadd.f32 v6, v5  }
0x2c: {  	v6 =	vadd.s32 $0x4, v1;
	v5 =	vld.idx.msk [tilespmem:v13+s22+$0x0], vm4  }
0x2d: {  	v11 =	vadd.s32 $0x4, v0;
	v10 =	vadd.s32 $0x1, v6;
	[tilespmem:v17+s22+$0x0] =	vst.idx.msk vm3, v23;
	v7 =	vnsel vm2, $0x0, v7  }
0x2e: {  	vm4 =	vlt.u32 v6, $0x200;
	vm6 =	vlt.u32 v10, $0x200;
	v19 =	vld.idx.msk [tilespmem:v12+s22+$0x0], vm3;
	v7 =	vadd.f32 v7, v8  }
0x2f: {  	v20 =	vadd.s32 $0x2, v6;
	v10 =	vadd.s32 $0x1, v11;
	v18 =	vnsel vm0, $0x0, v18  }
0x30: {  	vm8 =	vlt.u32 v20, $0x200;
	v20 =	vadd.f32 v18, v7  }
0x31: {  	v9 =	vadd.s32 $0x1, v3;
	[tilespmem:v2+s22+$0x0] =	vst.idx.msk vm2, v7;
	v5 =	vnsel vm1, $0x0, v5  }
0x32: {  	vm5 =	vmmov vm3;
	v8 =	vadd.s32 $0x2, v3;
	[tilespmem:v16+s22+$0x0] =	vst.idx.msk vm0, v20;
	v20 =	vadd.f32 v5, v20  }
0x33: {  	v7 =	vadd.s32 $0x2, v11;
	v18 =	vadd.s32 $0x3, v6;
	v24 =	vld.idx.msk [tilespmem:v3+s22+$0x0], vm2;
	v19 =	vnsel vm5, $0x0, v19  }
0x34: {  	vm7 =	vlt.u32 v18, $0x200;
	v27 =	vld.idx.msk [tilespmem:v10+s22+$0x0], vm6;
	v30 =	vadd.f32 v19, v20;
	v19 =	vimm.s32 $0x0  }
0x35: {  	v31 =	vadd.s32 $0x3, v11;
	v25 =	vld.idx.msk [tilespmem:v11+s22+$0x0], vm4;
	[tilespmem:v13+s22+$0x0] =	vst.idx.msk vm1, v20;
	v19 =	vsel vm4, $0xFFFFFFFF, v19  }
0x36: {  	v5 =	vadd.s32 $0x3, v3;
	v26 =	vld.idx.msk [tilespmem:v9+s22+$0x0], vm0;
	[tilespmem:$0x1FFC0] =	vst v19;
	v19 =	vimm.s32 $0x0  }
0x37: {  	vm4 =	vmmov vm4;
	v19 =	vsel vm6, $0xFFFFFFFF, v19  }
0x38: {  	vm13 =	vmmov vm2;
	vm11 =	vmmov vm0;
	vm15 =	vmmov vm6;
	v28 =	vld.idx.msk [tilespmem:v8+s22+$0x0], vm1;
	[tilespmem:$0x1FFD0] =	vst v19  }
0x39: {  	v24 =	vnsel vm13, $0x0, v24;
	v33 =	vnsel vm15, $0x0, v27;
	v27 =	vimm.s32 $0x0;
	v29 =	vld.idx.msk [tilespmem:v7+s22+$0x0], vm8  }
0x3a: {  	v32 =	vnsel vm4, $0x0, v25;
	v21 =	vadd.f32 v24, v21;
	[tilespmem:v12+s22+$0x0] =	vst.idx.msk vm3, v30;
	v34 =	vld.idx.msk [tilespmem:v31+s22+$0x0], vm7;
	v27 =	vsel vm8, $0xFFFFFFFF, v27  }
0x3b: {  	v20 =	vadd.s32 $0x4, v2;
	v23 =	vadd.f32 v32, v23;
	v26 =	vnsel vm11, $0x0, v26;
	v24 =	vld.idx.msk [tilespmem:v5+s22+$0x0], vm3;
	[tilespmem:$0x1FFE0] =	vst v27  }
0x3c: {  	vm12 =	vmmov vm1;
	[tilespmem:v3+s22+$0x0] =	vst.idx.msk vm2, v21;
	v21 =	vadd.f32 v26, v21  }
0x3d: {  	v25 =	vadd.s32 $0x1, v4;
	v26 =	vadd.f32 v33, v23;
	[tilespmem:v11+s22+$0x0] =	vst.idx.msk vm4, v23;
	v23 =	vnsel vm12, $0x0, v28  }
0x3e: {  	vm6 =	vmmov vm8;
	[tilespmem:v9+s22+$0x0] =	vst.idx.msk vm0, v21;
	v21 =	vadd.f32 v23, v21;
	v23 =	vimm.s32 $0x0  }
0x3f: {  	v32 =	vadd.s32 $0x1, v20;
	v36 =	vld.idx.msk [tilespmem:v4+s22+$0x0], vm2;
	v29 =	vnsel vm6, $0x0, v29;
	v23 =	vsel vm5, $0xFFFFFFFF, v23  }
0x40: {  	v27 =	vadd.s32 $0x2, v4;
	v40 =	vld.idx.msk [tilespmem:v20+s22+$0x0], vm4;
	[tilespmem:$0x1FFF0] =	vst v23  }
0x41: {  	vm14 =	vmmov vm5;
	[tilespmem:v10+s22+$0x0] =	vst.idx.msk vm15, v26;
	v26 =	vadd.f32 v29, v26  }
0x42: {  	v35 =	vadd.s32 $0x3, v20;
	v19 =	vadd.s32 $0x4, v11;
	v33 =	vadd.s32 $0x2, v20;
	v29 =	vmovc v5  }
0x43: {  	v28 =	vadd.s32 $0x3, v4;
	v23 =	vnsel vm14, $0x0, v24;
	v24 =	vnsel vm7, $0x0, v34;
	v37 =	vld.idx.msk [tilespmem:v25+s22+$0x0], vm0  }
0x44: {  	[tilespmem:v8+s22+$0x0] =	vst.idx.msk vm1, v21;
	v34 =	vadd.f32 v23, v21;
	v23 =	vadd.s32 $0x4, v3;
	v21 =	vadd.s32 $0x4, v6;
	v41 =	vld.idx.msk [tilespmem:v32+s22+$0x0], vm15  }
0x45: {  	s30 =	simm.s32 $0x4;
	v39 =	vadd.s32 $0x3, v23;
	v38 =	vld.idx.msk [tilespmem:v27+s22+$0x0], vm1;
	[tilespmem:v7+s22+$0x0] =	vst.idx.msk vm8, v26;
	v24 =	vadd.f32 v24, v26;
	v26 =	vmov v4  }
.LBB2_2:
0x46: {  	v42 =	vadd.s32 $0x2, v19;
	v43 =	vadd.s32 $0x1, v23  }
0x47: {  	v44 =	vadd.s32 $0x2, v23;
	v45 =	vld.idx.msk [tilespmem:v33+s22+$0x0], vm6;
	[tilespmem:v29+s22+$0x0] =	vst.idx.msk vm14, v34;
	v46 =	vmovc v19;
	v29 =	vmov v39;
	vm5 =	vmmov vm7  }
0x48: {  	vm9 =	vlt.u32 v21, $0x200;
	v39 =	vadd.s32 $0x1, v19;
	s30 =	sadd.s32 $0x4, s30;
	[tilespmem:v31+s22+$0x0] =	vst.idx.msk vm7, v24;
	v31 =	vnsel vm13, $0x0, v36;
	v36 =	vld.idx.msk [tilespmem:v28+s22+$0x0], vm14  }
0x49: {  	v47 =	vadd.s32 $0x1, v21;
	p0 =	slt.u32 s30, $0x208;
	v40 =	vnsel vm4, $0x0, v40;
	v48 =	vld.idx.msk [tilespmem:v35+s22+$0x0], vm7;
	v22 =	vadd.f32 v31, v22  }
0x4a: {  	vm10 =	vlt.u32 v47, $0x200;
	v30 =	vadd.f32 v40, v30;
	v31 =	vnsel vm11, $0x0, v37  }
0x4b: {  	v37 =	vadd.s32 $0x2, v21;
	v40 =	vnsel vm15, $0x0, v41;
	[tilespmem:v26+s22+$0x0] =	vst.idx.msk vm13, v22;
	v22 =	vadd.f32 v31, v22  }
0x4c: {  	vm8 =	vlt.u32 v37, $0x200;
	v31 =	vnsel vm12, $0x0, v38;
	[tilespmem:v20+s22+$0x0] =	vst.idx.msk vm4, v30;
	v30 =	vadd.f32 v40, v30  }
0x4d: {  	v37 =	vadd.s32 $0x3, v21;
	v40 =	vnsel vm6, $0x0, v45;
	v38 =	vld.idx.msk [tilespmem:v23+s22+$0x0], vm4;
	[tilespmem:v25+s22+$0x0] =	vst.idx.msk vm11, v22;
	v22 =	vadd.f32 v31, v22  }
0x4e: {  	vm7 =	vlt.u32 v37, $0x200;
	v25 =	vld.idx.msk [tilespmem:v19+s22+$0x0], vm9;
	[tilespmem:v32+s22+$0x0] =	vst.idx.msk vm15, v30;
	v30 =	vadd.f32 v40, v30;
	v32 =	vnsel vm14, $0x0, v36  }
0x4f: {  	v31 =	vadd.s32 $0x3, v19;
	v37 =	vnsel vm5, $0x0, v48;
	v36 =	vld.idx.msk [tilespmem:v43+s22+$0x0], vm15;
	[tilespmem:v27+s22+$0x0] =	vst.idx.msk vm12, v22;
	v22 =	vadd.f32 v32, v22  }
0x50: {  	vm13 =	vmmov vm4;
	vm4 =	vmmov vm9;
	v27 =	vld.idx.msk [tilespmem:v39+s22+$0x0], vm10;
	[tilespmem:v33+s22+$0x0] =	vst.idx.msk vm6, v30;
	v30 =	vadd.f32 v37, v30  }
0x51: {  	vm11 =	vmmov vm15;
	vm15 =	vmmov vm10;
	vm12 =	vmmov vm6;
	v37 =	vld.idx.msk [tilespmem:v44+s22+$0x0], vm6;
	[tilespmem:v28+s22+$0x0] =	vst.idx.msk vm14, v22  }
0x52: {  	v26 =	vadd.s32 $0x4, v26;
	vm6 =	vmmov vm8;
	vm14 =	vmmov vm5;
	v28 =	vld.idx.msk [tilespmem:v42+s22+$0x0], vm8;
	[tilespmem:v35+s22+$0x0] =	vst.idx.msk vm5, v30  }
0x53: {  	v20 =	vadd.s32 $0x4, v20;
	v19 =	vadd.s32 $0x4, v19;
	v32 =	vnsel vm13, $0x0, v38;
	v38 =	vld.idx.msk [tilespmem:v29+s22+$0x0], vm5  }
0x54: {  	v33 =	vnsel vm4, $0x0, v25;
	v34 =	vadd.f32 v32, v34;
	v25 =	vadd.s32 $0x1, v26;
	v45 =	vld.idx.msk [tilespmem:v31+s22+$0x0], vm7  }
0x55: {  	v32 =	vadd.s32 $0x1, v20;
	v24 =	vadd.f32 v33, v24;
	v33 =	vnsel vm11, $0x0, v36  }
0x56: {  	v35 =	vnsel vm15, $0x0, v27;
	v27 =	vadd.s32 $0x2, v26;
	[tilespmem:v23+s22+$0x0] =	vst.idx.msk vm13, v34;
	v34 =	vadd.f32 v33, v34  }
.Ltmp0:
0x57: {  	v33 =	vadd.s32 $0x2, v20;
	[tilespmem:v46+s22+$0x0] =	vst.idx.msk vm9, v24;
	v24 =	vadd.f32 v35, v24;
	v36 =	vld.idx.msk [tilespmem:v26+s22+$0x0], vm13;
	v35 =	vnsel vm12, $0x0, v37;
	(pc) =	sbr.rel @p0 .LBB2_2-.Ltmp0, $4  }
0x58: {  	v37 =	vnsel vm6, $0x0, v28;
	v28 =	vadd.s32 $0x3, v26;
	v40 =	vld.idx.msk [tilespmem:v20+s22+$0x0], vm9;
	[tilespmem:v43+s22+$0x0] =	vst.idx.msk vm11, v34;
	v34 =	vadd.f32 v35, v34  }
0x59: {  	v35 =	vadd.s32 $0x3, v20;
	v38 =	vnsel vm14, $0x0, v38;
	[tilespmem:v39+s22+$0x0] =	vst.idx.msk vm10, v24;
	v24 =	vadd.f32 v37, v24;
	v37 =	vld.idx.msk [tilespmem:v25+s22+$0x0], vm11  }
0x5a: {  	v23 =	vadd.s32 $0x4, v23;
	v43 =	vnsel vm7, $0x0, v45;
	v41 =	vld.idx.msk [tilespmem:v32+s22+$0x0], vm10;
	[tilespmem:v44+s22+$0x0] =	vst.idx.msk vm12, v34;
	v34 =	vadd.f32 v38, v34  }
0x5b: {  	v21 =	vadd.s32 $0x4, v21;
	v39 =	vadd.s32 $0x3, v23;
	[tilespmem:v42+s22+$0x0] =	vst.idx.msk vm8, v24;
	v24 =	vadd.f32 v43, v24;
	v38 =	vld.idx.msk [tilespmem:v27+s22+$0x0], vm12  }
0x5c: {  	_ =	sdelay $0x4  }
0x5d: {  	v42 =	vld.idx.msk [tilespmem:v33+s22+$0x0], vm6  }
0x5e: {  	[tilespmem:v31+s22+$0x0] =	vst.idx.msk vm7, v24;
	v31 =	vnsel vm4, $0x0, v40  }
0x5f: {  	v51 =	vadd.s32 $0x1, v23;
	v43 =	vld.idx.msk [tilespmem:v35+s22+$0x0], vm7;
	v30 =	vadd.f32 v31, v30  }
0x60: {  	v31 =	vnsel vm15, $0x0, v41  }
0x61: {  	v52 =	vadd.s32 $0x2, v23;
	vm9 =	vmmov vm7;
	[tilespmem:v20+s22+$0x0] =	vst.idx.msk vm4, v30;
	v30 =	vadd.f32 v31, v30  }
0x62: {  	v31 =	vld.idx.msk [tilespmem:v23+s22+$0x0], vm4;
	v42 =	vnsel vm6, $0x0, v42  }
0x63: {  	[tilespmem:v32+s22+$0x0] =	vst.idx.msk vm15, v30;
	v30 =	vadd.f32 v42, v30  }
0x64: {  	vm4 =	vmmov vm4;
	v32 =	vld.idx.msk [tilespmem:v51+s22+$0x0], vm15;
	v53 =	vnsel vm9, $0x0, v43  }
0x65: {  	[tilespmem:v33+s22+$0x0] =	vst.idx.msk vm6, v30;
	v30 =	vadd.f32 v53, v30  }
0x66: {  	v54 =	vadd.s32 $0x4, v26;
	v33 =	vld.idx.msk [tilespmem:v52+s22+$0x0], vm6  }
0x67: {  	vm5 =	vmmov vm15;
	v36 =	vnsel vm13, $0x0, v36;
	[tilespmem:v35+s22+$0x0] =	vst.idx.msk vm9, v30;
	v31 =	vnsel vm4, $0x0, v31  }
0x68: {  	[tilespmem:v29+s22+$0x0] =	vst.idx.msk vm14, v34;
	vm10 =	vmmov vm6;
	v55 =	vadd.s32 $0x1, v54;
	v29 =	vld.idx.msk [tilespmem:v39+s22+$0x0], vm9;
	v31 =	vadd.f32 v31, v34  }
0x69: {  	v56 =	vld.idx.msk [tilespmem:v28+s22+$0x0], vm14;
	v36 =	vadd.f32 v36, v22;
	v57 =	vadd.s32 $0x2, v54;
	v32 =	vnsel vm5, $0x0, v32  }
0x6a: {  	v22 =	vnsel vm11, $0x0, v37;
	vm7 =	vmmov vm9;
	[tilespmem:v23+s22+$0x0] =	vst.idx.msk vm4, v31;
	v31 =	vadd.f32 v32, v31  }
0x6b: {  	v37 =	vadd.f32 v22, v36;
	v58 =	vld.idx.msk [tilespmem:v54+s22+$0x0], vm4;
	v22 =	vnsel vm10, $0x0, v33  }
0x6c: {  	v59 =	vnsel vm12, $0x0, v38;
	[tilespmem:v51+s22+$0x0] =	vst.idx.msk vm15, v31;
	v22 =	vadd.f32 v22, v31;
	v31 =	vadd.s32 $0x3, v54  }
0x6d: {  	v33 =	vadd.f32 v59, v37;
	v60 =	vld.idx.msk [tilespmem:v55+s22+$0x0], vm15;
	v29 =	vnsel vm7, $0x0, v29  }
0x6e: {  	v35 =	vnsel vm14, $0x0, v56;
	[tilespmem:v52+s22+$0x0] =	vst.idx.msk vm10, v22;
	v22 =	vadd.f32 v29, v22  }
0x6f: {  	v29 =	vadd.f32 v35, v33;
	v61 =	vld.idx.msk [tilespmem:v57+s22+$0x0], vm10  }
0x70: {  	[tilespmem:v39+s22+$0x0] =	vst.idx.msk vm7, v22;
	v62 =	vnsel vm4, $0x0, v58  }
0x71: {  	v63 =	vld.idx.msk [tilespmem:v31+s22+$0x0], vm7;
	v39 =	vadd.f32 v62, v29  }
0x72: {  	[tilespmem:v26+s22+$0x0] =	vst.idx.msk vm13, v36;
	v26 =	vnsel vm5, $0x0, v60  }
0x73: {  	[tilespmem:v25+s22+$0x0] =	vst.idx.msk vm11, v37;
	v25 =	vadd.f32 v26, v39  }
0x74: {  	[tilespmem:v27+s22+$0x0] =	vst.idx.msk vm12, v33;
	v26 =	vnsel vm10, $0x0, v61  }
0x75: {  	[tilespmem:v28+s22+$0x0] =	vst.idx.msk vm14, v29;
	v26 =	vadd.f32 v26, v25  }
0x76: {  	[tilespmem:v54+s22+$0x0] =	vst.idx.msk vm4, v39;
	v27 =	vnsel vm7, $0x0, v63  }
0x77: {  	[tilespmem:v55+s22+$0x0] =	vst.idx.msk vm15, v25;
	v25 =	vadd.f32 v27, v26  }
0x78: {  	[tilespmem:v57+s22+$0x0] =	vst.idx.msk vm10, v26  }
0x79: {  	s30 =	simm.s32 $0x3;
	v20 =	vadd.s32 $0x4, v20;
	v23 =	vadd.s32 $0x4, v23;
	v26 =	vadd.s32 $0x4, v54;
	[tilespmem:v31+s22+$0x0] =	vst.idx.msk vm7, v25  }
.LBB2_4:
0x7a: {  	vm4 =	vlt.u32 v21, $0x200;
	_ =	sdelay $0x5  }
0x7b: {  	v27 =	vld.idx.msk [tilespmem:v19+s22+$0x0], vm4;
	_ =	sdelay $0x4  }
0x7c: {  	v27 =	vnsel vm4, $0x0, v27  }
0x7d: {  	v24 =	vadd.f32 v27, v24;
	_ =	sdelay $0x1  }
0x7e: {  	[tilespmem:v19+s22+$0x0] =	vst.idx.msk vm4, v24  }
0x7f: {  	v27 =	vld.idx.msk [tilespmem:v20+s22+$0x0], vm4;
	_ =	sdelay $0x4  }
0x80: {  	v27 =	vnsel vm4, $0x0, v27  }
0x81: {  	v30 =	vadd.f32 v27, v30;
	_ =	sdelay $0x1  }
0x82: {  	[tilespmem:v20+s22+$0x0] =	vst.idx.msk vm4, v30  }
0x83: {  	v27 =	vld.idx.msk [tilespmem:v23+s22+$0x0], vm4;
	_ =	sdelay $0x4  }
0x84: {  	v27 =	vnsel vm4, $0x0, v27  }
0x85: {  	v22 =	vadd.f32 v27, v22;
	_ =	sdelay $0x1  }
0x86: {  	[tilespmem:v23+s22+$0x0] =	vst.idx.msk vm4, v22  }
0x87: {  	v27 =	vld.idx.msk [tilespmem:v26+s22+$0x0], vm4;
	_ =	sdelay $0x2  }
0x88: {  	p0 =	sne.s32 s30, $0x1  }
.Ltmp1:
0x89: {  	_ = 	snop;
	(pc) =	sbr.rel @p0 .LBB2_4-.Ltmp1, $4  }
0x8a: {  	v27 =	vnsel vm4, $0x0, v27  }
0x8b: {  	v25 =	vadd.f32 v27, v25  }
0x8c: {  	v21 =	vadd.s32 $0x1, v21;
	v19 =	vadd.s32 $0x1, v19  }
0x8d: {  	s30 =	sadd.s32 $0xFFFFFFFF, s30;
	v20 =	vadd.s32 $0x1, v20;
	v23 =	vadd.s32 $0x1, v23;
	[tilespmem:v26+s22+$0x0] =	vst.idx.msk vm4, v25;
	v26 =	vadd.s32 $0x1, v26  }
0x8e: {  	[hbm4b:s6+s1] =	stream.linear.scatter [tilespmem:s22], [sflag:$0x3], $0x8000, $0x38;
	[tilespmem:$0x10200] =	vst v63  }
0x8f: {  	_ =	swait.ge [sflag:s25], $0x8000  }
0x90: {  	[sflag:s25] =	ssyncset.done $0x0  }
0x91: {  	[sflag:s25] =	ssyncadd.s32 $0xFFFF8000  }
0x92: {  	[tilespmem:s22], [sflag:$0x1] =	stream.linear.gather [hbm4b:s7+s1], $0x8000, $0x38;
	[tilespmem:$0x10200] =	vst v63  }
0x93: {  	_ =	swait.ge [sflag:s26], $0x8000  }
0x94: {  	v19 =	vld [tilespmem:$0x1FF90];
	_ =	sdelay $0x4  }
0x95: {  	vm4 =	vnez.u8 v19  }
0x96: {  	v21 =	vld [tilespmem:$0x1FFA0];
	_ =	sdelay $0x2  }
0x97: {  	[sflag:s26] =	ssyncset.done $0x0  }
0x98: {  	[sflag:s26] =	ssyncadd.s32 $0xFFFF8000  }
0x99: {  	v19 =	vld.idx.msk [tilespmem:v0+s23+$0x0], vm4;
	vm4 =	vnez.u8 v21  }
0x9a: {  	v22 =	vld [tilespmem:$0x1FFB0];
	_ =	sdelay $0x4  }
0x9b: {  	v21 =	vld.idx.msk [tilespmem:v14+s23+$0x0], vm4;
	vm4 =	vnez.u8 v22;
	_ =	sdelay $0x1  }
0x9c: {  	v20 =	vld [tilespmem:$0x40];
	_ =	sdelay $0x2  }
0x9d: {  	v23 =	vld [tilespmem:$0x50]  }
0x9e: {  	v19 =	vnsel vm2, $0x0, v19;
	v24 =	vld.idx.msk [tilespmem:v15+s23+$0x0], vm4  }
0x9f: {  	v25 =	vld [tilespmem:$0x60];
	v19 =	vadd.f32 v19, v20  }
0xa0: {  	v26 =	vld.idx.msk [tilespmem:v17+s23+$0x0], vm3;
	v20 =	vnsel vm0, $0x0, v21  }
0xa1: {  	v22 =	vld [tilespmem:$0x70];
	[tilespmem:v0+s23+$0x0] =	vst.idx.msk vm2, v19;
	v19 =	vadd.f32 v20, v19  }
0xa2: {  	v20 =	vld.idx.msk [tilespmem:v2+s23+$0x0], vm2  }
0xa3: {  	[tilespmem:v14+s23+$0x0] =	vst.idx.msk vm0, v19;
	v21 =	vnsel vm1, $0x0, v24  }
0xa4: {  	v19 =	vadd.f32 v21, v19;
	v21 =	vld.idx.msk [tilespmem:v16+s23+$0x0], vm0;
	_ =	sdelay $0x1  }
0xa5: {  	v24 =	vnsel vm3, $0x0, v26;
	[tilespmem:v15+s23+$0x0] =	vst.idx.msk vm1, v19  }
0xa6: {  	v20 =	vnsel vm2, $0x0, v20;
	v24 =	vadd.f32 v24, v19;
	v19 =	vld.idx.msk [tilespmem:v13+s23+$0x0], vm1  }
0xa7: {  	v20 =	vadd.f32 v20, v23  }
0xa8: {  	v21 =	vnsel vm0, $0x0, v21  }
0xa9: {  	[tilespmem:v2+s23+$0x0] =	vst.idx.msk vm2, v20;
	v21 =	vadd.f32 v21, v20  }
0xaa: {  	[tilespmem:v17+s23+$0x0] =	vst.idx.msk vm3, v24  }
0xab: {  	v23 =	vld [tilespmem:$0x1FFC0];
	v19 =	vnsel vm1, $0x0, v19;
	[tilespmem:v16+s23+$0x0] =	vst.idx.msk vm0, v21  }
0xac: {  	v19 =	vadd.f32 v19, v21;
	v21 =	vld [tilespmem:$0x1FFF0]  }
0xad: {  	v26 =	vld.idx.msk [tilespmem:v12+s23+$0x0], vm3;
	_ =	sdelay $0x3  }
0xae: {  	vm5 =	vnez.u8 v21  }
0xaf: {  	v21 =	vnsel vm5, $0x0, v26  }
0xb0: {  	v29 =	vadd.f32 v21, v19;
	v21 =	vld [tilespmem:$0x1FFD0];
	_ =	sdelay $0x4  }
0xb1: {  	[tilespmem:v13+s23+$0x0] =	vst.idx.msk vm1, v19;
	vm8 =	vnez.u8 v21  }
0xb2: {  	v19 =	vld [tilespmem:$0x1FFE0]  }
0xb3: {  	vm4 =	vnez.u8 v23;
	_ =	sdelay $0x1  }
0xb4: {  	vm7 =	vlt.u32 v18, $0x200  }
0xb5: {  	v31 =	vadd.s32 $0x3, v11  }
0xb6: {  	vm15 =	vmmov vm8;
	v21 =	vld.idx.msk [tilespmem:v10+s23+$0x0], vm8;
	vm8 =	vnez.u8 v19  }
0xb7: {  	v20 =	vld.idx.msk [tilespmem:v3+s23+$0x0], vm2  }
0xb8: {  	v23 =	vld.idx.msk [tilespmem:v11+s23+$0x0], vm4  }
0xb9: {  	v27 =	vld.idx.msk [tilespmem:v9+s23+$0x0], vm0  }
0xba: {  	v38 =	vld.idx.msk [tilespmem:v31+s23+$0x0], vm7;
	vm6 =	vmmov vm4  }
0xbb: {  	vm14 =	vmmov vm2;
	vm13 =	vmmov vm0;
	vm12 =	vmmov vm1;
	v28 =	vld.idx.msk [tilespmem:v8+s23+$0x0], vm1  }
0xbc: {  	vm11 =	vmmov vm5;
	v26 =	vnsel vm14, $0x0, v20;
	v20 =	vadd.s32 $0x4, v2;
	[tilespmem:v12+s23+$0x0] =	vst.idx.msk vm5, v29;
	v30 =	vld.idx.msk [tilespmem:v7+s23+$0x0], vm8  }
0xbd: {  	v25 =	vadd.f32 v26, v25;
	v26 =	vadd.s32 $0x1, v4;
	v34 =	vld.idx.msk [tilespmem:v5+s23+$0x0], vm5;
	v23 =	vnsel vm6, $0x0, v23  }
0xbe: {  	v32 =	vadd.s32 $0x1, v20;
	v23 =	vadd.f32 v23, v24;
	v24 =	vnsel vm13, $0x0, v27  }
0xbf: {  	[tilespmem:v3+s23+$0x0] =	vst.idx.msk vm2, v25;
	v27 =	vadd.s32 $0x2, v4;
	v24 =	vadd.f32 v24, v25;
	v21 =	vnsel vm15, $0x0, v21  }
0xc0: {  	v36 =	vld.idx.msk [tilespmem:v4+s23+$0x0], vm2;
	[tilespmem:v11+s23+$0x0] =	vst.idx.msk vm6, v23;
	vm4 =	vmmov vm8;
	v21 =	vadd.f32 v21, v23;
	v23 =	vnsel vm12, $0x0, v28  }
0xc1: {  	v33 =	vadd.s32 $0x2, v20;
	v40 =	vld.idx.msk [tilespmem:v20+s23+$0x0], vm6;
	[tilespmem:v9+s23+$0x0] =	vst.idx.msk vm0, v24;
	v23 =	vadd.f32 v23, v24;
	v25 =	vnsel vm4, $0x0, v30  }
0xc2: {  	v24 =	vnsel vm11, $0x0, v34;
	[tilespmem:v10+s23+$0x0] =	vst.idx.msk vm15, v21;
	v30 =	vmovc v5;
	v21 =	vadd.f32 v25, v21;
	v25 =	vnsel vm7, $0x0, v38  }
0xc3: {  	v37 =	vld.idx.msk [tilespmem:v26+s23+$0x0], vm0;
	v28 =	vadd.s32 $0x3, v4;
	[tilespmem:v8+s23+$0x0] =	vst.idx.msk vm1, v23;
	v34 =	vadd.f32 v24, v23;
	v23 =	vadd.s32 $0x4, v3  }
0xc4: {  	v35 =	vadd.s32 $0x3, v20;
	v19 =	vadd.s32 $0x4, v11;
	v41 =	vld.idx.msk [tilespmem:v32+s23+$0x0], vm15;
	v39 =	vadd.s32 $0x3, v23  }
0xc5: {  	s30 =	simm.s32 $0x4;
	v38 =	vld.idx.msk [tilespmem:v27+s23+$0x0], vm1;
	[tilespmem:v7+s23+$0x0] =	vst.idx.msk vm8, v21;
	v24 =	vadd.f32 v25, v21;
	v21 =	vadd.s32 $0x4, v6;
	v25 =	vmov v4  }
.LBB2_6:
0xc6: {  	v42 =	vadd.s32 $0x2, v19;
	v43 =	vadd.s32 $0x1, v23  }
0xc7: {  	v44 =	vadd.s32 $0x2, v23;
	v45 =	vld.idx.msk [tilespmem:v33+s23+$0x0], vm4;
	[tilespmem:v30+s23+$0x0] =	vst.idx.msk vm11, v34;
	v46 =	vmovc v19;
	v30 =	vmov v39;
	vm5 =	vmmov vm7  }
0xc8: {  	vm9 =	vlt.u32 v21, $0x200;
	v39 =	vadd.s32 $0x1, v19;
	s30 =	sadd.s32 $0x4, s30;
	[tilespmem:v31+s23+$0x0] =	vst.idx.msk vm7, v24;
	v31 =	vnsel vm14, $0x0, v36;
	v36 =	vld.idx.msk [tilespmem:v28+s23+$0x0], vm11  }
0xc9: {  	v47 =	vadd.s32 $0x1, v21;
	p0 =	slt.u32 s30, $0x208;
	v40 =	vnsel vm6, $0x0, v40;
	v48 =	vld.idx.msk [tilespmem:v35+s23+$0x0], vm7;
	v22 =	vadd.f32 v31, v22  }
0xca: {  	vm10 =	vlt.u32 v47, $0x200;
	v29 =	vadd.f32 v40, v29;
	v31 =	vnsel vm13, $0x0, v37  }
0xcb: {  	v37 =	vadd.s32 $0x2, v21;
	v40 =	vnsel vm15, $0x0, v41;
	[tilespmem:v25+s23+$0x0] =	vst.idx.msk vm14, v22;
	v22 =	vadd.f32 v31, v22  }
0xcc: {  	vm8 =	vlt.u32 v37, $0x200;
	v31 =	vnsel vm12, $0x0, v38;
	[tilespmem:v20+s23+$0x0] =	vst.idx.msk vm6, v29;
	v29 =	vadd.f32 v40, v29  }
0xcd: {  	v37 =	vadd.s32 $0x3, v21;
	v40 =	vnsel vm4, $0x0, v45;
	v38 =	vld.idx.msk [tilespmem:v23+s23+$0x0], vm6;
	[tilespmem:v26+s23+$0x0] =	vst.idx.msk vm13, v22;
	v22 =	vadd.f32 v31, v22  }
0xce: {  	vm7 =	vlt.u32 v37, $0x200;
	v26 =	vld.idx.msk [tilespmem:v19+s23+$0x0], vm9;
	[tilespmem:v32+s23+$0x0] =	vst.idx.msk vm15, v29;
	v29 =	vadd.f32 v40, v29;
	v32 =	vnsel vm11, $0x0, v36  }
0xcf: {  	v31 =	vadd.s32 $0x3, v19;
	v37 =	vnsel vm5, $0x0, v48;
	v36 =	vld.idx.msk [tilespmem:v43+s23+$0x0], vm15;
	[tilespmem:v27+s23+$0x0] =	vst.idx.msk vm12, v22;
	v22 =	vadd.f32 v32, v22  }
0xd0: {  	vm14 =	vmmov vm6;
	vm6 =	vmmov vm9;
	v27 =	vld.idx.msk [tilespmem:v39+s23+$0x0], vm10;
	[tilespmem:v33+s23+$0x0] =	vst.idx.msk vm4, v29;
	v29 =	vadd.f32 v37, v29  }
0xd1: {  	vm13 =	vmmov vm15;
	vm15 =	vmmov vm10;
	vm12 =	vmmov vm4;
	v37 =	vld.idx.msk [tilespmem:v44+s23+$0x0], vm4;
	[tilespmem:v28+s23+$0x0] =	vst.idx.msk vm11, v22  }
0xd2: {  	v25 =	vadd.s32 $0x4, v25;
	vm4 =	vmmov vm8;
	vm11 =	vmmov vm5;
	v28 =	vld.idx.msk [tilespmem:v42+s23+$0x0], vm8;
	[tilespmem:v35+s23+$0x0] =	vst.idx.msk vm5, v29  }
0xd3: {  	v20 =	vadd.s32 $0x4, v20;
	v19 =	vadd.s32 $0x4, v19;
	v32 =	vnsel vm14, $0x0, v38;
	v38 =	vld.idx.msk [tilespmem:v30+s23+$0x0], vm5  }
0xd4: {  	v33 =	vnsel vm6, $0x0, v26;
	v34 =	vadd.f32 v32, v34;
	v26 =	vadd.s32 $0x1, v25;
	v45 =	vld.idx.msk [tilespmem:v31+s23+$0x0], vm7  }
0xd5: {  	v32 =	vadd.s32 $0x1, v20;
	v24 =	vadd.f32 v33, v24;
	v33 =	vnsel vm13, $0x0, v36  }
0xd6: {  	v35 =	vnsel vm15, $0x0, v27;
	v27 =	vadd.s32 $0x2, v25;
	[tilespmem:v23+s23+$0x0] =	vst.idx.msk vm14, v34;
	v34 =	vadd.f32 v33, v34  }
.Ltmp2:
0xd7: {  	v33 =	vadd.s32 $0x2, v20;
	[tilespmem:v46+s23+$0x0] =	vst.idx.msk vm9, v24;
	v24 =	vadd.f32 v35, v24;
	v36 =	vld.idx.msk [tilespmem:v25+s23+$0x0], vm14;
	v35 =	vnsel vm12, $0x0, v37;
	(pc) =	sbr.rel @p0 .LBB2_6-.Ltmp2, $4  }
0xd8: {  	v37 =	vnsel vm4, $0x0, v28;
	v28 =	vadd.s32 $0x3, v25;
	v40 =	vld.idx.msk [tilespmem:v20+s23+$0x0], vm9;
	[tilespmem:v43+s23+$0x0] =	vst.idx.msk vm13, v34;
	v34 =	vadd.f32 v35, v34  }
0xd9: {  	v35 =	vadd.s32 $0x3, v20;
	v38 =	vnsel vm11, $0x0, v38;
	[tilespmem:v39+s23+$0x0] =	vst.idx.msk vm10, v24;
	v24 =	vadd.f32 v37, v24;
	v37 =	vld.idx.msk [tilespmem:v26+s23+$0x0], vm13  }
0xda: {  	v23 =	vadd.s32 $0x4, v23;
	v43 =	vnsel vm7, $0x0, v45;
	v41 =	vld.idx.msk [tilespmem:v32+s23+$0x0], vm10;
	[tilespmem:v44+s23+$0x0] =	vst.idx.msk vm12, v34;
	v34 =	vadd.f32 v38, v34  }
0xdb: {  	v21 =	vadd.s32 $0x4, v21;
	v39 =	vadd.s32 $0x3, v23;
	[tilespmem:v42+s23+$0x0] =	vst.idx.msk vm8, v24;
	v24 =	vadd.f32 v43, v24;
	v38 =	vld.idx.msk [tilespmem:v27+s23+$0x0], vm12  }
0xdc: {  	_ =	sdelay $0x4  }
0xdd: {  	v42 =	vld.idx.msk [tilespmem:v33+s23+$0x0], vm4  }
0xde: {  	[tilespmem:v31+s23+$0x0] =	vst.idx.msk vm7, v24;
	v31 =	vnsel vm6, $0x0, v40  }
0xdf: {  	v51 =	vadd.s32 $0x1, v23;
	v43 =	vld.idx.msk [tilespmem:v35+s23+$0x0], vm7;
	v29 =	vadd.f32 v31, v29  }
0xe0: {  	v31 =	vnsel vm15, $0x0, v41  }
0xe1: {  	v52 =	vadd.s32 $0x2, v23;
	vm9 =	vmmov vm7;
	[tilespmem:v20+s23+$0x0] =	vst.idx.msk vm6, v29;
	v29 =	vadd.f32 v31, v29  }
0xe2: {  	v31 =	vld.idx.msk [tilespmem:v23+s23+$0x0], vm6;
	v42 =	vnsel vm4, $0x0, v42  }
0xe3: {  	[tilespmem:v32+s23+$0x0] =	vst.idx.msk vm15, v29;
	v29 =	vadd.f32 v42, v29  }
0xe4: {  	vm5 =	vmmov vm6;
	v32 =	vld.idx.msk [tilespmem:v51+s23+$0x0], vm15;
	v53 =	vnsel vm9, $0x0, v43  }
0xe5: {  	[tilespmem:v33+s23+$0x0] =	vst.idx.msk vm4, v29;
	v29 =	vadd.f32 v53, v29  }
0xe6: {  	v54 =	vadd.s32 $0x4, v25;
	v33 =	vld.idx.msk [tilespmem:v52+s23+$0x0], vm4  }
0xe7: {  	vm10 =	vmmov vm15;
	v36 =	vnsel vm14, $0x0, v36;
	[tilespmem:v35+s23+$0x0] =	vst.idx.msk vm9, v29;
	v31 =	vnsel vm5, $0x0, v31  }
0xe8: {  	[tilespmem:v30+s23+$0x0] =	vst.idx.msk vm11, v34;
	v55 =	vadd.s32 $0x1, v54;
	vm4 =	vmmov vm4;
	v30 =	vld.idx.msk [tilespmem:v39+s23+$0x0], vm9;
	v31 =	vadd.f32 v31, v34  }
0xe9: {  	v56 =	vld.idx.msk [tilespmem:v28+s23+$0x0], vm11;
	v36 =	vadd.f32 v36, v22;
	v57 =	vadd.s32 $0x2, v54;
	v32 =	vnsel vm10, $0x0, v32  }
0xea: {  	v22 =	vnsel vm13, $0x0, v37;
	vm7 =	vmmov vm9;
	[tilespmem:v23+s23+$0x0] =	vst.idx.msk vm5, v31;
	v31 =	vadd.f32 v32, v31  }
0xeb: {  	v37 =	vadd.f32 v22, v36;
	v58 =	vld.idx.msk [tilespmem:v54+s23+$0x0], vm5;
	v22 =	vnsel vm4, $0x0, v33  }
0xec: {  	v59 =	vnsel vm12, $0x0, v38;
	[tilespmem:v51+s23+$0x0] =	vst.idx.msk vm15, v31;
	v22 =	vadd.f32 v22, v31;
	v31 =	vadd.s32 $0x3, v54  }
0xed: {  	v33 =	vadd.f32 v59, v37;
	v60 =	vld.idx.msk [tilespmem:v55+s23+$0x0], vm15;
	v30 =	vnsel vm7, $0x0, v30  }
0xee: {  	v35 =	vnsel vm11, $0x0, v56;
	[tilespmem:v52+s23+$0x0] =	vst.idx.msk vm4, v22;
	v22 =	vadd.f32 v30, v22  }
0xef: {  	v30 =	vadd.f32 v35, v33;
	v61 =	vld.idx.msk [tilespmem:v57+s23+$0x0], vm4  }
0xf0: {  	[tilespmem:v39+s23+$0x0] =	vst.idx.msk vm7, v22;
	v62 =	vnsel vm5, $0x0, v58  }
0xf1: {  	v63 =	vld.idx.msk [tilespmem:v31+s23+$0x0], vm7;
	v39 =	vadd.f32 v62, v30  }
0xf2: {  	[tilespmem:v25+s23+$0x0] =	vst.idx.msk vm14, v36;
	v25 =	vnsel vm10, $0x0, v60  }
0xf3: {  	[tilespmem:v26+s23+$0x0] =	vst.idx.msk vm13, v37;
	v25 =	vadd.f32 v25, v39  }
0xf4: {  	[tilespmem:v27+s23+$0x0] =	vst.idx.msk vm12, v33;
	v26 =	vnsel vm4, $0x0, v61  }
0xf5: {  	[tilespmem:v28+s23+$0x0] =	vst.idx.msk vm11, v30;
	v26 =	vadd.f32 v26, v25  }
0xf6: {  	[tilespmem:v54+s23+$0x0] =	vst.idx.msk vm5, v39;
	v27 =	vnsel vm7, $0x0, v63  }
0xf7: {  	[tilespmem:v55+s23+$0x0] =	vst.idx.msk vm15, v25;
	v25 =	vadd.f32 v27, v26  }
0xf8: {  	[tilespmem:v57+s23+$0x0] =	vst.idx.msk vm4, v26  }
0xf9: {  	s30 =	simm.s32 $0x3;
	v20 =	vadd.s32 $0x4, v20;
	v23 =	vadd.s32 $0x4, v23;
	v26 =	vadd.s32 $0x4, v54;
	[tilespmem:v31+s23+$0x0] =	vst.idx.msk vm7, v25  }
.LBB2_8:
0xfa: {  	vm4 =	vlt.u32 v21, $0x200;
	_ =	sdelay $0x5  }
0xfb: {  	v27 =	vld.idx.msk [tilespmem:v19+s23+$0x0], vm4;
	_ =	sdelay $0x4  }
0xfc: {  	v27 =	vnsel vm4, $0x0, v27  }
0xfd: {  	v24 =	vadd.f32 v27, v24;
	_ =	sdelay $0x1  }
0xfe: {  	[tilespmem:v19+s23+$0x0] =	vst.idx.msk vm4, v24  }
0xff: {  	v27 =	vld.idx.msk [tilespmem:v20+s23+$0x0], vm4;
	_ =	sdelay $0x4  }
0x100: {  	v27 =	vnsel vm4, $0x0, v27  }
0x101: {  	v29 =	vadd.f32 v27, v29;
	_ =	sdelay $0x1  }
0x102: {  	[tilespmem:v20+s23+$0x0] =	vst.idx.msk vm4, v29  }
0x103: {  	v27 =	vld.idx.msk [tilespmem:v23+s23+$0x0], vm4;
	_ =	sdelay $0x4  }
0x104: {  	v27 =	vnsel vm4, $0x0, v27  }
0x105: {  	v22 =	vadd.f32 v27, v22;
	_ =	sdelay $0x1  }
0x106: {  	[tilespmem:v23+s23+$0x0] =	vst.idx.msk vm4, v22  }
0x107: {  	v27 =	vld.idx.msk [tilespmem:v26+s23+$0x0], vm4;
	_ =	sdelay $0x2  }
0x108: {  	p0 =	sne.s32 s30, $0x1  }
.Ltmp3:
0x109: {  	_ = 	snop;
	(pc) =	sbr.rel @p0 .LBB2_8-.Ltmp3, $4  }
0x10a: {  	v27 =	vnsel vm4, $0x0, v27  }
0x10b: {  	v25 =	vadd.f32 v27, v25  }
0x10c: {  	v21 =	vadd.s32 $0x1, v21;
	v19 =	vadd.s32 $0x1, v19  }
0x10d: {  	s30 =	sadd.s32 $0xFFFFFFFF, s30;
	v20 =	vadd.s32 $0x1, v20;
	v23 =	vadd.s32 $0x1, v23;
	[tilespmem:v26+s23+$0x0] =	vst.idx.msk vm4, v25;
	v26 =	vadd.s32 $0x1, v26  }
0x10e: {  	[hbm4b:s8+s1] =	stream.linear.scatter [tilespmem:s23], [sflag:$0x4], $0x8000, $0x38;
	[tilespmem:$0x10200] =	vst v63  }
0x10f: {  	_ =	swait.ge [sflag:s28], $0x8000  }
0x110: {  	[sflag:s28] =	ssyncset.done $0x0  }
0x111: {  	[sflag:s28] =	ssyncadd.s32 $0xFFFF8000  }
0x112: {  	[tilespmem:s23], [sflag:$0x2] =	stream.linear.gather [hbm4b:s9+s1], $0x8000, $0x38;
	[tilespmem:$0x10200] =	vst v63  }
0x113: {  	_ =	swait.ge [sflag:s24], $0x8000  }
0x114: {  	v19 =	vld [tilespmem:$0x1FF90];
	_ =	sdelay $0x4  }
0x115: {  	vm4 =	vnez.u8 v19  }
0x116: {  	v21 =	vld [tilespmem:$0x1FFA0];
	_ =	sdelay $0x2  }
0x117: {  	[sflag:s24] =	ssyncset.done $0x0  }
0x118: {  	[sflag:s24] =	ssyncadd.s32 $0xFFFF8000  }
0x119: {  	v19 =	vld.idx.msk [tilespmem:v0+s22+$0x0], vm4;
	vm4 =	vnez.u8 v21  }
0x11a: {  	v23 =	vld [tilespmem:$0x1FFB0];
	_ =	sdelay $0x4  }
0x11b: {  	v21 =	vld.idx.msk [tilespmem:v14+s22+$0x0], vm4;
	vm4 =	vnez.u8 v23;
	_ =	sdelay $0x1  }
0x11c: {  	v20 =	vld [tilespmem:$0x80];
	_ =	sdelay $0x2  }
0x11d: {  	v22 =	vld [tilespmem:$0x90]  }
0x11e: {  	v19 =	vnsel vm2, $0x0, v19;
	v24 =	vld.idx.msk [tilespmem:v15+s22+$0x0], vm4  }
0x11f: {  	v25 =	vld [tilespmem:$0xA0];
	v19 =	vadd.f32 v19, v20  }
0x120: {  	v26 =	vld.idx.msk [tilespmem:v17+s22+$0x0], vm3;
	v20 =	vnsel vm0, $0x0, v21  }
0x121: {  	v23 =	vld [tilespmem:$0xB0];
	[tilespmem:v0+s22+$0x0] =	vst.idx.msk vm2, v19;
	v19 =	vadd.f32 v20, v19  }
0x122: {  	v20 =	vld.idx.msk [tilespmem:v2+s22+$0x0], vm2  }
0x123: {  	[tilespmem:v14+s22+$0x0] =	vst.idx.msk vm0, v19;
	v21 =	vnsel vm1, $0x0, v24  }
0x124: {  	v19 =	vadd.f32 v21, v19;
	v21 =	vld.idx.msk [tilespmem:v16+s22+$0x0], vm0;
	_ =	sdelay $0x1  }
0x125: {  	v24 =	vnsel vm3, $0x0, v26;
	[tilespmem:v15+s22+$0x0] =	vst.idx.msk vm1, v19  }
0x126: {  	v20 =	vnsel vm2, $0x0, v20;
	v24 =	vadd.f32 v24, v19;
	v19 =	vld.idx.msk [tilespmem:v13+s22+$0x0], vm1  }
0x127: {  	v20 =	vadd.f32 v20, v22  }
0x128: {  	v21 =	vnsel vm0, $0x0, v21  }
0x129: {  	[tilespmem:v2+s22+$0x0] =	vst.idx.msk vm2, v20;
	v21 =	vadd.f32 v21, v20  }
0x12a: {  	[tilespmem:v17+s22+$0x0] =	vst.idx.msk vm3, v24  }
0x12b: {  	v27 =	vld [tilespmem:$0x1FFC0];
	v19 =	vnsel vm1, $0x0, v19;
	[tilespmem:v16+s22+$0x0] =	vst.idx.msk vm0, v21  }
0x12c: {  	v19 =	vadd.f32 v19, v21;
	v21 =	vld [tilespmem:$0x1FFF0]  }
0x12d: {  	v26 =	vld.idx.msk [tilespmem:v12+s22+$0x0], vm3;
	_ =	sdelay $0x3  }
0x12e: {  	vm5 =	vnez.u8 v21  }
0x12f: {  	v21 =	vnsel vm5, $0x0, v26  }
0x130: {  	v29 =	vadd.f32 v21, v19;
	v21 =	vld [tilespmem:$0x1FFD0]  }
0x131: {  	[tilespmem:v13+s22+$0x0] =	vst.idx.msk vm1, v19  }
0x132: {  	v19 =	vld [tilespmem:$0x1FFE0]  }
0x133: {  	vm4 =	vnez.u8 v27;
	_ =	sdelay $0x1  }
0x134: {  	vm6 =	vnez.u8 v21;
	_ =	sdelay $0x1  }
0x135: {  	vm8 =	vnez.u8 v19  }
0x136: {  	v22 =	vld.idx.msk [tilespmem:v3+s22+$0x0], vm2  }
0x137: {  	v27 =	vld.idx.msk [tilespmem:v11+s22+$0x0], vm4  }
0x138: {  	vm7 =	vlt.u32 v18, $0x200;
	v28 =	vld.idx.msk [tilespmem:v9+s22+$0x0], vm0  }
0x139: {  	v31 =	vadd.s32 $0x3, v11;
	vm15 =	vmmov vm4;
	v30 =	vld.idx.msk [tilespmem:v10+s22+$0x0], vm6;
	_ =	sdelay $0x1  }
0x13a: {  	vm14 =	vmmov vm2;
	v35 =	vld.idx.msk [tilespmem:v7+s22+$0x0], vm8  }
0x13b: {  	vm13 =	vmmov vm0;
	v20 =	vor.u32 $0x6000, v0;
	v27 =	vnsel vm15, $0x0, v27  }
0x13c: {  	v22 =	vnsel vm14, $0x0, v22;
	vm4 =	vmmov vm6;
	v24 =	vadd.f32 v27, v24  }
0x13d: {  	v22 =	vadd.f32 v22, v25;
	v25 =	vld.idx.msk [tilespmem:v31+s22+$0x0], vm7;
	v27 =	vnsel vm13, $0x0, v28;
	v28 =	vnsel vm4, $0x0, v30  }
0x13e: {  	v34 =	vld.idx.msk [tilespmem:v8+s22+$0x0], vm1;
	v21 =	vadd.s32 $0x4, v2;
	[tilespmem:v11+s22+$0x0] =	vst.idx.msk vm15, v24;
	vm6 =	vmmov vm8;
	v24 =	vadd.f32 v28, v24  }
0x13f: {  	[tilespmem:v12+s22+$0x0] =	vst.idx.msk vm5, v29;
	v30 =	vnsel vm6, $0x0, v35  }
0x140: {  	v26 =	vadd.s32 $0x1, v20;
	v38 =	vld.idx.msk [tilespmem:v5+s22+$0x0], vm5;
	v30 =	vadd.f32 v30, v24  }
0x141: {  	[tilespmem:v3+s22+$0x0] =	vst.idx.msk vm2, v22;
	v32 =	vadd.s32 $0x1, v21;
	v22 =	vadd.f32 v27, v22  }
0x142: {  	vm12 =	vmmov vm1;
	v25 =	vnsel vm7, $0x0, v25;
	v36 =	vld.idx.msk [tilespmem:v20+s22+$0x0], vm2;
	v27 =	vadd.s32 $0x2, v20  }
0x143: {  	vm11 =	vmmov vm5;
	v33 =	vadd.s32 $0x2, v21;
	[tilespmem:v9+s22+$0x0] =	vst.idx.msk vm0, v22;
	v40 =	vld.idx.msk [tilespmem:v21+s22+$0x0], vm15;
	v28 =	vnsel vm12, $0x0, v34  }
0x144: {  	v22 =	vadd.f32 v28, v22;
	[tilespmem:v7+s22+$0x0] =	vst.idx.msk vm8, v30;
	v25 =	vadd.f32 v25, v30;
	v30 =	vmov v5  }
0x145: {  	v37 =	vld.idx.msk [tilespmem:v26+s22+$0x0], vm0;
	v28 =	vadd.s32 $0x3, v20;
	[tilespmem:v10+s22+$0x0] =	vst.idx.msk vm4, v24;
	v24 =	vnsel vm11, $0x0, v38  }
0x146: {  	v35 =	vadd.s32 $0x3, v21;
	v41 =	vld.idx.msk [tilespmem:v32+s22+$0x0], vm4;
	[tilespmem:v8+s22+$0x0] =	vst.idx.msk vm1, v22;
	v34 =	vadd.f32 v24, v22;
	v24 =	vadd.s32 $0x4, v3  }
0x147: {  	s30 =	simm.s32 $0x4;
	v19 =	vadd.s32 $0x4, v11;
	v22 =	vadd.s32 $0x4, v6;
	v39 =	vadd.s32 $0x3, v24;
	v38 =	vld.idx.msk [tilespmem:v27+s22+$0x0], vm1  }
.LBB2_10:
0x148: {  	v42 =	vadd.s32 $0x2, v19;
	v43 =	vadd.s32 $0x1, v24  }
0x149: {  	v44 =	vadd.s32 $0x2, v24;
	v45 =	vld.idx.msk [tilespmem:v33+s22+$0x0], vm6;
	[tilespmem:v30+s22+$0x0] =	vst.idx.msk vm11, v34;
	v46 =	vmovc v19;
	v30 =	vmov v39;
	vm5 =	vmmov vm7  }
0x14a: {  	vm9 =	vlt.u32 v22, $0x200;
	v39 =	vadd.s32 $0x1, v19;
	s30 =	sadd.s32 $0x4, s30;
	[tilespmem:v31+s22+$0x0] =	vst.idx.msk vm7, v25;
	v31 =	vnsel vm14, $0x0, v36;
	v36 =	vld.idx.msk [tilespmem:v28+s22+$0x0], vm11  }
0x14b: {  	v47 =	vadd.s32 $0x1, v22;
	p0 =	slt.u32 s30, $0x208;
	v40 =	vnsel vm15, $0x0, v40;
	v48 =	vld.idx.msk [tilespmem:v35+s22+$0x0], vm7;
	v23 =	vadd.f32 v31, v23  }
0x14c: {  	vm10 =	vlt.u32 v47, $0x200;
	v29 =	vadd.f32 v40, v29;
	v31 =	vnsel vm13, $0x0, v37  }
0x14d: {  	v37 =	vadd.s32 $0x2, v22;
	v40 =	vnsel vm4, $0x0, v41;
	[tilespmem:v20+s22+$0x0] =	vst.idx.msk vm14, v23;
	v23 =	vadd.f32 v31, v23  }
0x14e: {  	vm8 =	vlt.u32 v37, $0x200;
	v31 =	vnsel vm12, $0x0, v38;
	[tilespmem:v21+s22+$0x0] =	vst.idx.msk vm15, v29;
	v29 =	vadd.f32 v40, v29  }
0x14f: {  	v37 =	vadd.s32 $0x3, v22;
	v40 =	vnsel vm6, $0x0, v45;
	v38 =	vld.idx.msk [tilespmem:v24+s22+$0x0], vm15;
	[tilespmem:v26+s22+$0x0] =	vst.idx.msk vm13, v23;
	v23 =	vadd.f32 v31, v23  }
0x150: {  	vm7 =	vlt.u32 v37, $0x200;
	v26 =	vld.idx.msk [tilespmem:v19+s22+$0x0], vm9;
	[tilespmem:v32+s22+$0x0] =	vst.idx.msk vm4, v29;
	v29 =	vadd.f32 v40, v29;
	v32 =	vnsel vm11, $0x0, v36  }
0x151: {  	v31 =	vadd.s32 $0x3, v19;
	v37 =	vnsel vm5, $0x0, v48;
	v36 =	vld.idx.msk [tilespmem:v43+s22+$0x0], vm4;
	[tilespmem:v27+s22+$0x0] =	vst.idx.msk vm12, v23;
	v23 =	vadd.f32 v32, v23  }
0x152: {  	vm14 =	vmmov vm15;
	vm15 =	vmmov vm9;
	v27 =	vld.idx.msk [tilespmem:v39+s22+$0x0], vm10;
	[tilespmem:v33+s22+$0x0] =	vst.idx.msk vm6, v29;
	v29 =	vadd.f32 v37, v29  }
0x153: {  	vm13 =	vmmov vm4;
	vm4 =	vmmov vm10;
	vm12 =	vmmov vm6;
	v37 =	vld.idx.msk [tilespmem:v44+s22+$0x0], vm6;
	[tilespmem:v28+s22+$0x0] =	vst.idx.msk vm11, v23  }
0x154: {  	v20 =	vadd.s32 $0x4, v20;
	vm6 =	vmmov vm8;
	vm11 =	vmmov vm5;
	v28 =	vld.idx.msk [tilespmem:v42+s22+$0x0], vm8;
	[tilespmem:v35+s22+$0x0] =	vst.idx.msk vm5, v29  }
0x155: {  	v21 =	vadd.s32 $0x4, v21;
	v19 =	vadd.s32 $0x4, v19;
	v32 =	vnsel vm14, $0x0, v38;
	v38 =	vld.idx.msk [tilespmem:v30+s22+$0x0], vm5  }
0x156: {  	v33 =	vnsel vm15, $0x0, v26;
	v34 =	vadd.f32 v32, v34;
	v26 =	vadd.s32 $0x1, v20;
	v45 =	vld.idx.msk [tilespmem:v31+s22+$0x0], vm7  }
0x157: {  	v32 =	vadd.s32 $0x1, v21;
	v25 =	vadd.f32 v33, v25;
	v33 =	vnsel vm13, $0x0, v36  }
0x158: {  	v35 =	vnsel vm4, $0x0, v27;
	v27 =	vadd.s32 $0x2, v20;
	[tilespmem:v24+s22+$0x0] =	vst.idx.msk vm14, v34;
	v34 =	vadd.f32 v33, v34  }
.Ltmp4:
0x159: {  	v33 =	vadd.s32 $0x2, v21;
	[tilespmem:v46+s22+$0x0] =	vst.idx.msk vm9, v25;
	v25 =	vadd.f32 v35, v25;
	v36 =	vld.idx.msk [tilespmem:v20+s22+$0x0], vm14;
	v35 =	vnsel vm12, $0x0, v37;
	(pc) =	sbr.rel @p0 .LBB2_10-.Ltmp4, $4  }
0x15a: {  	v37 =	vnsel vm6, $0x0, v28;
	v28 =	vadd.s32 $0x3, v20;
	v40 =	vld.idx.msk [tilespmem:v21+s22+$0x0], vm9;
	[tilespmem:v43+s22+$0x0] =	vst.idx.msk vm13, v34;
	v34 =	vadd.f32 v35, v34  }
0x15b: {  	v35 =	vadd.s32 $0x3, v21;
	v38 =	vnsel vm11, $0x0, v38;
	[tilespmem:v39+s22+$0x0] =	vst.idx.msk vm10, v25;
	v25 =	vadd.f32 v37, v25;
	v37 =	vld.idx.msk [tilespmem:v26+s22+$0x0], vm13  }
0x15c: {  	v24 =	vadd.s32 $0x4, v24;
	v43 =	vnsel vm7, $0x0, v45;
	v41 =	vld.idx.msk [tilespmem:v32+s22+$0x0], vm10;
	[tilespmem:v44+s22+$0x0] =	vst.idx.msk vm12, v34;
	v34 =	vadd.f32 v38, v34  }
0x15d: {  	v22 =	vadd.s32 $0x4, v22;
	v39 =	vadd.s32 $0x3, v24;
	[tilespmem:v42+s22+$0x0] =	vst.idx.msk vm8, v25;
	v25 =	vadd.f32 v43, v25;
	v38 =	vld.idx.msk [tilespmem:v27+s22+$0x0], vm12  }
0x15e: {  	_ =	sdelay $0x4  }
0x15f: {  	v42 =	vld.idx.msk [tilespmem:v33+s22+$0x0], vm6  }
0x160: {  	[tilespmem:v31+s22+$0x0] =	vst.idx.msk vm7, v25;
	v31 =	vnsel vm15, $0x0, v40  }
0x161: {  	v51 =	vadd.s32 $0x1, v24;
	v43 =	vld.idx.msk [tilespmem:v35+s22+$0x0], vm7;
	v29 =	vadd.f32 v31, v29  }
0x162: {  	v31 =	vnsel vm4, $0x0, v41  }
0x163: {  	v52 =	vadd.s32 $0x2, v24;
	vm9 =	vmmov vm7;
	[tilespmem:v21+s22+$0x0] =	vst.idx.msk vm15, v29;
	v29 =	vadd.f32 v31, v29  }
0x164: {  	v31 =	vld.idx.msk [tilespmem:v24+s22+$0x0], vm15;
	v42 =	vnsel vm6, $0x0, v42  }
0x165: {  	[tilespmem:v32+s22+$0x0] =	vst.idx.msk vm4, v29;
	v29 =	vadd.f32 v42, v29  }
0x166: {  	v32 =	vld.idx.msk [tilespmem:v51+s22+$0x0], vm4;
	v53 =	vnsel vm9, $0x0, v43  }
0x167: {  	[tilespmem:v33+s22+$0x0] =	vst.idx.msk vm6, v29;
	v29 =	vadd.f32 v53, v29  }
0x168: {  	vm5 =	vmmov vm15;
	v54 =	vadd.s32 $0x4, v20;
	vm4 =	vmmov vm4;
	v33 =	vld.idx.msk [tilespmem:v52+s22+$0x0], vm6  }
0x169: {  	v36 =	vnsel vm14, $0x0, v36;
	[tilespmem:v35+s22+$0x0] =	vst.idx.msk vm9, v29;
	v31 =	vnsel vm5, $0x0, v31  }
0x16a: {  	[tilespmem:v30+s22+$0x0] =	vst.idx.msk vm11, v34;
	vm10 =	vmmov vm6;
	v55 =	vadd.s32 $0x1, v54;
	v30 =	vld.idx.msk [tilespmem:v39+s22+$0x0], vm9;
	v31 =	vadd.f32 v31, v34  }
0x16b: {  	v56 =	vld.idx.msk [tilespmem:v28+s22+$0x0], vm11;
	v36 =	vadd.f32 v36, v23;
	v57 =	vadd.s32 $0x2, v54;
	v32 =	vnsel vm4, $0x0, v32  }
0x16c: {  	v23 =	vnsel vm13, $0x0, v37;
	vm7 =	vmmov vm9;
	[tilespmem:v24+s22+$0x0] =	vst.idx.msk vm15, v31;
	v31 =	vadd.f32 v32, v31  }
0x16d: {  	v37 =	vadd.f32 v23, v36;
	v58 =	vld.idx.msk [tilespmem:v54+s22+$0x0], vm15;
	v23 =	vnsel vm10, $0x0, v33  }
0x16e: {  	v59 =	vnsel vm12, $0x0, v38;
	[tilespmem:v51+s22+$0x0] =	vst.idx.msk vm4, v31;
	v23 =	vadd.f32 v23, v31;
	v31 =	vadd.s32 $0x3, v54  }
0x16f: {  	v33 =	vadd.f32 v59, v37;
	v60 =	vld.idx.msk [tilespmem:v55+s22+$0x0], vm4;
	v30 =	vnsel vm7, $0x0, v30  }
0x170: {  	v35 =	vnsel vm11, $0x0, v56;
	[tilespmem:v52+s22+$0x0] =	vst.idx.msk vm10, v23;
	v23 =	vadd.f32 v30, v23  }
0x171: {  	v30 =	vadd.f32 v35, v33;
	v61 =	vld.idx.msk [tilespmem:v57+s22+$0x0], vm10  }
0x172: {  	[tilespmem:v39+s22+$0x0] =	vst.idx.msk vm7, v23;
	v62 =	vnsel vm5, $0x0, v58  }
0x173: {  	v63 =	vld.idx.msk [tilespmem:v31+s22+$0x0], vm7;
	v39 =	vadd.f32 v62, v30  }
0x174: {  	[tilespmem:v20+s22+$0x0] =	vst.idx.msk vm14, v36;
	v20 =	vnsel vm4, $0x0, v60  }
0x175: {  	[tilespmem:v26+s22+$0x0] =	vst.idx.msk vm13, v37;
	v20 =	vadd.f32 v20, v39  }
0x176: {  	[tilespmem:v27+s22+$0x0] =	vst.idx.msk vm12, v33;
	v26 =	vnsel vm10, $0x0, v61  }
0x177: {  	[tilespmem:v28+s22+$0x0] =	vst.idx.msk vm11, v30;
	v26 =	vadd.f32 v26, v20  }
0x178: {  	[tilespmem:v54+s22+$0x0] =	vst.idx.msk vm15, v39;
	v27 =	vnsel vm7, $0x0, v63  }
0x179: {  	[tilespmem:v55+s22+$0x0] =	vst.idx.msk vm4, v20;
	v20 =	vadd.f32 v27, v26  }
0x17a: {  	[tilespmem:v57+s22+$0x0] =	vst.idx.msk vm10, v26  }
0x17b: {  	s30 =	simm.s32 $0x3;
	v21 =	vadd.s32 $0x4, v21;
	v24 =	vadd.s32 $0x4, v24;
	v26 =	vadd.s32 $0x4, v54;
	[tilespmem:v31+s22+$0x0] =	vst.idx.msk vm7, v20  }
.LBB2_12:
0x17c: {  	vm4 =	vlt.u32 v22, $0x200;
	_ =	sdelay $0x5  }
0x17d: {  	v27 =	vld.idx.msk [tilespmem:v19+s22+$0x0], vm4;
	_ =	sdelay $0x4  }
0x17e: {  	v27 =	vnsel vm4, $0x0, v27  }
0x17f: {  	v25 =	vadd.f32 v27, v25;
	_ =	sdelay $0x1  }
0x180: {  	[tilespmem:v19+s22+$0x0] =	vst.idx.msk vm4, v25  }
0x181: {  	v27 =	vld.idx.msk [tilespmem:v21+s22+$0x0], vm4;
	_ =	sdelay $0x4  }
0x182: {  	v27 =	vnsel vm4, $0x0, v27  }
0x183: {  	v29 =	vadd.f32 v27, v29;
	_ =	sdelay $0x1  }
0x184: {  	[tilespmem:v21+s22+$0x0] =	vst.idx.msk vm4, v29  }
0x185: {  	v27 =	vld.idx.msk [tilespmem:v24+s22+$0x0], vm4;
	_ =	sdelay $0x4  }
0x186: {  	v27 =	vnsel vm4, $0x0, v27  }
0x187: {  	v23 =	vadd.f32 v27, v23;
	_ =	sdelay $0x1  }
0x188: {  	[tilespmem:v24+s22+$0x0] =	vst.idx.msk vm4, v23  }
0x189: {  	v27 =	vld.idx.msk [tilespmem:v26+s22+$0x0], vm4;
	_ =	sdelay $0x2  }
0x18a: {  	p0 =	sne.s32 s30, $0x1  }
.Ltmp5:
0x18b: {  	_ = 	snop;
	(pc) =	sbr.rel @p0 .LBB2_12-.Ltmp5, $4  }
0x18c: {  	v27 =	vnsel vm4, $0x0, v27  }
0x18d: {  	v20 =	vadd.f32 v27, v20  }
0x18e: {  	v22 =	vadd.s32 $0x1, v22;
	v19 =	vadd.s32 $0x1, v19  }
0x18f: {  	s30 =	sadd.s32 $0xFFFFFFFF, s30;
	v21 =	vadd.s32 $0x1, v21;
	v24 =	vadd.s32 $0x1, v24;
	[tilespmem:v26+s22+$0x0] =	vst.idx.msk vm4, v20;
	v26 =	vadd.s32 $0x1, v26  }
0x190: {  	[hbm4b:s10+s1] =	stream.linear.scatter [tilespmem:s22], [sflag:$0x3], $0x8000, $0x38;
	[tilespmem:$0x10200] =	vst v63  }
0x191: {  	_ =	swait.ge [sflag:s25], $0x8000  }
0x192: {  	[sflag:s25] =	ssyncset.done $0x0  }
0x193: {  	[sflag:s25] =	ssyncadd.s32 $0xFFFF8000  }
0x194: {  	[tilespmem:s22], [sflag:$0x1] =	stream.linear.gather [hbm4b:s11+s1], $0x8000, $0x38;
	[tilespmem:$0x10200] =	vst v63  }
0x195: {  	_ =	swait.ge [sflag:s26], $0x8000  }
0x196: {  	v19 =	vld [tilespmem:$0x1FF90];
	_ =	sdelay $0x4  }
0x197: {  	vm4 =	vnez.u8 v19  }
0x198: {  	v21 =	vld [tilespmem:$0x1FFA0];
	_ =	sdelay $0x2  }
0x199: {  	[sflag:s26] =	ssyncset.done $0x0  }
0x19a: {  	[sflag:s26] =	ssyncadd.s32 $0xFFFF8000  }
0x19b: {  	v19 =	vld.idx.msk [tilespmem:v0+s23+$0x0], vm4;
	vm4 =	vnez.u8 v21  }
0x19c: {  	v23 =	vld [tilespmem:$0x1FFB0];
	_ =	sdelay $0x4  }
0x19d: {  	v21 =	vld.idx.msk [tilespmem:v14+s23+$0x0], vm4;
	vm4 =	vnez.u8 v23;
	_ =	sdelay $0x1  }
0x19e: {  	v20 =	vld [tilespmem:$0xC0];
	_ =	sdelay $0x2  }
0x19f: {  	v22 =	vld [tilespmem:$0xD0]  }
0x1a0: {  	v19 =	vnsel vm2, $0x0, v19;
	v24 =	vld.idx.msk [tilespmem:v15+s23+$0x0], vm4  }
0x1a1: {  	v25 =	vld [tilespmem:$0xE0];
	v19 =	vadd.f32 v19, v20  }
0x1a2: {  	v26 =	vld.idx.msk [tilespmem:v17+s23+$0x0], vm3;
	v20 =	vnsel vm0, $0x0, v21  }
0x1a3: {  	v23 =	vld [tilespmem:$0xF0];
	[tilespmem:v0+s23+$0x0] =	vst.idx.msk vm2, v19;
	v19 =	vadd.f32 v20, v19  }
0x1a4: {  	v20 =	vld.idx.msk [tilespmem:v2+s23+$0x0], vm2  }
0x1a5: {  	[tilespmem:v14+s23+$0x0] =	vst.idx.msk vm0, v19;
	v21 =	vnsel vm1, $0x0, v24  }
0x1a6: {  	v19 =	vadd.f32 v21, v19;
	v21 =	vld.idx.msk [tilespmem:v16+s23+$0x0], vm0;
	_ =	sdelay $0x1  }
0x1a7: {  	v24 =	vnsel vm3, $0x0, v26;
	[tilespmem:v15+s23+$0x0] =	vst.idx.msk vm1, v19  }
0x1a8: {  	v20 =	vnsel vm2, $0x0, v20;
	v24 =	vadd.f32 v24, v19;
	v19 =	vld.idx.msk [tilespmem:v13+s23+$0x0], vm1  }
0x1a9: {  	v20 =	vadd.f32 v20, v22  }
0x1aa: {  	v21 =	vnsel vm0, $0x0, v21  }
0x1ab: {  	[tilespmem:v2+s23+$0x0] =	vst.idx.msk vm2, v20;
	v21 =	vadd.f32 v21, v20  }
0x1ac: {  	[tilespmem:v17+s23+$0x0] =	vst.idx.msk vm3, v24  }
0x1ad: {  	v27 =	vld [tilespmem:$0x1FFC0];
	v19 =	vnsel vm1, $0x0, v19;
	[tilespmem:v16+s23+$0x0] =	vst.idx.msk vm0, v21  }
0x1ae: {  	v19 =	vadd.f32 v19, v21;
	v21 =	vld [tilespmem:$0x1FFF0]  }
0x1af: {  	v26 =	vld.idx.msk [tilespmem:v12+s23+$0x0], vm3;
	_ =	sdelay $0x3  }
0x1b0: {  	vm5 =	vnez.u8 v21  }
0x1b1: {  	v21 =	vnsel vm5, $0x0, v26  }
0x1b2: {  	v29 =	vadd.f32 v21, v19;
	v21 =	vld [tilespmem:$0x1FFD0]  }
0x1b3: {  	[tilespmem:v13+s23+$0x0] =	vst.idx.msk vm1, v19  }
0x1b4: {  	v19 =	vld [tilespmem:$0x1FFE0]  }
0x1b5: {  	vm4 =	vnez.u8 v27;
	_ =	sdelay $0x1  }
0x1b6: {  	vm6 =	vnez.u8 v21;
	_ =	sdelay $0x1  }
0x1b7: {  	vm8 =	vnez.u8 v19  }
0x1b8: {  	v22 =	vld.idx.msk [tilespmem:v3+s23+$0x0], vm2  }
0x1b9: {  	v27 =	vld.idx.msk [tilespmem:v11+s23+$0x0], vm4  }
0x1ba: {  	vm7 =	vlt.u32 v18, $0x200;
	v28 =	vld.idx.msk [tilespmem:v9+s23+$0x0], vm0  }
0x1bb: {  	v31 =	vadd.s32 $0x3, v11;
	vm15 =	vmmov vm4;
	v30 =	vld.idx.msk [tilespmem:v10+s23+$0x0], vm6;
	_ =	sdelay $0x1  }
0x1bc: {  	vm14 =	vmmov vm2;
	v35 =	vld.idx.msk [tilespmem:v7+s23+$0x0], vm8  }
0x1bd: {  	vm13 =	vmmov vm0;
	v20 =	vor.u32 $0x6000, v0;
	v27 =	vnsel vm15, $0x0, v27  }
0x1be: {  	v22 =	vnsel vm14, $0x0, v22;
	vm4 =	vmmov vm6;
	v24 =	vadd.f32 v27, v24  }
0x1bf: {  	v22 =	vadd.f32 v22, v25;
	v25 =	vld.idx.msk [tilespmem:v31+s23+$0x0], vm7;
	v27 =	vnsel vm13, $0x0, v28;
	v28 =	vnsel vm4, $0x0, v30  }
0x1c0: {  	v34 =	vld.idx.msk [tilespmem:v8+s23+$0x0], vm1;
	v21 =	vadd.s32 $0x4, v2;
	[tilespmem:v11+s23+$0x0] =	vst.idx.msk vm15, v24;
	vm6 =	vmmov vm8;
	v24 =	vadd.f32 v28, v24  }
0x1c1: {  	[tilespmem:v12+s23+$0x0] =	vst.idx.msk vm5, v29;
	v30 =	vnsel vm6, $0x0, v35  }
0x1c2: {  	v26 =	vadd.s32 $0x1, v20;
	v38 =	vld.idx.msk [tilespmem:v5+s23+$0x0], vm5;
	v30 =	vadd.f32 v30, v24  }
0x1c3: {  	[tilespmem:v3+s23+$0x0] =	vst.idx.msk vm2, v22;
	v32 =	vadd.s32 $0x1, v21;
	v22 =	vadd.f32 v27, v22  }
0x1c4: {  	vm12 =	vmmov vm1;
	v25 =	vnsel vm7, $0x0, v25;
	v36 =	vld.idx.msk [tilespmem:v20+s23+$0x0], vm2;
	v27 =	vadd.s32 $0x2, v20  }
0x1c5: {  	vm11 =	vmmov vm5;
	v33 =	vadd.s32 $0x2, v21;
	[tilespmem:v9+s23+$0x0] =	vst.idx.msk vm0, v22;
	v40 =	vld.idx.msk [tilespmem:v21+s23+$0x0], vm15;
	v28 =	vnsel vm12, $0x0, v34  }
0x1c6: {  	v22 =	vadd.f32 v28, v22;
	[tilespmem:v7+s23+$0x0] =	vst.idx.msk vm8, v30;
	v25 =	vadd.f32 v25, v30;
	v30 =	vmov v5  }
0x1c7: {  	v37 =	vld.idx.msk [tilespmem:v26+s23+$0x0], vm0;
	v28 =	vadd.s32 $0x3, v20;
	[tilespmem:v10+s23+$0x0] =	vst.idx.msk vm4, v24;
	v24 =	vnsel vm11, $0x0, v38  }
0x1c8: {  	v35 =	vadd.s32 $0x3, v21;
	v41 =	vld.idx.msk [tilespmem:v32+s23+$0x0], vm4;
	[tilespmem:v8+s23+$0x0] =	vst.idx.msk vm1, v22;
	v34 =	vadd.f32 v24, v22;
	v24 =	vadd.s32 $0x4, v3  }
0x1c9: {  	s30 =	simm.s32 $0x4;
	v19 =	vadd.s32 $0x4, v11;
	v22 =	vadd.s32 $0x4, v6;
	v39 =	vadd.s32 $0x3, v24;
	v38 =	vld.idx.msk [tilespmem:v27+s23+$0x0], vm1  }
.LBB2_14:
0x1ca: {  	v42 =	vadd.s32 $0x2, v19;
	v43 =	vadd.s32 $0x1, v24  }
0x1cb: {  	v44 =	vadd.s32 $0x2, v24;
	v45 =	vld.idx.msk [tilespmem:v33+s23+$0x0], vm6;
	[tilespmem:v30+s23+$0x0] =	vst.idx.msk vm11, v34;
	v46 =	vmovc v19;
	v30 =	vmov v39;
	vm5 =	vmmov vm7  }
0x1cc: {  	vm9 =	vlt.u32 v22, $0x200;
	v39 =	vadd.s32 $0x1, v19;
	s30 =	sadd.s32 $0x4, s30;
	[tilespmem:v31+s23+$0x0] =	vst.idx.msk vm7, v25;
	v31 =	vnsel vm14, $0x0, v36;
	v36 =	vld.idx.msk [tilespmem:v28+s23+$0x0], vm11  }
0x1cd: {  	v47 =	vadd.s32 $0x1, v22;
	p0 =	slt.u32 s30, $0x208;
	v40 =	vnsel vm15, $0x0, v40;
	v48 =	vld.idx.msk [tilespmem:v35+s23+$0x0], vm7;
	v23 =	vadd.f32 v31, v23  }
0x1ce: {  	vm10 =	vlt.u32 v47, $0x200;
	v29 =	vadd.f32 v40, v29;
	v31 =	vnsel vm13, $0x0, v37  }
0x1cf: {  	v37 =	vadd.s32 $0x2, v22;
	v40 =	vnsel vm4, $0x0, v41;
	[tilespmem:v20+s23+$0x0] =	vst.idx.msk vm14, v23;
	v23 =	vadd.f32 v31, v23  }
0x1d0: {  	vm8 =	vlt.u32 v37, $0x200;
	v31 =	vnsel vm12, $0x0, v38;
	[tilespmem:v21+s23+$0x0] =	vst.idx.msk vm15, v29;
	v29 =	vadd.f32 v40, v29  }
0x1d1: {  	v37 =	vadd.s32 $0x3, v22;
	v40 =	vnsel vm6, $0x0, v45;
	v38 =	vld.idx.msk [tilespmem:v24+s23+$0x0], vm15;
	[tilespmem:v26+s23+$0x0] =	vst.idx.msk vm13, v23;
	v23 =	vadd.f32 v31, v23  }
0x1d2: {  	vm7 =	vlt.u32 v37, $0x200;
	v26 =	vld.idx.msk [tilespmem:v19+s23+$0x0], vm9;
	[tilespmem:v32+s23+$0x0] =	vst.idx.msk vm4, v29;
	v29 =	vadd.f32 v40, v29;
	v32 =	vnsel vm11, $0x0, v36  }
0x1d3: {  	v31 =	vadd.s32 $0x3, v19;
	v37 =	vnsel vm5, $0x0, v48;
	v36 =	vld.idx.msk [tilespmem:v43+s23+$0x0], vm4;
	[tilespmem:v27+s23+$0x0] =	vst.idx.msk vm12, v23;
	v23 =	vadd.f32 v32, v23  }
0x1d4: {  	vm14 =	vmmov vm15;
	vm15 =	vmmov vm9;
	v27 =	vld.idx.msk [tilespmem:v39+s23+$0x0], vm10;
	[tilespmem:v33+s23+$0x0] =	vst.idx.msk vm6, v29;
	v29 =	vadd.f32 v37, v29  }
0x1d5: {  	vm13 =	vmmov vm4;
	vm4 =	vmmov vm10;
	vm12 =	vmmov vm6;
	v37 =	vld.idx.msk [tilespmem:v44+s23+$0x0], vm6;
	[tilespmem:v28+s23+$0x0] =	vst.idx.msk vm11, v23  }
0x1d6: {  	v20 =	vadd.s32 $0x4, v20;
	vm6 =	vmmov vm8;
	vm11 =	vmmov vm5;
	v28 =	vld.idx.msk [tilespmem:v42+s23+$0x0], vm8;
	[tilespmem:v35+s23+$0x0] =	vst.idx.msk vm5, v29  }
0x1d7: {  	v21 =	vadd.s32 $0x4, v21;
	v19 =	vadd.s32 $0x4, v19;
	v32 =	vnsel vm14, $0x0, v38;
	v38 =	vld.idx.msk [tilespmem:v30+s23+$0x0], vm5  }
0x1d8: {  	v33 =	vnsel vm15, $0x0, v26;
	v34 =	vadd.f32 v32, v34;
	v26 =	vadd.s32 $0x1, v20;
	v45 =	vld.idx.msk [tilespmem:v31+s23+$0x0], vm7  }
0x1d9: {  	v32 =	vadd.s32 $0x1, v21;
	v25 =	vadd.f32 v33, v25;
	v33 =	vnsel vm13, $0x0, v36  }
0x1da: {  	v35 =	vnsel vm4, $0x0, v27;
	v27 =	vadd.s32 $0x2, v20;
	[tilespmem:v24+s23+$0x0] =	vst.idx.msk vm14, v34;
	v34 =	vadd.f32 v33, v34  }
.Ltmp6:
0x1db: {  	v33 =	vadd.s32 $0x2, v21;
	[tilespmem:v46+s23+$0x0] =	vst.idx.msk vm9, v25;
	v25 =	vadd.f32 v35, v25;
	v36 =	vld.idx.msk [tilespmem:v20+s23+$0x0], vm14;
	v35 =	vnsel vm12, $0x0, v37;
	(pc) =	sbr.rel @p0 .LBB2_14-.Ltmp6, $4  }
0x1dc: {  	v37 =	vnsel vm6, $0x0, v28;
	v28 =	vadd.s32 $0x3, v20;
	v40 =	vld.idx.msk [tilespmem:v21+s23+$0x0], vm9;
	[tilespmem:v43+s23+$0x0] =	vst.idx.msk vm13, v34;
	v34 =	vadd.f32 v35, v34  }
0x1dd: {  	v35 =	vadd.s32 $0x3, v21;
	v38 =	vnsel vm11, $0x0, v38;
	[tilespmem:v39+s23+$0x0] =	vst.idx.msk vm10, v25;
	v25 =	vadd.f32 v37, v25;
	v37 =	vld.idx.msk [tilespmem:v26+s23+$0x0], vm13  }
0x1de: {  	v24 =	vadd.s32 $0x4, v24;
	v43 =	vnsel vm7, $0x0, v45;
	v41 =	vld.idx.msk [tilespmem:v32+s23+$0x0], vm10;
	[tilespmem:v44+s23+$0x0] =	vst.idx.msk vm12, v34;
	v34 =	vadd.f32 v38, v34  }
0x1df: {  	v22 =	vadd.s32 $0x4, v22;
	v39 =	vadd.s32 $0x3, v24;
	[tilespmem:v42+s23+$0x0] =	vst.idx.msk vm8, v25;
	v25 =	vadd.f32 v43, v25;
	v38 =	vld.idx.msk [tilespmem:v27+s23+$0x0], vm12  }
0x1e0: {  	_ =	sdelay $0x4  }
0x1e1: {  	v42 =	vld.idx.msk [tilespmem:v33+s23+$0x0], vm6  }
0x1e2: {  	[tilespmem:v31+s23+$0x0] =	vst.idx.msk vm7, v25;
	v31 =	vnsel vm15, $0x0, v40  }
0x1e3: {  	v51 =	vadd.s32 $0x1, v24;
	v43 =	vld.idx.msk [tilespmem:v35+s23+$0x0], vm7;
	v29 =	vadd.f32 v31, v29  }
0x1e4: {  	v31 =	vnsel vm4, $0x0, v41  }
0x1e5: {  	v52 =	vadd.s32 $0x2, v24;
	vm9 =	vmmov vm7;
	[tilespmem:v21+s23+$0x0] =	vst.idx.msk vm15, v29;
	v29 =	vadd.f32 v31, v29  }
0x1e6: {  	v31 =	vld.idx.msk [tilespmem:v24+s23+$0x0], vm15;
	v42 =	vnsel vm6, $0x0, v42  }
0x1e7: {  	[tilespmem:v32+s23+$0x0] =	vst.idx.msk vm4, v29;
	v29 =	vadd.f32 v42, v29  }
0x1e8: {  	v32 =	vld.idx.msk [tilespmem:v51+s23+$0x0], vm4;
	v53 =	vnsel vm9, $0x0, v43  }
0x1e9: {  	[tilespmem:v33+s23+$0x0] =	vst.idx.msk vm6, v29;
	v29 =	vadd.f32 v53, v29  }
0x1ea: {  	vm5 =	vmmov vm15;
	v54 =	vadd.s32 $0x4, v20;
	vm4 =	vmmov vm4;
	v33 =	vld.idx.msk [tilespmem:v52+s23+$0x0], vm6  }
0x1eb: {  	v36 =	vnsel vm14, $0x0, v36;
	[tilespmem:v35+s23+$0x0] =	vst.idx.msk vm9, v29;
	v31 =	vnsel vm5, $0x0, v31  }
0x1ec: {  	[tilespmem:v30+s23+$0x0] =	vst.idx.msk vm11, v34;
	vm10 =	vmmov vm6;
	v55 =	vadd.s32 $0x1, v54;
	v30 =	vld.idx.msk [tilespmem:v39+s23+$0x0], vm9;
	v31 =	vadd.f32 v31, v34  }
0x1ed: {  	v56 =	vld.idx.msk [tilespmem:v28+s23+$0x0], vm11;
	v36 =	vadd.f32 v36, v23;
	v57 =	vadd.s32 $0x2, v54;
	v32 =	vnsel vm4, $0x0, v32  }
0x1ee: {  	v23 =	vnsel vm13, $0x0, v37;
	vm7 =	vmmov vm9;
	[tilespmem:v24+s23+$0x0] =	vst.idx.msk vm15, v31;
	v31 =	vadd.f32 v32, v31  }
0x1ef: {  	v37 =	vadd.f32 v23, v36;
	v58 =	vld.idx.msk [tilespmem:v54+s23+$0x0], vm15;
	v23 =	vnsel vm10, $0x0, v33  }
0x1f0: {  	v59 =	vnsel vm12, $0x0, v38;
	[tilespmem:v51+s23+$0x0] =	vst.idx.msk vm4, v31;
	v23 =	vadd.f32 v23, v31;
	v31 =	vadd.s32 $0x3, v54  }
0x1f1: {  	v33 =	vadd.f32 v59, v37;
	v60 =	vld.idx.msk [tilespmem:v55+s23+$0x0], vm4;
	v30 =	vnsel vm7, $0x0, v30  }
0x1f2: {  	v35 =	vnsel vm11, $0x0, v56;
	[tilespmem:v52+s23+$0x0] =	vst.idx.msk vm10, v23;
	v23 =	vadd.f32 v30, v23  }
0x1f3: {  	v30 =	vadd.f32 v35, v33;
	v61 =	vld.idx.msk [tilespmem:v57+s23+$0x0], vm10  }
0x1f4: {  	[tilespmem:v39+s23+$0x0] =	vst.idx.msk vm7, v23;
	v62 =	vnsel vm5, $0x0, v58  }
0x1f5: {  	v63 =	vld.idx.msk [tilespmem:v31+s23+$0x0], vm7;
	v39 =	vadd.f32 v62, v30  }
0x1f6: {  	[tilespmem:v20+s23+$0x0] =	vst.idx.msk vm14, v36;
	v20 =	vnsel vm4, $0x0, v60  }
0x1f7: {  	[tilespmem:v26+s23+$0x0] =	vst.idx.msk vm13, v37;
	v20 =	vadd.f32 v20, v39  }
0x1f8: {  	[tilespmem:v27+s23+$0x0] =	vst.idx.msk vm12, v33;
	v26 =	vnsel vm10, $0x0, v61  }
0x1f9: {  	[tilespmem:v28+s23+$0x0] =	vst.idx.msk vm11, v30;
	v26 =	vadd.f32 v26, v20  }
0x1fa: {  	[tilespmem:v54+s23+$0x0] =	vst.idx.msk vm15, v39;
	v27 =	vnsel vm7, $0x0, v63  }
0x1fb: {  	[tilespmem:v55+s23+$0x0] =	vst.idx.msk vm4, v20;
	v20 =	vadd.f32 v27, v26  }
0x1fc: {  	[tilespmem:v57+s23+$0x0] =	vst.idx.msk vm10, v26  }
0x1fd: {  	s30 =	simm.s32 $0x3;
	v21 =	vadd.s32 $0x4, v21;
	v24 =	vadd.s32 $0x4, v24;
	v26 =	vadd.s32 $0x4, v54;
	[tilespmem:v31+s23+$0x0] =	vst.idx.msk vm7, v20  }
.LBB2_16:
0x1fe: {  	vm4 =	vlt.u32 v22, $0x200;
	_ =	sdelay $0x5  }
0x1ff: {  	v27 =	vld.idx.msk [tilespmem:v19+s23+$0x0], vm4;
	_ =	sdelay $0x4  }
0x200: {  	v27 =	vnsel vm4, $0x0, v27  }
0x201: {  	v25 =	vadd.f32 v27, v25;
	_ =	sdelay $0x1  }
0x202: {  	[tilespmem:v19+s23+$0x0] =	vst.idx.msk vm4, v25  }
0x203: {  	v27 =	vld.idx.msk [tilespmem:v21+s23+$0x0], vm4;
	_ =	sdelay $0x4  }
0x204: {  	v27 =	vnsel vm4, $0x0, v27  }
0x205: {  	v29 =	vadd.f32 v27, v29;
	_ =	sdelay $0x1  }
0x206: {  	[tilespmem:v21+s23+$0x0] =	vst.idx.msk vm4, v29  }
0x207: {  	v27 =	vld.idx.msk [tilespmem:v24+s23+$0x0], vm4;
	_ =	sdelay $0x4  }
0x208: {  	v27 =	vnsel vm4, $0x0, v27  }
0x209: {  	v23 =	vadd.f32 v27, v23;
	_ =	sdelay $0x1  }
0x20a: {  	[tilespmem:v24+s23+$0x0] =	vst.idx.msk vm4, v23  }
0x20b: {  	v27 =	vld.idx.msk [tilespmem:v26+s23+$0x0], vm4;
	_ =	sdelay $0x2  }
0x20c: {  	p0 =	sne.s32 s30, $0x1  }
.Ltmp7:
0x20d: {  	_ = 	snop;
	(pc) =	sbr.rel @p0 .LBB2_16-.Ltmp7, $4  }
0x20e: {  	v27 =	vnsel vm4, $0x0, v27  }
0x20f: {  	v20 =	vadd.f32 v27, v20  }
0x210: {  	v22 =	vadd.s32 $0x1, v22;
	v19 =	vadd.s32 $0x1, v19  }
0x211: {  	s30 =	sadd.s32 $0xFFFFFFFF, s30;
	v21 =	vadd.s32 $0x1, v21;
	v24 =	vadd.s32 $0x1, v24;
	[tilespmem:v26+s23+$0x0] =	vst.idx.msk vm4, v20;
	v26 =	vadd.s32 $0x1, v26  }
0x212: {  	[hbm4b:s12+s1] =	stream.linear.scatter [tilespmem:s23], [sflag:$0x4], $0x8000, $0x38;
	[tilespmem:$0x10200] =	vst v63  }
0x213: {  	_ =	swait.ge [sflag:s28], $0x8000  }
0x214: {  	[sflag:s28] =	ssyncset.done $0x0  }
0x215: {  	[sflag:s28] =	ssyncadd.s32 $0xFFFF8000  }
0x216: {  	[tilespmem:s23], [sflag:$0x2] =	stream.linear.gather [hbm4b:s13+s1], $0x8000, $0x38;
	[tilespmem:$0x10200] =	vst v63  }
0x217: {  	_ =	swait.ge [sflag:s24], $0x8000  }
0x218: {  	v19 =	vld [tilespmem:$0x1FF90];
	_ =	sdelay $0x4  }
0x219: {  	vm4 =	vnez.u8 v19  }
0x21a: {  	v21 =	vld [tilespmem:$0x1FFA0];
	_ =	sdelay $0x2  }
0x21b: {  	[sflag:s24] =	ssyncset.done $0x0  }
0x21c: {  	[sflag:s24] =	ssyncadd.s32 $0xFFFF8000  }
0x21d: {  	v19 =	vld.idx.msk [tilespmem:v0+s22+$0x0], vm4;
	vm4 =	vnez.u8 v21  }
0x21e: {  	v23 =	vld [tilespmem:$0x1FFB0];
	_ =	sdelay $0x4  }
0x21f: {  	v21 =	vld.idx.msk [tilespmem:v14+s22+$0x0], vm4;
	vm4 =	vnez.u8 v23;
	_ =	sdelay $0x1  }
0x220: {  	v20 =	vld [tilespmem:$0x100];
	_ =	sdelay $0x2  }
0x221: {  	v22 =	vld [tilespmem:$0x110]  }
0x222: {  	v19 =	vnsel vm2, $0x0, v19;
	v24 =	vld.idx.msk [tilespmem:v15+s22+$0x0], vm4  }
0x223: {  	v25 =	vld [tilespmem:$0x120];
	v19 =	vadd.f32 v19, v20  }
0x224: {  	v26 =	vld.idx.msk [tilespmem:v17+s22+$0x0], vm3;
	v20 =	vnsel vm0, $0x0, v21  }
0x225: {  	v23 =	vld [tilespmem:$0x130];
	[tilespmem:v0+s22+$0x0] =	vst.idx.msk vm2, v19;
	v19 =	vadd.f32 v20, v19  }
0x226: {  	v20 =	vld.idx.msk [tilespmem:v2+s22+$0x0], vm2  }
0x227: {  	[tilespmem:v14+s22+$0x0] =	vst.idx.msk vm0, v19;
	v21 =	vnsel vm1, $0x0, v24  }
0x228: {  	v19 =	vadd.f32 v21, v19;
	v21 =	vld.idx.msk [tilespmem:v16+s22+$0x0], vm0;
	_ =	sdelay $0x1  }
0x229: {  	v24 =	vnsel vm3, $0x0, v26;
	[tilespmem:v15+s22+$0x0] =	vst.idx.msk vm1, v19  }
0x22a: {  	v20 =	vnsel vm2, $0x0, v20;
	v24 =	vadd.f32 v24, v19;
	v19 =	vld.idx.msk [tilespmem:v13+s22+$0x0], vm1  }
0x22b: {  	v20 =	vadd.f32 v20, v22  }
0x22c: {  	v21 =	vnsel vm0, $0x0, v21  }
0x22d: {  	[tilespmem:v2+s22+$0x0] =	vst.idx.msk vm2, v20;
	v21 =	vadd.f32 v21, v20  }
0x22e: {  	[tilespmem:v17+s22+$0x0] =	vst.idx.msk vm3, v24  }
0x22f: {  	v27 =	vld [tilespmem:$0x1FFC0];
	v19 =	vnsel vm1, $0x0, v19;
	[tilespmem:v16+s22+$0x0] =	vst.idx.msk vm0, v21  }
0x230: {  	v19 =	vadd.f32 v19, v21;
	v21 =	vld [tilespmem:$0x1FFF0]  }
0x231: {  	v26 =	vld.idx.msk [tilespmem:v12+s22+$0x0], vm3;
	_ =	sdelay $0x3  }
0x232: {  	vm5 =	vnez.u8 v21  }
0x233: {  	v21 =	vnsel vm5, $0x0, v26  }
0x234: {  	v29 =	vadd.f32 v21, v19;
	v21 =	vld [tilespmem:$0x1FFD0]  }
0x235: {  	[tilespmem:v13+s22+$0x0] =	vst.idx.msk vm1, v19  }
0x236: {  	v19 =	vld [tilespmem:$0x1FFE0]  }
0x237: {  	vm4 =	vnez.u8 v27;
	_ =	sdelay $0x1  }
0x238: {  	vm6 =	vnez.u8 v21;
	_ =	sdelay $0x1  }
0x239: {  	vm8 =	vnez.u8 v19  }
0x23a: {  	v22 =	vld.idx.msk [tilespmem:v3+s22+$0x0], vm2  }
0x23b: {  	v27 =	vld.idx.msk [tilespmem:v11+s22+$0x0], vm4  }
0x23c: {  	vm7 =	vlt.u32 v18, $0x200;
	v28 =	vld.idx.msk [tilespmem:v9+s22+$0x0], vm0  }
0x23d: {  	v31 =	vadd.s32 $0x3, v11;
	vm15 =	vmmov vm4;
	v30 =	vld.idx.msk [tilespmem:v10+s22+$0x0], vm6;
	_ =	sdelay $0x1  }
0x23e: {  	vm14 =	vmmov vm2;
	v35 =	vld.idx.msk [tilespmem:v7+s22+$0x0], vm8  }
0x23f: {  	vm13 =	vmmov vm0;
	v20 =	vor.u32 $0x6000, v0;
	v27 =	vnsel vm15, $0x0, v27  }
0x240: {  	v22 =	vnsel vm14, $0x0, v22;
	vm4 =	vmmov vm6;
	v24 =	vadd.f32 v27, v24  }
0x241: {  	v22 =	vadd.f32 v22, v25;
	v25 =	vld.idx.msk [tilespmem:v31+s22+$0x0], vm7;
	v27 =	vnsel vm13, $0x0, v28;
	v28 =	vnsel vm4, $0x0, v30  }
0x242: {  	v34 =	vld.idx.msk [tilespmem:v8+s22+$0x0], vm1;
	v21 =	vadd.s32 $0x4, v2;
	[tilespmem:v11+s22+$0x0] =	vst.idx.msk vm15, v24;
	vm6 =	vmmov vm8;
	v24 =	vadd.f32 v28, v24  }
0x243: {  	[tilespmem:v12+s22+$0x0] =	vst.idx.msk vm5, v29;
	v30 =	vnsel vm6, $0x0, v35  }
0x244: {  	v26 =	vadd.s32 $0x1, v20;
	v38 =	vld.idx.msk [tilespmem:v5+s22+$0x0], vm5;
	v30 =	vadd.f32 v30, v24  }
0x245: {  	[tilespmem:v3+s22+$0x0] =	vst.idx.msk vm2, v22;
	v32 =	vadd.s32 $0x1, v21;
	v22 =	vadd.f32 v27, v22  }
0x246: {  	vm12 =	vmmov vm1;
	v25 =	vnsel vm7, $0x0, v25;
	v36 =	vld.idx.msk [tilespmem:v20+s22+$0x0], vm2;
	v27 =	vadd.s32 $0x2, v20  }
0x247: {  	vm11 =	vmmov vm5;
	v33 =	vadd.s32 $0x2, v21;
	[tilespmem:v9+s22+$0x0] =	vst.idx.msk vm0, v22;
	v40 =	vld.idx.msk [tilespmem:v21+s22+$0x0], vm15;
	v28 =	vnsel vm12, $0x0, v34  }
0x248: {  	v22 =	vadd.f32 v28, v22;
	[tilespmem:v7+s22+$0x0] =	vst.idx.msk vm8, v30;
	v25 =	vadd.f32 v25, v30;
	v30 =	vmov v5  }
0x249: {  	v37 =	vld.idx.msk [tilespmem:v26+s22+$0x0], vm0;
	v28 =	vadd.s32 $0x3, v20;
	[tilespmem:v10+s22+$0x0] =	vst.idx.msk vm4, v24;
	v24 =	vnsel vm11, $0x0, v38  }
0x24a: {  	v35 =	vadd.s32 $0x3, v21;
	v41 =	vld.idx.msk [tilespmem:v32+s22+$0x0], vm4;
	[tilespmem:v8+s22+$0x0] =	vst.idx.msk vm1, v22;
	v34 =	vadd.f32 v24, v22;
	v24 =	vadd.s32 $0x4, v3  }
0x24b: {  	s30 =	simm.s32 $0x4;
	v19 =	vadd.s32 $0x4, v11;
	v22 =	vadd.s32 $0x4, v6;
	v39 =	vadd.s32 $0x3, v24;
	v38 =	vld.idx.msk [tilespmem:v27+s22+$0x0], vm1  }
.LBB2_18:
0x24c: {  	v42 =	vadd.s32 $0x2, v19;
	v43 =	vadd.s32 $0x1, v24  }
0x24d: {  	v44 =	vadd.s32 $0x2, v24;
	v45 =	vld.idx.msk [tilespmem:v33+s22+$0x0], vm6;
	[tilespmem:v30+s22+$0x0] =	vst.idx.msk vm11, v34;
	v46 =	vmovc v19;
	v30 =	vmov v39;
	vm5 =	vmmov vm7  }
0x24e: {  	vm9 =	vlt.u32 v22, $0x200;
	v39 =	vadd.s32 $0x1, v19;
	s30 =	sadd.s32 $0x4, s30;
	[tilespmem:v31+s22+$0x0] =	vst.idx.msk vm7, v25;
	v31 =	vnsel vm14, $0x0, v36;
	v36 =	vld.idx.msk [tilespmem:v28+s22+$0x0], vm11  }
0x24f: {  	v47 =	vadd.s32 $0x1, v22;
	p0 =	slt.u32 s30, $0x208;
	v40 =	vnsel vm15, $0x0, v40;
	v48 =	vld.idx.msk [tilespmem:v35+s22+$0x0], vm7;
	v23 =	vadd.f32 v31, v23  }
0x250: {  	vm10 =	vlt.u32 v47, $0x200;
	v29 =	vadd.f32 v40, v29;
	v31 =	vnsel vm13, $0x0, v37  }
0x251: {  	v37 =	vadd.s32 $0x2, v22;
	v40 =	vnsel vm4, $0x0, v41;
	[tilespmem:v20+s22+$0x0] =	vst.idx.msk vm14, v23;
	v23 =	vadd.f32 v31, v23  }
0x252: {  	vm8 =	vlt.u32 v37, $0x200;
	v31 =	vnsel vm12, $0x0, v38;
	[tilespmem:v21+s22+$0x0] =	vst.idx.msk vm15, v29;
	v29 =	vadd.f32 v40, v29  }
0x253: {  	v37 =	vadd.s32 $0x3, v22;
	v40 =	vnsel vm6, $0x0, v45;
	v38 =	vld.idx.msk [tilespmem:v24+s22+$0x0], vm15;
	[tilespmem:v26+s22+$0x0] =	vst.idx.msk vm13, v23;
	v23 =	vadd.f32 v31, v23  }
0x254: {  	vm7 =	vlt.u32 v37, $0x200;
	v26 =	vld.idx.msk [tilespmem:v19+s22+$0x0], vm9;
	[tilespmem:v32+s22+$0x0] =	vst.idx.msk vm4, v29;
	v29 =	vadd.f32 v40, v29;
	v32 =	vnsel vm11, $0x0, v36  }
0x255: {  	v31 =	vadd.s32 $0x3, v19;
	v37 =	vnsel vm5, $0x0, v48;
	v36 =	vld.idx.msk [tilespmem:v43+s22+$0x0], vm4;
	[tilespmem:v27+s22+$0x0] =	vst.idx.msk vm12, v23;
	v23 =	vadd.f32 v32, v23  }
0x256: {  	vm14 =	vmmov vm15;
	vm15 =	vmmov vm9;
	v27 =	vld.idx.msk [tilespmem:v39+s22+$0x0], vm10;
	[tilespmem:v33+s22+$0x0] =	vst.idx.msk vm6, v29;
	v29 =	vadd.f32 v37, v29  }
0x257: {  	vm13 =	vmmov vm4;
	vm4 =	vmmov vm10;
	vm12 =	vmmov vm6;
	v37 =	vld.idx.msk [tilespmem:v44+s22+$0x0], vm6;
	[tilespmem:v28+s22+$0x0] =	vst.idx.msk vm11, v23  }
0x258: {  	v20 =	vadd.s32 $0x4, v20;
	vm6 =	vmmov vm8;
	vm11 =	vmmov vm5;
	v28 =	vld.idx.msk [tilespmem:v42+s22+$0x0], vm8;
	[tilespmem:v35+s22+$0x0] =	vst.idx.msk vm5, v29  }
0x259: {  	v21 =	vadd.s32 $0x4, v21;
	v19 =	vadd.s32 $0x4, v19;
	v32 =	vnsel vm14, $0x0, v38;
	v38 =	vld.idx.msk [tilespmem:v30+s22+$0x0], vm5  }
0x25a: {  	v33 =	vnsel vm15, $0x0, v26;
	v34 =	vadd.f32 v32, v34;
	v26 =	vadd.s32 $0x1, v20;
	v45 =	vld.idx.msk [tilespmem:v31+s22+$0x0], vm7  }
0x25b: {  	v32 =	vadd.s32 $0x1, v21;
	v25 =	vadd.f32 v33, v25;
	v33 =	vnsel vm13, $0x0, v36  }
0x25c: {  	v35 =	vnsel vm4, $0x0, v27;
	v27 =	vadd.s32 $0x2, v20;
	[tilespmem:v24+s22+$0x0] =	vst.idx.msk vm14, v34;
	v34 =	vadd.f32 v33, v34  }
.Ltmp8:
0x25d: {  	v33 =	vadd.s32 $0x2, v21;
	[tilespmem:v46+s22+$0x0] =	vst.idx.msk vm9, v25;
	v25 =	vadd.f32 v35, v25;
	v36 =	vld.idx.msk [tilespmem:v20+s22+$0x0], vm14;
	v35 =	vnsel vm12, $0x0, v37;
	(pc) =	sbr.rel @p0 .LBB2_18-.Ltmp8, $4  }
0x25e: {  	v37 =	vnsel vm6, $0x0, v28;
	v28 =	vadd.s32 $0x3, v20;
	v40 =	vld.idx.msk [tilespmem:v21+s22+$0x0], vm9;
	[tilespmem:v43+s22+$0x0] =	vst.idx.msk vm13, v34;
	v34 =	vadd.f32 v35, v34  }
0x25f: {  	v35 =	vadd.s32 $0x3, v21;
	v38 =	vnsel vm11, $0x0, v38;
	[tilespmem:v39+s22+$0x0] =	vst.idx.msk vm10, v25;
	v25 =	vadd.f32 v37, v25;
	v37 =	vld.idx.msk [tilespmem:v26+s22+$0x0], vm13  }
0x260: {  	v24 =	vadd.s32 $0x4, v24;
	v43 =	vnsel vm7, $0x0, v45;
	v41 =	vld.idx.msk [tilespmem:v32+s22+$0x0], vm10;
	[tilespmem:v44+s22+$0x0] =	vst.idx.msk vm12, v34;
	v34 =	vadd.f32 v38, v34  }
0x261: {  	v22 =	vadd.s32 $0x4, v22;
	v39 =	vadd.s32 $0x3, v24;
	[tilespmem:v42+s22+$0x0] =	vst.idx.msk vm8, v25;
	v25 =	vadd.f32 v43, v25;
	v38 =	vld.idx.msk [tilespmem:v27+s22+$0x0], vm12  }
0x262: {  	_ =	sdelay $0x4  }
0x263: {  	v42 =	vld.idx.msk [tilespmem:v33+s22+$0x0], vm6  }
0x264: {  	[tilespmem:v31+s22+$0x0] =	vst.idx.msk vm7, v25;
	v31 =	vnsel vm15, $0x0, v40  }
0x265: {  	v51 =	vadd.s32 $0x1, v24;
	v43 =	vld.idx.msk [tilespmem:v35+s22+$0x0], vm7;
	v29 =	vadd.f32 v31, v29  }
0x266: {  	v31 =	vnsel vm4, $0x0, v41  }
0x267: {  	v52 =	vadd.s32 $0x2, v24;
	vm9 =	vmmov vm7;
	[tilespmem:v21+s22+$0x0] =	vst.idx.msk vm15, v29;
	v29 =	vadd.f32 v31, v29  }
0x268: {  	v31 =	vld.idx.msk [tilespmem:v24+s22+$0x0], vm15;
	v42 =	vnsel vm6, $0x0, v42  }
0x269: {  	[tilespmem:v32+s22+$0x0] =	vst.idx.msk vm4, v29;
	v29 =	vadd.f32 v42, v29  }
0x26a: {  	v32 =	vld.idx.msk [tilespmem:v51+s22+$0x0], vm4;
	v53 =	vnsel vm9, $0x0, v43  }
0x26b: {  	[tilespmem:v33+s22+$0x0] =	vst.idx.msk vm6, v29;
	v29 =	vadd.f32 v53, v29  }
0x26c: {  	vm5 =	vmmov vm15;
	v54 =	vadd.s32 $0x4, v20;
	vm4 =	vmmov vm4;
	v33 =	vld.idx.msk [tilespmem:v52+s22+$0x0], vm6  }
0x26d: {  	v36 =	vnsel vm14, $0x0, v36;
	[tilespmem:v35+s22+$0x0] =	vst.idx.msk vm9, v29;
	v31 =	vnsel vm5, $0x0, v31  }
0x26e: {  	[tilespmem:v30+s22+$0x0] =	vst.idx.msk vm11, v34;
	vm10 =	vmmov vm6;
	v55 =	vadd.s32 $0x1, v54;
	v30 =	vld.idx.msk [tilespmem:v39+s22+$0x0], vm9;
	v31 =	vadd.f32 v31, v34  }
0x26f: {  	v56 =	vld.idx.msk [tilespmem:v28+s22+$0x0], vm11;
	v36 =	vadd.f32 v36, v23;
	v57 =	vadd.s32 $0x2, v54;
	v32 =	vnsel vm4, $0x0, v32  }
0x270: {  	v23 =	vnsel vm13, $0x0, v37;
	vm7 =	vmmov vm9;
	[tilespmem:v24+s22+$0x0] =	vst.idx.msk vm15, v31;
	v31 =	vadd.f32 v32, v31  }
0x271: {  	v37 =	vadd.f32 v23, v36;
	v58 =	vld.idx.msk [tilespmem:v54+s22+$0x0], vm15;
	v23 =	vnsel vm10, $0x0, v33  }
0x272: {  	v59 =	vnsel vm12, $0x0, v38;
	[tilespmem:v51+s22+$0x0] =	vst.idx.msk vm4, v31;
	v23 =	vadd.f32 v23, v31;
	v31 =	vadd.s32 $0x3, v54  }
0x273: {  	v33 =	vadd.f32 v59, v37;
	v60 =	vld.idx.msk [tilespmem:v55+s22+$0x0], vm4;
	v30 =	vnsel vm7, $0x0, v30  }
0x274: {  	v35 =	vnsel vm11, $0x0, v56;
	[tilespmem:v52+s22+$0x0] =	vst.idx.msk vm10, v23;
	v23 =	vadd.f32 v30, v23  }
0x275: {  	v30 =	vadd.f32 v35, v33;
	v61 =	vld.idx.msk [tilespmem:v57+s22+$0x0], vm10  }
0x276: {  	[tilespmem:v39+s22+$0x0] =	vst.idx.msk vm7, v23;
	v62 =	vnsel vm5, $0x0, v58  }
0x277: {  	v63 =	vld.idx.msk [tilespmem:v31+s22+$0x0], vm7;
	v39 =	vadd.f32 v62, v30  }
0x278: {  	[tilespmem:v20+s22+$0x0] =	vst.idx.msk vm14, v36;
	v20 =	vnsel vm4, $0x0, v60  }
0x279: {  	[tilespmem:v26+s22+$0x0] =	vst.idx.msk vm13, v37;
	v20 =	vadd.f32 v20, v39  }
0x27a: {  	[tilespmem:v27+s22+$0x0] =	vst.idx.msk vm12, v33;
	v26 =	vnsel vm10, $0x0, v61  }
0x27b: {  	[tilespmem:v28+s22+$0x0] =	vst.idx.msk vm11, v30;
	v26 =	vadd.f32 v26, v20  }
0x27c: {  	[tilespmem:v54+s22+$0x0] =	vst.idx.msk vm15, v39;
	v27 =	vnsel vm7, $0x0, v63  }
0x27d: {  	[tilespmem:v55+s22+$0x0] =	vst.idx.msk vm4, v20;
	v20 =	vadd.f32 v27, v26  }
0x27e: {  	[tilespmem:v57+s22+$0x0] =	vst.idx.msk vm10, v26  }
0x27f: {  	s30 =	simm.s32 $0x3;
	v21 =	vadd.s32 $0x4, v21;
	v24 =	vadd.s32 $0x4, v24;
	v26 =	vadd.s32 $0x4, v54;
	[tilespmem:v31+s22+$0x0] =	vst.idx.msk vm7, v20  }
.LBB2_20:
0x280: {  	vm4 =	vlt.u32 v22, $0x200;
	_ =	sdelay $0x5  }
0x281: {  	v27 =	vld.idx.msk [tilespmem:v19+s22+$0x0], vm4;
	_ =	sdelay $0x4  }
0x282: {  	v27 =	vnsel vm4, $0x0, v27  }
0x283: {  	v25 =	vadd.f32 v27, v25;
	_ =	sdelay $0x1  }
0x284: {  	[tilespmem:v19+s22+$0x0] =	vst.idx.msk vm4, v25  }
0x285: {  	v27 =	vld.idx.msk [tilespmem:v21+s22+$0x0], vm4;
	_ =	sdelay $0x4  }
0x286: {  	v27 =	vnsel vm4, $0x0, v27  }
0x287: {  	v29 =	vadd.f32 v27, v29;
	_ =	sdelay $0x1  }
0x288: {  	[tilespmem:v21+s22+$0x0] =	vst.idx.msk vm4, v29  }
0x289: {  	v27 =	vld.idx.msk [tilespmem:v24+s22+$0x0], vm4;
	_ =	sdelay $0x4  }
0x28a: {  	v27 =	vnsel vm4, $0x0, v27  }
0x28b: {  	v23 =	vadd.f32 v27, v23;
	_ =	sdelay $0x1  }
0x28c: {  	[tilespmem:v24+s22+$0x0] =	vst.idx.msk vm4, v23  }
0x28d: {  	v27 =	vld.idx.msk [tilespmem:v26+s22+$0x0], vm4;
	_ =	sdelay $0x2  }
0x28e: {  	p0 =	sne.s32 s30, $0x1  }
.Ltmp9:
0x28f: {  	_ = 	snop;
	(pc) =	sbr.rel @p0 .LBB2_20-.Ltmp9, $4  }
0x290: {  	v27 =	vnsel vm4, $0x0, v27  }
0x291: {  	v20 =	vadd.f32 v27, v20  }
0x292: {  	v22 =	vadd.s32 $0x1, v22;
	v19 =	vadd.s32 $0x1, v19  }
0x293: {  	s30 =	sadd.s32 $0xFFFFFFFF, s30;
	v21 =	vadd.s32 $0x1, v21;
	v24 =	vadd.s32 $0x1, v24;
	[tilespmem:v26+s22+$0x0] =	vst.idx.msk vm4, v20;
	v26 =	vadd.s32 $0x1, v26  }
0x294: {  	[hbm4b:s14+s1] =	stream.linear.scatter [tilespmem:s22], [sflag:$0x3], $0x8000, $0x38;
	[tilespmem:$0x10200] =	vst v63  }
0x295: {  	_ =	swait.ge [sflag:s25], $0x8000  }
0x296: {  	[sflag:s25] =	ssyncset.done $0x0  }
0x297: {  	[sflag:s25] =	ssyncadd.s32 $0xFFFF8000  }
0x298: {  	[tilespmem:s22], [sflag:$0x1] =	stream.linear.gather [hbm4b:s15+s1], $0x8000, $0x38;
	[tilespmem:$0x10200] =	vst v63  }
0x299: {  	_ =	swait.ge [sflag:s26], $0x8000  }
0x29a: {  	v19 =	vld [tilespmem:$0x1FF90];
	_ =	sdelay $0x4  }
0x29b: {  	vm4 =	vnez.u8 v19  }
0x29c: {  	v21 =	vld [tilespmem:$0x1FFA0];
	_ =	sdelay $0x2  }
0x29d: {  	[sflag:s26] =	ssyncset.done $0x0  }
0x29e: {  	[sflag:s26] =	ssyncadd.s32 $0xFFFF8000  }
0x29f: {  	v19 =	vld.idx.msk [tilespmem:v0+s23+$0x0], vm4;
	vm4 =	vnez.u8 v21  }
0x2a0: {  	v23 =	vld [tilespmem:$0x1FFB0];
	_ =	sdelay $0x4  }
0x2a1: {  	v21 =	vld.idx.msk [tilespmem:v14+s23+$0x0], vm4;
	vm4 =	vnez.u8 v23;
	_ =	sdelay $0x1  }
0x2a2: {  	v20 =	vld [tilespmem:$0x140];
	_ =	sdelay $0x2  }
0x2a3: {  	v22 =	vld [tilespmem:$0x150]  }
0x2a4: {  	v19 =	vnsel vm2, $0x0, v19;
	v24 =	vld.idx.msk [tilespmem:v15+s23+$0x0], vm4  }
0x2a5: {  	v25 =	vld [tilespmem:$0x160];
	v19 =	vadd.f32 v19, v20  }
0x2a6: {  	v26 =	vld.idx.msk [tilespmem:v17+s23+$0x0], vm3;
	v20 =	vnsel vm0, $0x0, v21  }
0x2a7: {  	v23 =	vld [tilespmem:$0x170];
	[tilespmem:v0+s23+$0x0] =	vst.idx.msk vm2, v19;
	v19 =	vadd.f32 v20, v19  }
0x2a8: {  	v20 =	vld.idx.msk [tilespmem:v2+s23+$0x0], vm2  }
0x2a9: {  	[tilespmem:v14+s23+$0x0] =	vst.idx.msk vm0, v19;
	v21 =	vnsel vm1, $0x0, v24  }
0x2aa: {  	v19 =	vadd.f32 v21, v19;
	v21 =	vld.idx.msk [tilespmem:v16+s23+$0x0], vm0;
	_ =	sdelay $0x1  }
0x2ab: {  	v24 =	vnsel vm3, $0x0, v26;
	[tilespmem:v15+s23+$0x0] =	vst.idx.msk vm1, v19  }
0x2ac: {  	v20 =	vnsel vm2, $0x0, v20;
	v24 =	vadd.f32 v24, v19;
	v19 =	vld.idx.msk [tilespmem:v13+s23+$0x0], vm1  }
0x2ad: {  	v20 =	vadd.f32 v20, v22  }
0x2ae: {  	v21 =	vnsel vm0, $0x0, v21  }
0x2af: {  	[tilespmem:v2+s23+$0x0] =	vst.idx.msk vm2, v20;
	v21 =	vadd.f32 v21, v20  }
0x2b0: {  	[tilespmem:v17+s23+$0x0] =	vst.idx.msk vm3, v24  }
0x2b1: {  	v27 =	vld [tilespmem:$0x1FFC0];
	v19 =	vnsel vm1, $0x0, v19;
	[tilespmem:v16+s23+$0x0] =	vst.idx.msk vm0, v21  }
0x2b2: {  	v19 =	vadd.f32 v19, v21;
	v21 =	vld [tilespmem:$0x1FFF0]  }
0x2b3: {  	v26 =	vld.idx.msk [tilespmem:v12+s23+$0x0], vm3;
	_ =	sdelay $0x3  }
0x2b4: {  	vm5 =	vnez.u8 v21  }
0x2b5: {  	v21 =	vnsel vm5, $0x0, v26  }
0x2b6: {  	v29 =	vadd.f32 v21, v19;
	v21 =	vld [tilespmem:$0x1FFD0]  }
0x2b7: {  	[tilespmem:v13+s23+$0x0] =	vst.idx.msk vm1, v19  }
0x2b8: {  	v19 =	vld [tilespmem:$0x1FFE0]  }
0x2b9: {  	vm4 =	vnez.u8 v27;
	_ =	sdelay $0x1  }
0x2ba: {  	vm6 =	vnez.u8 v21;
	_ =	sdelay $0x1  }
0x2bb: {  	vm8 =	vnez.u8 v19  }
0x2bc: {  	v22 =	vld.idx.msk [tilespmem:v3+s23+$0x0], vm2  }
0x2bd: {  	v27 =	vld.idx.msk [tilespmem:v11+s23+$0x0], vm4  }
0x2be: {  	vm7 =	vlt.u32 v18, $0x200;
	v28 =	vld.idx.msk [tilespmem:v9+s23+$0x0], vm0  }
0x2bf: {  	v31 =	vadd.s32 $0x3, v11;
	vm15 =	vmmov vm4;
	v30 =	vld.idx.msk [tilespmem:v10+s23+$0x0], vm6;
	_ =	sdelay $0x1  }
0x2c0: {  	vm14 =	vmmov vm2;
	v35 =	vld.idx.msk [tilespmem:v7+s23+$0x0], vm8  }
0x2c1: {  	vm13 =	vmmov vm0;
	v20 =	vor.u32 $0x6000, v0;
	v27 =	vnsel vm15, $0x0, v27  }
0x2c2: {  	v22 =	vnsel vm14, $0x0, v22;
	vm4 =	vmmov vm6;
	v24 =	vadd.f32 v27, v24  }
0x2c3: {  	v22 =	vadd.f32 v22, v25;
	v25 =	vld.idx.msk [tilespmem:v31+s23+$0x0], vm7;
	v27 =	vnsel vm13, $0x0, v28;
	v28 =	vnsel vm4, $0x0, v30  }
0x2c4: {  	v34 =	vld.idx.msk [tilespmem:v8+s23+$0x0], vm1;
	v21 =	vadd.s32 $0x4, v2;
	[tilespmem:v11+s23+$0x0] =	vst.idx.msk vm15, v24;
	vm6 =	vmmov vm8;
	v24 =	vadd.f32 v28, v24  }
0x2c5: {  	[tilespmem:v12+s23+$0x0] =	vst.idx.msk vm5, v29;
	v30 =	vnsel vm6, $0x0, v35  }
0x2c6: {  	v26 =	vadd.s32 $0x1, v20;
	v38 =	vld.idx.msk [tilespmem:v5+s23+$0x0], vm5;
	v30 =	vadd.f32 v30, v24  }
0x2c7: {  	[tilespmem:v3+s23+$0x0] =	vst.idx.msk vm2, v22;
	v32 =	vadd.s32 $0x1, v21;
	v22 =	vadd.f32 v27, v22  }
0x2c8: {  	vm12 =	vmmov vm1;
	v25 =	vnsel vm7, $0x0, v25;
	v36 =	vld.idx.msk [tilespmem:v20+s23+$0x0], vm2;
	v27 =	vadd.s32 $0x2, v20  }
0x2c9: {  	vm11 =	vmmov vm5;
	v33 =	vadd.s32 $0x2, v21;
	[tilespmem:v9+s23+$0x0] =	vst.idx.msk vm0, v22;
	v40 =	vld.idx.msk [tilespmem:v21+s23+$0x0], vm15;
	v28 =	vnsel vm12, $0x0, v34  }
0x2ca: {  	v22 =	vadd.f32 v28, v22;
	[tilespmem:v7+s23+$0x0] =	vst.idx.msk vm8, v30;
	v25 =	vadd.f32 v25, v30;
	v30 =	vmov v5  }
0x2cb: {  	v37 =	vld.idx.msk [tilespmem:v26+s23+$0x0], vm0;
	v28 =	vadd.s32 $0x3, v20;
	[tilespmem:v10+s23+$0x0] =	vst.idx.msk vm4, v24;
	v24 =	vnsel vm11, $0x0, v38  }
0x2cc: {  	v35 =	vadd.s32 $0x3, v21;
	v41 =	vld.idx.msk [tilespmem:v32+s23+$0x0], vm4;
	[tilespmem:v8+s23+$0x0] =	vst.idx.msk vm1, v22;
	v34 =	vadd.f32 v24, v22;
	v24 =	vadd.s32 $0x4, v3  }
0x2cd: {  	s30 =	simm.s32 $0x4;
	v19 =	vadd.s32 $0x4, v11;
	v22 =	vadd.s32 $0x4, v6;
	v39 =	vadd.s32 $0x3, v24;
	v38 =	vld.idx.msk [tilespmem:v27+s23+$0x0], vm1  }
.LBB2_22:
0x2ce: {  	v42 =	vadd.s32 $0x2, v19;
	v43 =	vadd.s32 $0x1, v24  }
0x2cf: {  	v44 =	vadd.s32 $0x2, v24;
	v45 =	vld.idx.msk [tilespmem:v33+s23+$0x0], vm6;
	[tilespmem:v30+s23+$0x0] =	vst.idx.msk vm11, v34;
	v46 =	vmovc v19;
	v30 =	vmov v39;
	vm5 =	vmmov vm7  }
0x2d0: {  	vm9 =	vlt.u32 v22, $0x200;
	v39 =	vadd.s32 $0x1, v19;
	s30 =	sadd.s32 $0x4, s30;
	[tilespmem:v31+s23+$0x0] =	vst.idx.msk vm7, v25;
	v31 =	vnsel vm14, $0x0, v36;
	v36 =	vld.idx.msk [tilespmem:v28+s23+$0x0], vm11  }
0x2d1: {  	v47 =	vadd.s32 $0x1, v22;
	p0 =	slt.u32 s30, $0x208;
	v40 =	vnsel vm15, $0x0, v40;
	v48 =	vld.idx.msk [tilespmem:v35+s23+$0x0], vm7;
	v23 =	vadd.f32 v31, v23  }
0x2d2: {  	vm10 =	vlt.u32 v47, $0x200;
	v29 =	vadd.f32 v40, v29;
	v31 =	vnsel vm13, $0x0, v37  }
0x2d3: {  	v37 =	vadd.s32 $0x2, v22;
	v40 =	vnsel vm4, $0x0, v41;
	[tilespmem:v20+s23+$0x0] =	vst.idx.msk vm14, v23;
	v23 =	vadd.f32 v31, v23  }
0x2d4: {  	vm8 =	vlt.u32 v37, $0x200;
	v31 =	vnsel vm12, $0x0, v38;
	[tilespmem:v21+s23+$0x0] =	vst.idx.msk vm15, v29;
	v29 =	vadd.f32 v40, v29  }
0x2d5: {  	v37 =	vadd.s32 $0x3, v22;
	v40 =	vnsel vm6, $0x0, v45;
	v38 =	vld.idx.msk [tilespmem:v24+s23+$0x0], vm15;
	[tilespmem:v26+s23+$0x0] =	vst.idx.msk vm13, v23;
	v23 =	vadd.f32 v31, v23  }
0x2d6: {  	vm7 =	vlt.u32 v37, $0x200;
	v26 =	vld.idx.msk [tilespmem:v19+s23+$0x0], vm9;
	[tilespmem:v32+s23+$0x0] =	vst.idx.msk vm4, v29;
	v29 =	vadd.f32 v40, v29;
	v32 =	vnsel vm11, $0x0, v36  }
0x2d7: {  	v31 =	vadd.s32 $0x3, v19;
	v37 =	vnsel vm5, $0x0, v48;
	v36 =	vld.idx.msk [tilespmem:v43+s23+$0x0], vm4;
	[tilespmem:v27+s23+$0x0] =	vst.idx.msk vm12, v23;
	v23 =	vadd.f32 v32, v23  }
0x2d8: {  	vm14 =	vmmov vm15;
	vm15 =	vmmov vm9;
	v27 =	vld.idx.msk [tilespmem:v39+s23+$0x0], vm10;
	[tilespmem:v33+s23+$0x0] =	vst.idx.msk vm6, v29;
	v29 =	vadd.f32 v37, v29  }
0x2d9: {  	vm13 =	vmmov vm4;
	vm4 =	vmmov vm10;
	vm12 =	vmmov vm6;
	v37 =	vld.idx.msk [tilespmem:v44+s23+$0x0], vm6;
	[tilespmem:v28+s23+$0x0] =	vst.idx.msk vm11, v23  }
0x2da: {  	v20 =	vadd.s32 $0x4, v20;
	vm6 =	vmmov vm8;
	vm11 =	vmmov vm5;
	v28 =	vld.idx.msk [tilespmem:v42+s23+$0x0], vm8;
	[tilespmem:v35+s23+$0x0] =	vst.idx.msk vm5, v29  }
0x2db: {  	v21 =	vadd.s32 $0x4, v21;
	v19 =	vadd.s32 $0x4, v19;
	v32 =	vnsel vm14, $0x0, v38;
	v38 =	vld.idx.msk [tilespmem:v30+s23+$0x0], vm5  }
0x2dc: {  	v33 =	vnsel vm15, $0x0, v26;
	v34 =	vadd.f32 v32, v34;
	v26 =	vadd.s32 $0x1, v20;
	v45 =	vld.idx.msk [tilespmem:v31+s23+$0x0], vm7  }
0x2dd: {  	v32 =	vadd.s32 $0x1, v21;
	v25 =	vadd.f32 v33, v25;
	v33 =	vnsel vm13, $0x0, v36  }
0x2de: {  	v35 =	vnsel vm4, $0x0, v27;
	v27 =	vadd.s32 $0x2, v20;
	[tilespmem:v24+s23+$0x0] =	vst.idx.msk vm14, v34;
	v34 =	vadd.f32 v33, v34  }
.Ltmp10:
0x2df: {  	v33 =	vadd.s32 $0x2, v21;
	[tilespmem:v46+s23+$0x0] =	vst.idx.msk vm9, v25;
	v25 =	vadd.f32 v35, v25;
	v36 =	vld.idx.msk [tilespmem:v20+s23+$0x0], vm14;
	v35 =	vnsel vm12, $0x0, v37;
	(pc) =	sbr.rel @p0 .LBB2_22-.Ltmp10, $4  }
0x2e0: {  	v37 =	vnsel vm6, $0x0, v28;
	v28 =	vadd.s32 $0x3, v20;
	v40 =	vld.idx.msk [tilespmem:v21+s23+$0x0], vm9;
	[tilespmem:v43+s23+$0x0] =	vst.idx.msk vm13, v34;
	v34 =	vadd.f32 v35, v34  }
0x2e1: {  	v35 =	vadd.s32 $0x3, v21;
	v38 =	vnsel vm11, $0x0, v38;
	[tilespmem:v39+s23+$0x0] =	vst.idx.msk vm10, v25;
	v25 =	vadd.f32 v37, v25;
	v37 =	vld.idx.msk [tilespmem:v26+s23+$0x0], vm13  }
0x2e2: {  	v24 =	vadd.s32 $0x4, v24;
	v43 =	vnsel vm7, $0x0, v45;
	v41 =	vld.idx.msk [tilespmem:v32+s23+$0x0], vm10;
	[tilespmem:v44+s23+$0x0] =	vst.idx.msk vm12, v34;
	v34 =	vadd.f32 v38, v34  }
0x2e3: {  	v22 =	vadd.s32 $0x4, v22;
	v39 =	vadd.s32 $0x3, v24;
	[tilespmem:v42+s23+$0x0] =	vst.idx.msk vm8, v25;
	v25 =	vadd.f32 v43, v25;
	v38 =	vld.idx.msk [tilespmem:v27+s23+$0x0], vm12  }
0x2e4: {  	_ =	sdelay $0x4  }
0x2e5: {  	v42 =	vld.idx.msk [tilespmem:v33+s23+$0x0], vm6  }
0x2e6: {  	[tilespmem:v31+s23+$0x0] =	vst.idx.msk vm7, v25;
	v31 =	vnsel vm15, $0x0, v40  }
0x2e7: {  	v51 =	vadd.s32 $0x1, v24;
	v43 =	vld.idx.msk [tilespmem:v35+s23+$0x0], vm7;
	v29 =	vadd.f32 v31, v29  }
0x2e8: {  	v31 =	vnsel vm4, $0x0, v41  }
0x2e9: {  	v52 =	vadd.s32 $0x2, v24;
	vm9 =	vmmov vm7;
	[tilespmem:v21+s23+$0x0] =	vst.idx.msk vm15, v29;
	v29 =	vadd.f32 v31, v29  }
0x2ea: {  	v31 =	vld.idx.msk [tilespmem:v24+s23+$0x0], vm15;
	v42 =	vnsel vm6, $0x0, v42  }
0x2eb: {  	[tilespmem:v32+s23+$0x0] =	vst.idx.msk vm4, v29;
	v29 =	vadd.f32 v42, v29  }
0x2ec: {  	v32 =	vld.idx.msk [tilespmem:v51+s23+$0x0], vm4;
	v53 =	vnsel vm9, $0x0, v43  }
0x2ed: {  	[tilespmem:v33+s23+$0x0] =	vst.idx.msk vm6, v29;
	v29 =	vadd.f32 v53, v29  }
0x2ee: {  	vm5 =	vmmov vm15;
	v54 =	vadd.s32 $0x4, v20;
	vm4 =	vmmov vm4;
	v33 =	vld.idx.msk [tilespmem:v52+s23+$0x0], vm6  }
0x2ef: {  	v36 =	vnsel vm14, $0x0, v36;
	[tilespmem:v35+s23+$0x0] =	vst.idx.msk vm9, v29;
	v31 =	vnsel vm5, $0x0, v31  }
0x2f0: {  	[tilespmem:v30+s23+$0x0] =	vst.idx.msk vm11, v34;
	vm10 =	vmmov vm6;
	v55 =	vadd.s32 $0x1, v54;
	v30 =	vld.idx.msk [tilespmem:v39+s23+$0x0], vm9;
	v31 =	vadd.f32 v31, v34  }
0x2f1: {  	v56 =	vld.idx.msk [tilespmem:v28+s23+$0x0], vm11;
	v36 =	vadd.f32 v36, v23;
	v57 =	vadd.s32 $0x2, v54;
	v32 =	vnsel vm4, $0x0, v32  }
0x2f2: {  	v23 =	vnsel vm13, $0x0, v37;
	vm7 =	vmmov vm9;
	[tilespmem:v24+s23+$0x0] =	vst.idx.msk vm15, v31;
	v31 =	vadd.f32 v32, v31  }
0x2f3: {  	v37 =	vadd.f32 v23, v36;
	v58 =	vld.idx.msk [tilespmem:v54+s23+$0x0], vm15;
	v23 =	vnsel vm10, $0x0, v33  }
0x2f4: {  	v59 =	vnsel vm12, $0x0, v38;
	[tilespmem:v51+s23+$0x0] =	vst.idx.msk vm4, v31;
	v23 =	vadd.f32 v23, v31;
	v31 =	vadd.s32 $0x3, v54  }
0x2f5: {  	v33 =	vadd.f32 v59, v37;
	v60 =	vld.idx.msk [tilespmem:v55+s23+$0x0], vm4;
	v30 =	vnsel vm7, $0x0, v30  }
0x2f6: {  	v35 =	vnsel vm11, $0x0, v56;
	[tilespmem:v52+s23+$0x0] =	vst.idx.msk vm10, v23;
	v23 =	vadd.f32 v30, v23  }
0x2f7: {  	v30 =	vadd.f32 v35, v33;
	v61 =	vld.idx.msk [tilespmem:v57+s23+$0x0], vm10  }
0x2f8: {  	[tilespmem:v39+s23+$0x0] =	vst.idx.msk vm7, v23;
	v62 =	vnsel vm5, $0x0, v58  }
0x2f9: {  	v63 =	vld.idx.msk [tilespmem:v31+s23+$0x0], vm7;
	v39 =	vadd.f32 v62, v30  }
0x2fa: {  	[tilespmem:v20+s23+$0x0] =	vst.idx.msk vm14, v36;
	v20 =	vnsel vm4, $0x0, v60  }
0x2fb: {  	[tilespmem:v26+s23+$0x0] =	vst.idx.msk vm13, v37;
	v20 =	vadd.f32 v20, v39  }
0x2fc: {  	[tilespmem:v27+s23+$0x0] =	vst.idx.msk vm12, v33;
	v26 =	vnsel vm10, $0x0, v61  }
0x2fd: {  	[tilespmem:v28+s23+$0x0] =	vst.idx.msk vm11, v30;
	v26 =	vadd.f32 v26, v20  }
0x2fe: {  	[tilespmem:v54+s23+$0x0] =	vst.idx.msk vm15, v39;
	v27 =	vnsel vm7, $0x0, v63  }
0x2ff: {  	[tilespmem:v55+s23+$0x0] =	vst.idx.msk vm4, v20;
	v20 =	vadd.f32 v27, v26  }
0x300: {  	[tilespmem:v57+s23+$0x0] =	vst.idx.msk vm10, v26  }
0x301: {  	s30 =	simm.s32 $0x3;
	v21 =	vadd.s32 $0x4, v21;
	v24 =	vadd.s32 $0x4, v24;
	v26 =	vadd.s32 $0x4, v54;
	[tilespmem:v31+s23+$0x0] =	vst.idx.msk vm7, v20  }
.LBB2_24:
0x302: {  	vm4 =	vlt.u32 v22, $0x200;
	_ =	sdelay $0x5  }
0x303: {  	v27 =	vld.idx.msk [tilespmem:v19+s23+$0x0], vm4;
	_ =	sdelay $0x4  }
0x304: {  	v27 =	vnsel vm4, $0x0, v27  }
0x305: {  	v25 =	vadd.f32 v27, v25;
	_ =	sdelay $0x1  }
0x306: {  	[tilespmem:v19+s23+$0x0] =	vst.idx.msk vm4, v25  }
0x307: {  	v27 =	vld.idx.msk [tilespmem:v21+s23+$0x0], vm4;
	_ =	sdelay $0x4  }
0x308: {  	v27 =	vnsel vm4, $0x0, v27  }
0x309: {  	v29 =	vadd.f32 v27, v29;
	_ =	sdelay $0x1  }
0x30a: {  	[tilespmem:v21+s23+$0x0] =	vst.idx.msk vm4, v29  }
0x30b: {  	v27 =	vld.idx.msk [tilespmem:v24+s23+$0x0], vm4;
	_ =	sdelay $0x4  }
0x30c: {  	v27 =	vnsel vm4, $0x0, v27  }
0x30d: {  	v23 =	vadd.f32 v27, v23;
	_ =	sdelay $0x1  }
0x30e: {  	[tilespmem:v24+s23+$0x0] =	vst.idx.msk vm4, v23  }
0x30f: {  	v27 =	vld.idx.msk [tilespmem:v26+s23+$0x0], vm4;
	_ =	sdelay $0x2  }
0x310: {  	p0 =	sne.s32 s30, $0x1  }
.Ltmp11:
0x311: {  	_ = 	snop;
	(pc) =	sbr.rel @p0 .LBB2_24-.Ltmp11, $4  }
0x312: {  	v27 =	vnsel vm4, $0x0, v27  }
0x313: {  	v20 =	vadd.f32 v27, v20  }
0x314: {  	v22 =	vadd.s32 $0x1, v22;
	v19 =	vadd.s32 $0x1, v19  }
0x315: {  	s30 =	sadd.s32 $0xFFFFFFFF, s30;
	v21 =	vadd.s32 $0x1, v21;
	v24 =	vadd.s32 $0x1, v24;
	[tilespmem:v26+s23+$0x0] =	vst.idx.msk vm4, v20;
	v26 =	vadd.s32 $0x1, v26  }
0x316: {  	[hbm4b:s16+s1] =	stream.linear.scatter [tilespmem:s23], [sflag:$0x4], $0x8000, $0x38;
	[tilespmem:$0x10200] =	vst v63  }
0x317: {  	_ =	swait.ge [sflag:s28], $0x8000  }
0x318: {  	[sflag:s28] =	ssyncset.done $0x0  }
0x319: {  	[sflag:s28] =	ssyncadd.s32 $0xFFFF8000  }
0x31a: {  	[tilespmem:s23], [sflag:$0x2] =	stream.linear.gather [hbm4b:s17+s1], $0x8000, $0x38;
	[tilespmem:$0x10200] =	vst v63  }
0x31b: {  	_ =	swait.ge [sflag:s24], $0x8000  }
0x31c: {  	v19 =	vld [tilespmem:$0x1FF90];
	_ =	sdelay $0x4  }
0x31d: {  	vm4 =	vnez.u8 v19  }
0x31e: {  	v21 =	vld [tilespmem:$0x1FFA0];
	_ =	sdelay $0x2  }
0x31f: {  	[sflag:s24] =	ssyncset.done $0x0  }
0x320: {  	[sflag:s24] =	ssyncadd.s32 $0xFFFF8000  }
0x321: {  	v19 =	vld.idx.msk [tilespmem:v0+s22+$0x0], vm4;
	vm4 =	vnez.u8 v21  }
0x322: {  	v23 =	vld [tilespmem:$0x1FFB0];
	_ =	sdelay $0x4  }
0x323: {  	v21 =	vld.idx.msk [tilespmem:v14+s22+$0x0], vm4;
	vm4 =	vnez.u8 v23;
	_ =	sdelay $0x1  }
0x324: {  	v20 =	vld [tilespmem:$0x180];
	_ =	sdelay $0x2  }
0x325: {  	v22 =	vld [tilespmem:$0x190]  }
0x326: {  	v19 =	vnsel vm2, $0x0, v19;
	v24 =	vld.idx.msk [tilespmem:v15+s22+$0x0], vm4  }
0x327: {  	v25 =	vld [tilespmem:$0x1A0];
	v19 =	vadd.f32 v19, v20  }
0x328: {  	v26 =	vld.idx.msk [tilespmem:v17+s22+$0x0], vm3;
	v20 =	vnsel vm0, $0x0, v21  }
0x329: {  	v23 =	vld [tilespmem:$0x1B0];
	[tilespmem:v0+s22+$0x0] =	vst.idx.msk vm2, v19;
	v19 =	vadd.f32 v20, v19  }
0x32a: {  	v20 =	vld.idx.msk [tilespmem:v2+s22+$0x0], vm2  }
0x32b: {  	[tilespmem:v14+s22+$0x0] =	vst.idx.msk vm0, v19;
	v21 =	vnsel vm1, $0x0, v24  }
0x32c: {  	v19 =	vadd.f32 v21, v19;
	v21 =	vld.idx.msk [tilespmem:v16+s22+$0x0], vm0;
	_ =	sdelay $0x1  }
0x32d: {  	v24 =	vnsel vm3, $0x0, v26;
	[tilespmem:v15+s22+$0x0] =	vst.idx.msk vm1, v19  }
0x32e: {  	v20 =	vnsel vm2, $0x0, v20;
	v24 =	vadd.f32 v24, v19;
	v19 =	vld.idx.msk [tilespmem:v13+s22+$0x0], vm1  }
0x32f: {  	v20 =	vadd.f32 v20, v22  }
0x330: {  	v21 =	vnsel vm0, $0x0, v21  }
0x331: {  	[tilespmem:v2+s22+$0x0] =	vst.idx.msk vm2, v20;
	v21 =	vadd.f32 v21, v20  }
0x332: {  	[tilespmem:v17+s22+$0x0] =	vst.idx.msk vm3, v24  }
0x333: {  	v27 =	vld [tilespmem:$0x1FFC0];
	v19 =	vnsel vm1, $0x0, v19;
	[tilespmem:v16+s22+$0x0] =	vst.idx.msk vm0, v21  }
0x334: {  	v19 =	vadd.f32 v19, v21;
	v21 =	vld [tilespmem:$0x1FFF0]  }
0x335: {  	v26 =	vld.idx.msk [tilespmem:v12+s22+$0x0], vm3;
	_ =	sdelay $0x3  }
0x336: {  	vm5 =	vnez.u8 v21  }
0x337: {  	v21 =	vnsel vm5, $0x0, v26  }
0x338: {  	v29 =	vadd.f32 v21, v19;
	v21 =	vld [tilespmem:$0x1FFD0]  }
0x339: {  	[tilespmem:v13+s22+$0x0] =	vst.idx.msk vm1, v19  }
0x33a: {  	v19 =	vld [tilespmem:$0x1FFE0]  }
0x33b: {  	vm4 =	vnez.u8 v27;
	_ =	sdelay $0x1  }
0x33c: {  	vm6 =	vnez.u8 v21;
	_ =	sdelay $0x1  }
0x33d: {  	vm8 =	vnez.u8 v19  }
0x33e: {  	v22 =	vld.idx.msk [tilespmem:v3+s22+$0x0], vm2  }
0x33f: {  	v27 =	vld.idx.msk [tilespmem:v11+s22+$0x0], vm4  }
0x340: {  	vm7 =	vlt.u32 v18, $0x200;
	v28 =	vld.idx.msk [tilespmem:v9+s22+$0x0], vm0  }
0x341: {  	v31 =	vadd.s32 $0x3, v11;
	vm15 =	vmmov vm4;
	v30 =	vld.idx.msk [tilespmem:v10+s22+$0x0], vm6;
	_ =	sdelay $0x1  }
0x342: {  	vm14 =	vmmov vm2;
	v35 =	vld.idx.msk [tilespmem:v7+s22+$0x0], vm8  }
0x343: {  	vm13 =	vmmov vm0;
	v20 =	vor.u32 $0x6000, v0;
	v27 =	vnsel vm15, $0x0, v27  }
0x344: {  	v22 =	vnsel vm14, $0x0, v22;
	vm4 =	vmmov vm6;
	v24 =	vadd.f32 v27, v24  }
0x345: {  	v22 =	vadd.f32 v22, v25;
	v25 =	vld.idx.msk [tilespmem:v31+s22+$0x0], vm7;
	v27 =	vnsel vm13, $0x0, v28;
	v28 =	vnsel vm4, $0x0, v30  }
0x346: {  	v34 =	vld.idx.msk [tilespmem:v8+s22+$0x0], vm1;
	v21 =	vadd.s32 $0x4, v2;
	[tilespmem:v11+s22+$0x0] =	vst.idx.msk vm15, v24;
	vm6 =	vmmov vm8;
	v24 =	vadd.f32 v28, v24  }
0x347: {  	[tilespmem:v12+s22+$0x0] =	vst.idx.msk vm5, v29;
	v30 =	vnsel vm6, $0x0, v35  }
0x348: {  	v26 =	vadd.s32 $0x1, v20;
	v38 =	vld.idx.msk [tilespmem:v5+s22+$0x0], vm5;
	v30 =	vadd.f32 v30, v24  }
0x349: {  	[tilespmem:v3+s22+$0x0] =	vst.idx.msk vm2, v22;
	v32 =	vadd.s32 $0x1, v21;
	v22 =	vadd.f32 v27, v22  }
0x34a: {  	vm12 =	vmmov vm1;
	v25 =	vnsel vm7, $0x0, v25;
	v36 =	vld.idx.msk [tilespmem:v20+s22+$0x0], vm2;
	v27 =	vadd.s32 $0x2, v20  }
0x34b: {  	vm11 =	vmmov vm5;
	v33 =	vadd.s32 $0x2, v21;
	[tilespmem:v9+s22+$0x0] =	vst.idx.msk vm0, v22;
	v40 =	vld.idx.msk [tilespmem:v21+s22+$0x0], vm15;
	v28 =	vnsel vm12, $0x0, v34  }
0x34c: {  	v22 =	vadd.f32 v28, v22;
	[tilespmem:v7+s22+$0x0] =	vst.idx.msk vm8, v30;
	v25 =	vadd.f32 v25, v30;
	v30 =	vmov v5  }
0x34d: {  	v37 =	vld.idx.msk [tilespmem:v26+s22+$0x0], vm0;
	v28 =	vadd.s32 $0x3, v20;
	[tilespmem:v10+s22+$0x0] =	vst.idx.msk vm4, v24;
	v24 =	vnsel vm11, $0x0, v38  }
0x34e: {  	v35 =	vadd.s32 $0x3, v21;
	v41 =	vld.idx.msk [tilespmem:v32+s22+$0x0], vm4;
	[tilespmem:v8+s22+$0x0] =	vst.idx.msk vm1, v22;
	v34 =	vadd.f32 v24, v22;
	v24 =	vadd.s32 $0x4, v3  }
0x34f: {  	s30 =	simm.s32 $0x4;
	v19 =	vadd.s32 $0x4, v11;
	v22 =	vadd.s32 $0x4, v6;
	v39 =	vadd.s32 $0x3, v24;
	v38 =	vld.idx.msk [tilespmem:v27+s22+$0x0], vm1  }
.LBB2_26:
0x350: {  	v42 =	vadd.s32 $0x2, v19;
	v43 =	vadd.s32 $0x1, v24  }
0x351: {  	v44 =	vadd.s32 $0x2, v24;
	v45 =	vld.idx.msk [tilespmem:v33+s22+$0x0], vm6;
	[tilespmem:v30+s22+$0x0] =	vst.idx.msk vm11, v34;
	v46 =	vmovc v19;
	v30 =	vmov v39;
	vm5 =	vmmov vm7  }
0x352: {  	vm9 =	vlt.u32 v22, $0x200;
	v39 =	vadd.s32 $0x1, v19;
	s30 =	sadd.s32 $0x4, s30;
	[tilespmem:v31+s22+$0x0] =	vst.idx.msk vm7, v25;
	v31 =	vnsel vm14, $0x0, v36;
	v36 =	vld.idx.msk [tilespmem:v28+s22+$0x0], vm11  }
0x353: {  	v47 =	vadd.s32 $0x1, v22;
	p0 =	slt.u32 s30, $0x208;
	v40 =	vnsel vm15, $0x0, v40;
	v48 =	vld.idx.msk [tilespmem:v35+s22+$0x0], vm7;
	v23 =	vadd.f32 v31, v23  }
0x354: {  	vm10 =	vlt.u32 v47, $0x200;
	v29 =	vadd.f32 v40, v29;
	v31 =	vnsel vm13, $0x0, v37  }
0x355: {  	v37 =	vadd.s32 $0x2, v22;
	v40 =	vnsel vm4, $0x0, v41;
	[tilespmem:v20+s22+$0x0] =	vst.idx.msk vm14, v23;
	v23 =	vadd.f32 v31, v23  }
0x356: {  	vm8 =	vlt.u32 v37, $0x200;
	v31 =	vnsel vm12, $0x0, v38;
	[tilespmem:v21+s22+$0x0] =	vst.idx.msk vm15, v29;
	v29 =	vadd.f32 v40, v29  }
0x357: {  	v37 =	vadd.s32 $0x3, v22;
	v40 =	vnsel vm6, $0x0, v45;
	v38 =	vld.idx.msk [tilespmem:v24+s22+$0x0], vm15;
	[tilespmem:v26+s22+$0x0] =	vst.idx.msk vm13, v23;
	v23 =	vadd.f32 v31, v23  }
0x358: {  	vm7 =	vlt.u32 v37, $0x200;
	v26 =	vld.idx.msk [tilespmem:v19+s22+$0x0], vm9;
	[tilespmem:v32+s22+$0x0] =	vst.idx.msk vm4, v29;
	v29 =	vadd.f32 v40, v29;
	v32 =	vnsel vm11, $0x0, v36  }
0x359: {  	v31 =	vadd.s32 $0x3, v19;
	v37 =	vnsel vm5, $0x0, v48;
	v36 =	vld.idx.msk [tilespmem:v43+s22+$0x0], vm4;
	[tilespmem:v27+s22+$0x0] =	vst.idx.msk vm12, v23;
	v23 =	vadd.f32 v32, v23  }
0x35a: {  	vm14 =	vmmov vm15;
	vm15 =	vmmov vm9;
	v27 =	vld.idx.msk [tilespmem:v39+s22+$0x0], vm10;
	[tilespmem:v33+s22+$0x0] =	vst.idx.msk vm6, v29;
	v29 =	vadd.f32 v37, v29  }
0x35b: {  	vm13 =	vmmov vm4;
	vm4 =	vmmov vm10;
	vm12 =	vmmov vm6;
	v37 =	vld.idx.msk [tilespmem:v44+s22+$0x0], vm6;
	[tilespmem:v28+s22+$0x0] =	vst.idx.msk vm11, v23  }
0x35c: {  	v20 =	vadd.s32 $0x4, v20;
	vm6 =	vmmov vm8;
	vm11 =	vmmov vm5;
	v28 =	vld.idx.msk [tilespmem:v42+s22+$0x0], vm8;
	[tilespmem:v35+s22+$0x0] =	vst.idx.msk vm5, v29  }
0x35d: {  	v21 =	vadd.s32 $0x4, v21;
	v19 =	vadd.s32 $0x4, v19;
	v32 =	vnsel vm14, $0x0, v38;
	v38 =	vld.idx.msk [tilespmem:v30+s22+$0x0], vm5  }
0x35e: {  	v33 =	vnsel vm15, $0x0, v26;
	v34 =	vadd.f32 v32, v34;
	v26 =	vadd.s32 $0x1, v20;
	v45 =	vld.idx.msk [tilespmem:v31+s22+$0x0], vm7  }
0x35f: {  	v32 =	vadd.s32 $0x1, v21;
	v25 =	vadd.f32 v33, v25;
	v33 =	vnsel vm13, $0x0, v36  }
0x360: {  	v35 =	vnsel vm4, $0x0, v27;
	v27 =	vadd.s32 $0x2, v20;
	[tilespmem:v24+s22+$0x0] =	vst.idx.msk vm14, v34;
	v34 =	vadd.f32 v33, v34  }
.Ltmp12:
0x361: {  	v33 =	vadd.s32 $0x2, v21;
	[tilespmem:v46+s22+$0x0] =	vst.idx.msk vm9, v25;
	v25 =	vadd.f32 v35, v25;
	v36 =	vld.idx.msk [tilespmem:v20+s22+$0x0], vm14;
	v35 =	vnsel vm12, $0x0, v37;
	(pc) =	sbr.rel @p0 .LBB2_26-.Ltmp12, $4  }
0x362: {  	v37 =	vnsel vm6, $0x0, v28;
	v28 =	vadd.s32 $0x3, v20;
	v40 =	vld.idx.msk [tilespmem:v21+s22+$0x0], vm9;
	[tilespmem:v43+s22+$0x0] =	vst.idx.msk vm13, v34;
	v34 =	vadd.f32 v35, v34  }
0x363: {  	v35 =	vadd.s32 $0x3, v21;
	v38 =	vnsel vm11, $0x0, v38;
	[tilespmem:v39+s22+$0x0] =	vst.idx.msk vm10, v25;
	v25 =	vadd.f32 v37, v25;
	v37 =	vld.idx.msk [tilespmem:v26+s22+$0x0], vm13  }
0x364: {  	v24 =	vadd.s32 $0x4, v24;
	v43 =	vnsel vm7, $0x0, v45;
	v41 =	vld.idx.msk [tilespmem:v32+s22+$0x0], vm10;
	[tilespmem:v44+s22+$0x0] =	vst.idx.msk vm12, v34;
	v34 =	vadd.f32 v38, v34  }
0x365: {  	v22 =	vadd.s32 $0x4, v22;
	v39 =	vadd.s32 $0x3, v24;
	[tilespmem:v42+s22+$0x0] =	vst.idx.msk vm8, v25;
	v25 =	vadd.f32 v43, v25;
	v38 =	vld.idx.msk [tilespmem:v27+s22+$0x0], vm12  }
0x366: {  	_ =	sdelay $0x4  }
0x367: {  	v42 =	vld.idx.msk [tilespmem:v33+s22+$0x0], vm6  }
0x368: {  	[tilespmem:v31+s22+$0x0] =	vst.idx.msk vm7, v25;
	v31 =	vnsel vm15, $0x0, v40  }
0x369: {  	v51 =	vadd.s32 $0x1, v24;
	v43 =	vld.idx.msk [tilespmem:v35+s22+$0x0], vm7;
	v29 =	vadd.f32 v31, v29  }
0x36a: {  	v31 =	vnsel vm4, $0x0, v41  }
0x36b: {  	v52 =	vadd.s32 $0x2, v24;
	vm9 =	vmmov vm7;
	[tilespmem:v21+s22+$0x0] =	vst.idx.msk vm15, v29;
	v29 =	vadd.f32 v31, v29  }
0x36c: {  	v31 =	vld.idx.msk [tilespmem:v24+s22+$0x0], vm15;
	v42 =	vnsel vm6, $0x0, v42  }
0x36d: {  	[tilespmem:v32+s22+$0x0] =	vst.idx.msk vm4, v29;
	v29 =	vadd.f32 v42, v29  }
0x36e: {  	v32 =	vld.idx.msk [tilespmem:v51+s22+$0x0], vm4;
	v53 =	vnsel vm9, $0x0, v43  }
0x36f: {  	[tilespmem:v33+s22+$0x0] =	vst.idx.msk vm6, v29;
	v29 =	vadd.f32 v53, v29  }
0x370: {  	vm5 =	vmmov vm15;
	v54 =	vadd.s32 $0x4, v20;
	vm4 =	vmmov vm4;
	v33 =	vld.idx.msk [tilespmem:v52+s22+$0x0], vm6  }
0x371: {  	v36 =	vnsel vm14, $0x0, v36;
	[tilespmem:v35+s22+$0x0] =	vst.idx.msk vm9, v29;
	v31 =	vnsel vm5, $0x0, v31  }
0x372: {  	[tilespmem:v30+s22+$0x0] =	vst.idx.msk vm11, v34;
	vm10 =	vmmov vm6;
	v55 =	vadd.s32 $0x1, v54;
	v30 =	vld.idx.msk [tilespmem:v39+s22+$0x0], vm9;
	v31 =	vadd.f32 v31, v34  }
0x373: {  	v56 =	vld.idx.msk [tilespmem:v28+s22+$0x0], vm11;
	v36 =	vadd.f32 v36, v23;
	v57 =	vadd.s32 $0x2, v54;
	v32 =	vnsel vm4, $0x0, v32  }
0x374: {  	v23 =	vnsel vm13, $0x0, v37;
	vm7 =	vmmov vm9;
	[tilespmem:v24+s22+$0x0] =	vst.idx.msk vm15, v31;
	v31 =	vadd.f32 v32, v31  }
0x375: {  	v37 =	vadd.f32 v23, v36;
	v58 =	vld.idx.msk [tilespmem:v54+s22+$0x0], vm15;
	v23 =	vnsel vm10, $0x0, v33  }
0x376: {  	v59 =	vnsel vm12, $0x0, v38;
	[tilespmem:v51+s22+$0x0] =	vst.idx.msk vm4, v31;
	v23 =	vadd.f32 v23, v31;
	v31 =	vadd.s32 $0x3, v54  }
0x377: {  	v33 =	vadd.f32 v59, v37;
	v60 =	vld.idx.msk [tilespmem:v55+s22+$0x0], vm4;
	v30 =	vnsel vm7, $0x0, v30  }
0x378: {  	v35 =	vnsel vm11, $0x0, v56;
	[tilespmem:v52+s22+$0x0] =	vst.idx.msk vm10, v23;
	v23 =	vadd.f32 v30, v23  }
0x379: {  	v30 =	vadd.f32 v35, v33;
	v61 =	vld.idx.msk [tilespmem:v57+s22+$0x0], vm10  }
0x37a: {  	[tilespmem:v39+s22+$0x0] =	vst.idx.msk vm7, v23;
	v62 =	vnsel vm5, $0x0, v58  }
0x37b: {  	v63 =	vld.idx.msk [tilespmem:v31+s22+$0x0], vm7;
	v39 =	vadd.f32 v62, v30  }
0x37c: {  	[tilespmem:v20+s22+$0x0] =	vst.idx.msk vm14, v36;
	v20 =	vnsel vm4, $0x0, v60  }
0x37d: {  	[tilespmem:v26+s22+$0x0] =	vst.idx.msk vm13, v37;
	v20 =	vadd.f32 v20, v39  }
0x37e: {  	[tilespmem:v27+s22+$0x0] =	vst.idx.msk vm12, v33;
	v26 =	vnsel vm10, $0x0, v61  }
0x37f: {  	[tilespmem:v28+s22+$0x0] =	vst.idx.msk vm11, v30;
	v26 =	vadd.f32 v26, v20  }
0x380: {  	[tilespmem:v54+s22+$0x0] =	vst.idx.msk vm15, v39;
	v27 =	vnsel vm7, $0x0, v63  }
0x381: {  	[tilespmem:v55+s22+$0x0] =	vst.idx.msk vm4, v20;
	v20 =	vadd.f32 v27, v26  }
0x382: {  	[tilespmem:v57+s22+$0x0] =	vst.idx.msk vm10, v26  }
0x383: {  	s30 =	simm.s32 $0x3;
	v21 =	vadd.s32 $0x4, v21;
	v24 =	vadd.s32 $0x4, v24;
	v26 =	vadd.s32 $0x4, v54;
	[tilespmem:v31+s22+$0x0] =	vst.idx.msk vm7, v20  }
.LBB2_28:
0x384: {  	vm4 =	vlt.u32 v22, $0x200;
	_ =	sdelay $0x5  }
0x385: {  	v27 =	vld.idx.msk [tilespmem:v19+s22+$0x0], vm4;
	_ =	sdelay $0x4  }
0x386: {  	v27 =	vnsel vm4, $0x0, v27  }
0x387: {  	v25 =	vadd.f32 v27, v25;
	_ =	sdelay $0x1  }
0x388: {  	[tilespmem:v19+s22+$0x0] =	vst.idx.msk vm4, v25  }
0x389: {  	v27 =	vld.idx.msk [tilespmem:v21+s22+$0x0], vm4;
	_ =	sdelay $0x4  }
0x38a: {  	v27 =	vnsel vm4, $0x0, v27  }
0x38b: {  	v29 =	vadd.f32 v27, v29;
	_ =	sdelay $0x1  }
0x38c: {  	[tilespmem:v21+s22+$0x0] =	vst.idx.msk vm4, v29  }
0x38d: {  	v27 =	vld.idx.msk [tilespmem:v24+s22+$0x0], vm4;
	_ =	sdelay $0x4  }
0x38e: {  	v27 =	vnsel vm4, $0x0, v27  }
0x38f: {  	v23 =	vadd.f32 v27, v23;
	_ =	sdelay $0x1  }
0x390: {  	[tilespmem:v24+s22+$0x0] =	vst.idx.msk vm4, v23  }
0x391: {  	v27 =	vld.idx.msk [tilespmem:v26+s22+$0x0], vm4;
	_ =	sdelay $0x2  }
0x392: {  	p0 =	sne.s32 s30, $0x1  }
.Ltmp13:
0x393: {  	_ = 	snop;
	(pc) =	sbr.rel @p0 .LBB2_28-.Ltmp13, $4  }
0x394: {  	v27 =	vnsel vm4, $0x0, v27  }
0x395: {  	v20 =	vadd.f32 v27, v20  }
0x396: {  	v22 =	vadd.s32 $0x1, v22;
	v19 =	vadd.s32 $0x1, v19  }
0x397: {  	s30 =	sadd.s32 $0xFFFFFFFF, s30;
	v21 =	vadd.s32 $0x1, v21;
	v24 =	vadd.s32 $0x1, v24;
	[tilespmem:v26+s22+$0x0] =	vst.idx.msk vm4, v20;
	v26 =	vadd.s32 $0x1, v26  }
0x398: {  	[hbm4b:s18+s1] =	stream.linear.scatter [tilespmem:s22], [sflag:$0x3], $0x8000, $0x38;
	[tilespmem:$0x10200] =	vst v63  }
0x399: {  	_ =	swait.ge [sflag:s26], $0x8000  }
0x39a: {  	v19 =	vld [tilespmem:$0x1FF90];
	_ =	sdelay $0x4  }
0x39b: {  	vm4 =	vnez.u8 v19  }
0x39c: {  	v21 =	vld [tilespmem:$0x1FFA0];
	_ =	sdelay $0x2  }
0x39d: {  	[sflag:s26] =	ssyncset.done $0x0  }
0x39e: {  	[sflag:s26] =	ssyncadd.s32 $0xFFFF8000  }
0x39f: {  	v19 =	vld.idx.msk [tilespmem:v0+s23+$0x0], vm4;
	vm4 =	vnez.u8 v21  }
0x3a0: {  	v23 =	vld [tilespmem:$0x1FFB0];
	_ =	sdelay $0x4  }
0x3a1: {  	v21 =	vld.idx.msk [tilespmem:v14+s23+$0x0], vm4;
	vm4 =	vnez.u8 v23;
	_ =	sdelay $0x1  }
0x3a2: {  	v20 =	vld [tilespmem:$0x1C0];
	_ =	sdelay $0x2  }
0x3a3: {  	v22 =	vld [tilespmem:$0x1D0]  }
0x3a4: {  	v19 =	vnsel vm2, $0x0, v19;
	v23 =	vld.idx.msk [tilespmem:v15+s23+$0x0], vm4  }
0x3a5: {  	v24 =	vld [tilespmem:$0x1E0];
	v20 =	vadd.f32 v19, v20  }
0x3a6: {  	v25 =	vld.idx.msk [tilespmem:v17+s23+$0x0], vm3;
	v21 =	vnsel vm0, $0x0, v21  }
0x3a7: {  	v19 =	vld [tilespmem:$0x1F0];
	[tilespmem:v0+s23+$0x0] =	vst.idx.msk vm2, v20;
	v20 =	vadd.f32 v21, v20  }
0x3a8: {  	v21 =	vld.idx.msk [tilespmem:v2+s23+$0x0], vm2  }
0x3a9: {  	[tilespmem:v14+s23+$0x0] =	vst.idx.msk vm0, v20;
	v23 =	vnsel vm1, $0x0, v23  }
0x3aa: {  	v14 =	vadd.f32 v23, v20;
	v20 =	vld.idx.msk [tilespmem:v16+s23+$0x0], vm0;
	_ =	sdelay $0x2  }
0x3ab: {  	v23 =	vnsel vm3, $0x0, v25;
	[tilespmem:v15+s23+$0x0] =	vst.idx.msk vm1, v14;
	v15 =	vnsel vm2, $0x0, v21  }
0x3ac: {  	v23 =	vadd.f32 v23, v14;
	v15 =	vadd.f32 v15, v22  }
0x3ad: {  	v20 =	vnsel vm0, $0x0, v20  }
0x3ae: {  	[tilespmem:v17+s23+$0x0] =	vst.idx.msk vm3, v23;
	v20 =	vadd.f32 v20, v15  }
0x3af: {  	v14 =	vld.idx.msk [tilespmem:v13+s23+$0x0], vm1;
	[tilespmem:v2+s23+$0x0] =	vst.idx.msk vm2, v15  }
0x3b0: {  	v22 =	vld [tilespmem:$0x1FFC0];
	[tilespmem:v16+s23+$0x0] =	vst.idx.msk vm0, v20  }
0x3b1: {  	v16 =	vld [tilespmem:$0x1FFF0]  }
0x3b2: {  	v17 =	vld.idx.msk [tilespmem:v12+s23+$0x0], vm3;
	_ =	sdelay $0x2  }
0x3b3: {  	v14 =	vnsel vm1, $0x0, v14  }
0x3b4: {  	v21 =	vadd.f32 v14, v20;
	vm8 =	vnez.u8 v16  }
0x3b5: {  	v16 =	vnsel vm8, $0x0, v17  }
0x3b6: {  	v17 =	vadd.f32 v16, v21;
	v16 =	vld [tilespmem:$0x1FFD0]  }
0x3b7: {  	[tilespmem:v13+s23+$0x0] =	vst.idx.msk vm1, v21  }
0x3b8: {  	v13 =	vld [tilespmem:$0x1FFE0]  }
0x3b9: {  	vm4 =	vnez.u8 v22;
	_ =	sdelay $0x1  }
0x3ba: {  	vm5 =	vnez.u8 v16  }
0x3bb: {  	v15 =	vld.idx.msk [tilespmem:v3+s23+$0x0], vm2  }
0x3bc: {  	v25 =	vld.idx.msk [tilespmem:v9+s23+$0x0], vm0;
	vm9 =	vnez.u8 v13;
	_ =	sdelay $0x1  }
0x3bd: {  	vm7 =	vlt.u32 v18, $0x200;
	v22 =	vld.idx.msk [tilespmem:v11+s23+$0x0], vm4  }
0x3be: {  	v18 =	vadd.s32 $0x3, v11;
	vm3 =	vmmov vm2;
	vm2 =	vmmov vm0;
	v21 =	vld.idx.msk [tilespmem:v8+s23+$0x0], vm1  }
0x3bf: {  	v14 =	vor.u32 $0x6000, v0;
	v15 =	vnsel vm3, $0x0, v15;
	vm6 =	vmmov vm4;
	v16 =	vld.idx.msk [tilespmem:v10+s23+$0x0], vm5  }
0x3c0: {  	v25 =	vnsel vm2, $0x0, v25;
	vm0 =	vmmov vm8;
	vm1 =	vmmov vm1  }
0x3c1: {  	[tilespmem:v12+s23+$0x0] =	vst.idx.msk vm8, v17;
	v12 =	vadd.s32 $0x4, v11;
	vm4 =	vmmov vm5;
	v13 =	vadd.s32 $0x4, v2;
	v27 =	vld.idx.msk [tilespmem:v7+s23+$0x0], vm9  }
0x3c2: {  	v28 =	vld.idx.msk [tilespmem:v5+s23+$0x0], vm8;
	v20 =	vnsel vm6, $0x0, v22;
	v22 =	vadd.f32 v15, v24;
	v15 =	vadd.s32 $0x1, v14  }
0x3c3: {  	v24 =	vld.idx.msk [tilespmem:v18+s23+$0x0], vm7;
	v21 =	vnsel vm1, $0x0, v21;
	v23 =	vadd.f32 v20, v23;
	v20 =	vadd.s32 $0x1, v13  }
0x3c4: {  	[tilespmem:v3+s23+$0x0] =	vst.idx.msk vm3, v22;
	v25 =	vadd.f32 v25, v22;
	v26 =	vnsel vm4, $0x0, v16;
	v16 =	vadd.s32 $0x2, v14  }
0x3c5: {  	[tilespmem:v11+s23+$0x0] =	vst.idx.msk vm6, v23;
	v11 =	vadd.s32 $0x2, v13;
	v22 =	vld.idx.msk [tilespmem:v14+s23+$0x0], vm3;
	vm5 =	vmmov vm9;
	v23 =	vadd.f32 v26, v23  }
0x3c6: {  	[tilespmem:v9+s23+$0x0] =	vst.idx.msk vm2, v25;
	v25 =	vadd.f32 v21, v25;
	v9 =	vadd.s32 $0x3, v14;
	v26 =	vld.idx.msk [tilespmem:v13+s23+$0x0], vm6;
	v27 =	vnsel vm5, $0x0, v27  }
0x3c7: {  	v21 =	vadd.s32 $0x3, v13;
	[tilespmem:v10+s23+$0x0] =	vst.idx.msk vm4, v23;
	v29 =	vadd.f32 v27, v23;
	v23 =	vld.idx.msk [tilespmem:v15+s23+$0x0], vm2;
	v10 =	vnsel vm0, $0x0, v28  }
0x3c8: {  	v24 =	vnsel vm7, $0x0, v24;
	[tilespmem:v8+s23+$0x0] =	vst.idx.msk vm1, v25;
	v8 =	vadd.s32 $0x4, v3;
	v27 =	vld.idx.msk [tilespmem:v20+s23+$0x0], vm4;
	v10 =	vadd.f32 v10, v25  }
0x3c9: {  	s30 =	simm.s32 $0x4;
	v6 =	vadd.s32 $0x4, v6;
	v25 =	vadd.s32 $0x3, v8;
	[tilespmem:v7+s23+$0x0] =	vst.idx.msk vm9, v29;
	v7 =	vadd.f32 v24, v29;
	v24 =	vld.idx.msk [tilespmem:v16+s23+$0x0], vm1  }
.LBB2_30:
0x3ca: {  	v28 =	vadd.s32 $0x2, v12;
	v29 =	vadd.s32 $0x1, v8  }
0x3cb: {  	v30 =	vadd.s32 $0x2, v8;
	v31 =	vld.idx.msk [tilespmem:v11+s23+$0x0], vm5;
	[tilespmem:v5+s23+$0x0] =	vst.idx.msk vm0, v10;
	v32 =	vmovc v12;
	v5 =	vmov v25;
	vm8 =	vmmov vm7  }
0x3cc: {  	vm9 =	vlt.u32 v6, $0x200;
	v25 =	vadd.s32 $0x1, v12;
	s30 =	sadd.s32 $0x4, s30;
	[tilespmem:v18+s23+$0x0] =	vst.idx.msk vm7, v7;
	v18 =	vnsel vm3, $0x0, v22;
	v22 =	vld.idx.msk [tilespmem:v9+s23+$0x0], vm0  }
0x3cd: {  	v33 =	vadd.s32 $0x1, v6;
	p0 =	slt.u32 s30, $0x208;
	v26 =	vnsel vm6, $0x0, v26;
	v34 =	vld.idx.msk [tilespmem:v21+s23+$0x0], vm7;
	v18 =	vadd.f32 v18, v19  }
0x3ce: {  	vm10 =	vlt.u32 v33, $0x200;
	v17 =	vadd.f32 v26, v17;
	v19 =	vnsel vm2, $0x0, v23  }
0x3cf: {  	v23 =	vadd.s32 $0x2, v6;
	v26 =	vnsel vm4, $0x0, v27;
	[tilespmem:v14+s23+$0x0] =	vst.idx.msk vm3, v18;
	v18 =	vadd.f32 v19, v18  }
0x3d0: {  	vm11 =	vlt.u32 v23, $0x200;
	v19 =	vnsel vm1, $0x0, v24;
	[tilespmem:v13+s23+$0x0] =	vst.idx.msk vm6, v17;
	v17 =	vadd.f32 v26, v17  }
0x3d1: {  	v23 =	vadd.s32 $0x3, v6;
	v26 =	vnsel vm5, $0x0, v31;
	v24 =	vld.idx.msk [tilespmem:v8+s23+$0x0], vm6;
	[tilespmem:v15+s23+$0x0] =	vst.idx.msk vm2, v18;
	v15 =	vadd.f32 v19, v18  }
0x3d2: {  	vm7 =	vlt.u32 v23, $0x200;
	v19 =	vnsel vm0, $0x0, v22;
	v27 =	vld.idx.msk [tilespmem:v12+s23+$0x0], vm9;
	[tilespmem:v20+s23+$0x0] =	vst.idx.msk vm4, v17;
	v17 =	vadd.f32 v26, v17  }
0x3d3: {  	v18 =	vadd.s32 $0x3, v12;
	v20 =	vnsel vm8, $0x0, v34;
	v22 =	vld.idx.msk [tilespmem:v29+s23+$0x0], vm4;
	[tilespmem:v16+s23+$0x0] =	vst.idx.msk vm1, v15;
	v19 =	vadd.f32 v19, v15  }
0x3d4: {  	vm3 =	vmmov vm6;
	vm6 =	vmmov vm9;
	v16 =	vld.idx.msk [tilespmem:v25+s23+$0x0], vm10;
	[tilespmem:v11+s23+$0x0] =	vst.idx.msk vm5, v17;
	v17 =	vadd.f32 v20, v17  }
0x3d5: {  	vm2 =	vmmov vm4;
	vm4 =	vmmov vm10;
	vm1 =	vmmov vm5;
	v23 =	vld.idx.msk [tilespmem:v30+s23+$0x0], vm5;
	[tilespmem:v9+s23+$0x0] =	vst.idx.msk vm0, v19  }
0x3d6: {  	v14 =	vadd.s32 $0x4, v14;
	vm5 =	vmmov vm11;
	vm0 =	vmmov vm8;
	v9 =	vld.idx.msk [tilespmem:v28+s23+$0x0], vm11;
	[tilespmem:v21+s23+$0x0] =	vst.idx.msk vm8, v17  }
0x3d7: {  	v13 =	vadd.s32 $0x4, v13;
	v12 =	vadd.s32 $0x4, v12;
	v11 =	vnsel vm3, $0x0, v24;
	v24 =	vld.idx.msk [tilespmem:v5+s23+$0x0], vm8  }
0x3d8: {  	v15 =	vadd.s32 $0x1, v14;
	v20 =	vnsel vm6, $0x0, v27;
	v10 =	vadd.f32 v11, v10;
	v31 =	vld.idx.msk [tilespmem:v18+s23+$0x0], vm7  }
0x3d9: {  	v7 =	vadd.f32 v20, v7;
	v20 =	vadd.s32 $0x1, v13;
	v11 =	vnsel vm2, $0x0, v22  }
0x3da: {  	v21 =	vnsel vm4, $0x0, v16;
	v16 =	vadd.s32 $0x2, v14;
	[tilespmem:v8+s23+$0x0] =	vst.idx.msk vm3, v10;
	v10 =	vadd.f32 v11, v10  }
.Ltmp14:
0x3db: {  	v11 =	vadd.s32 $0x2, v13;
	[tilespmem:v32+s23+$0x0] =	vst.idx.msk vm9, v7;
	v7 =	vadd.f32 v21, v7;
	v22 =	vld.idx.msk [tilespmem:v14+s23+$0x0], vm3;
	v21 =	vnsel vm1, $0x0, v23;
	(pc) =	sbr.rel @p0 .LBB2_30-.Ltmp14, $4  }
0x3dc: {  	v23 =	vnsel vm5, $0x0, v9;
	v9 =	vadd.s32 $0x3, v14;
	v26 =	vld.idx.msk [tilespmem:v13+s23+$0x0], vm9;
	[tilespmem:v29+s23+$0x0] =	vst.idx.msk vm2, v10;
	v10 =	vadd.f32 v21, v10  }
0x3dd: {  	v21 =	vadd.s32 $0x3, v13;
	v24 =	vnsel vm0, $0x0, v24;
	[tilespmem:v25+s23+$0x0] =	vst.idx.msk vm10, v7;
	v7 =	vadd.f32 v23, v7;
	v23 =	vld.idx.msk [tilespmem:v15+s23+$0x0], vm2  }
0x3de: {  	v8 =	vadd.s32 $0x4, v8;
	v29 =	vnsel vm7, $0x0, v31;
	v27 =	vld.idx.msk [tilespmem:v20+s23+$0x0], vm10;
	[tilespmem:v30+s23+$0x0] =	vst.idx.msk vm1, v10;
	v10 =	vadd.f32 v24, v10  }
0x3df: {  	v6 =	vadd.s32 $0x4, v6;
	v25 =	vadd.s32 $0x3, v8;
	[tilespmem:v28+s23+$0x0] =	vst.idx.msk vm11, v7;
	v7 =	vadd.f32 v29, v7;
	v24 =	vld.idx.msk [tilespmem:v16+s23+$0x0], vm1  }
0x3e0: {  	_ =	sdelay $0x4  }
0x3e1: {  	v28 =	vld.idx.msk [tilespmem:v11+s23+$0x0], vm5  }
0x3e2: {  	[tilespmem:v18+s23+$0x0] =	vst.idx.msk vm7, v7;
	v49 =	vnsel vm6, $0x0, v26  }
0x3e3: {  	v50 =	vadd.s32 $0x1, v8;
	v29 =	vld.idx.msk [tilespmem:v21+s23+$0x0], vm7;
	v17 =	vadd.f32 v49, v17  }
0x3e4: {  	v51 =	vnsel vm4, $0x0, v27  }
0x3e5: {  	v52 =	vadd.s32 $0x2, v8;
	vm12 =	vmmov vm7;
	[tilespmem:v13+s23+$0x0] =	vst.idx.msk vm6, v17;
	v17 =	vadd.f32 v51, v17  }
0x3e6: {  	v53 =	vld.idx.msk [tilespmem:v8+s23+$0x0], vm6;
	v28 =	vnsel vm5, $0x0, v28  }
0x3e7: {  	[tilespmem:v20+s23+$0x0] =	vst.idx.msk vm4, v17;
	v17 =	vadd.f32 v28, v17  }
0x3e8: {  	vm13 =	vmmov vm6;
	v20 =	vld.idx.msk [tilespmem:v50+s23+$0x0], vm4;
	v54 =	vnsel vm12, $0x0, v29  }
0x3e9: {  	[tilespmem:v11+s23+$0x0] =	vst.idx.msk vm5, v17;
	v11 =	vadd.f32 v54, v17  }
0x3ea: {  	vm14 =	vmmov vm4;
	v56 =	vadd.s32 $0x4, v14;
	v55 =	vld.idx.msk [tilespmem:v52+s23+$0x0], vm5  }
0x3eb: {  	v22 =	vnsel vm3, $0x0, v22;
	[tilespmem:v21+s23+$0x0] =	vst.idx.msk vm12, v11;
	v18 =	vnsel vm13, $0x0, v53  }
0x3ec: {  	[tilespmem:v5+s23+$0x0] =	vst.idx.msk vm0, v10;
	vm15 =	vmmov vm5;
	v57 =	vadd.s32 $0x1, v56;
	v5 =	vld.idx.msk [tilespmem:v25+s23+$0x0], vm12;
	v10 =	vadd.f32 v18, v10  }
0x3ed: {  	v58 =	vld.idx.msk [tilespmem:v9+s23+$0x0], vm0;
	v19 =	vadd.f32 v22, v19;
	v60 =	vadd.s32 $0x2, v56;
	v20 =	vnsel vm14, $0x0, v20  }
0x3ee: {  	v59 =	vnsel vm2, $0x0, v23;
	vm7 =	vmmov vm12;
	[tilespmem:v8+s23+$0x0] =	vst.idx.msk vm13, v10;
	v10 =	vadd.f32 v20, v10  }
0x3ef: {  	v22 =	vadd.f32 v59, v19;
	v61 =	vld.idx.msk [tilespmem:v56+s23+$0x0], vm13;
	v17 =	vnsel vm15, $0x0, v55  }
0x3f0: {  	v62 =	vadd.s32 $0x3, v56;
	v24 =	vnsel vm1, $0x0, v24;
	[tilespmem:v50+s23+$0x0] =	vst.idx.msk vm14, v10;
	v10 =	vadd.f32 v17, v10  }
0x3f1: {  	v24 =	vadd.f32 v24, v22;
	v26 =	vld.idx.msk [tilespmem:v57+s23+$0x0], vm14;
	v5 =	vnsel vm7, $0x0, v5  }
0x3f2: {  	v21 =	vnsel vm0, $0x0, v58;
	[tilespmem:v52+s23+$0x0] =	vst.idx.msk vm15, v10;
	v5 =	vadd.f32 v5, v10  }
0x3f3: {  	v10 =	vadd.f32 v21, v24;
	v63 =	vld.idx.msk [tilespmem:v60+s23+$0x0], vm15  }
0x3f4: {  	[tilespmem:v25+s23+$0x0] =	vst.idx.msk vm7, v5;
	v23 =	vnsel vm13, $0x0, v61  }
0x3f5: {  	v25 =	vld.idx.msk [tilespmem:v62+s23+$0x0], vm7;
	v23 =	vadd.f32 v23, v10  }
0x3f6: {  	[tilespmem:v14+s23+$0x0] =	vst.idx.msk vm3, v19;
	v14 =	vnsel vm14, $0x0, v26  }
0x3f7: {  	[tilespmem:v15+s23+$0x0] =	vst.idx.msk vm2, v22;
	v14 =	vadd.f32 v14, v23  }
0x3f8: {  	[tilespmem:v16+s23+$0x0] =	vst.idx.msk vm1, v24;
	v15 =	vnsel vm15, $0x0, v63  }
0x3f9: {  	[tilespmem:v9+s23+$0x0] =	vst.idx.msk vm0, v10;
	v10 =	vadd.f32 v15, v14  }
0x3fa: {  	[tilespmem:v56+s23+$0x0] =	vst.idx.msk vm13, v23;
	v9 =	vnsel vm7, $0x0, v25  }
0x3fb: {  	[tilespmem:v57+s23+$0x0] =	vst.idx.msk vm14, v14;
	v9 =	vadd.f32 v9, v10  }
0x3fc: {  	[tilespmem:v60+s23+$0x0] =	vst.idx.msk vm15, v10  }
0x3fd: {  	s30 =	simm.s32 $0x3;
	v8 =	vadd.s32 $0x4, v8;
	v10 =	vadd.s32 $0x4, v13;
	v13 =	vadd.s32 $0x4, v56;
	[tilespmem:v62+s23+$0x0] =	vst.idx.msk vm7, v9  }
.LBB2_32:
0x3fe: {  	vm0 =	vlt.u32 v6, $0x200;
	_ =	sdelay $0x5  }
0x3ff: {  	v14 =	vld.idx.msk [tilespmem:v12+s23+$0x0], vm0;
	_ =	sdelay $0x4  }
0x400: {  	v14 =	vnsel vm0, $0x0, v14  }
0x401: {  	v7 =	vadd.f32 v14, v7;
	_ =	sdelay $0x1  }
0x402: {  	[tilespmem:v12+s23+$0x0] =	vst.idx.msk vm0, v7  }
0x403: {  	v14 =	vld.idx.msk [tilespmem:v10+s23+$0x0], vm0;
	_ =	sdelay $0x4  }
0x404: {  	v14 =	vnsel vm0, $0x0, v14  }
0x405: {  	v11 =	vadd.f32 v14, v11;
	_ =	sdelay $0x1  }
0x406: {  	[tilespmem:v10+s23+$0x0] =	vst.idx.msk vm0, v11  }
0x407: {  	v14 =	vld.idx.msk [tilespmem:v8+s23+$0x0], vm0;
	_ =	sdelay $0x4  }
0x408: {  	v14 =	vnsel vm0, $0x0, v14  }
0x409: {  	v5 =	vadd.f32 v14, v5;
	_ =	sdelay $0x1  }
0x40a: {  	[tilespmem:v8+s23+$0x0] =	vst.idx.msk vm0, v5  }
0x40b: {  	v14 =	vld.idx.msk [tilespmem:v13+s23+$0x0], vm0;
	_ =	sdelay $0x2  }
0x40c: {  	p0 =	sne.s32 s30, $0x1  }
.Ltmp15:
0x40d: {  	_ = 	snop;
	(pc) =	sbr.rel @p0 .LBB2_32-.Ltmp15, $4  }
0x40e: {  	v14 =	vnsel vm0, $0x0, v14  }
0x40f: {  	v9 =	vadd.f32 v14, v9  }
0x410: {  	v6 =	vadd.s32 $0x1, v6;
	v12 =	vadd.s32 $0x1, v12  }
0x411: {  	s30 =	sadd.s32 $0xFFFFFFFF, s30;
	v10 =	vadd.s32 $0x1, v10;
	v8 =	vadd.s32 $0x1, v8;
	[tilespmem:v13+s23+$0x0] =	vst.idx.msk vm0, v9;
	v13 =	vadd.s32 $0x1, v13  }
0x412: {  	[hbm4b:s19+s1] =	stream.linear.scatter [tilespmem:s23], [sflag:$0x4], $0x8000, $0x38;
	[tilespmem:$0x10200] =	vst v63  }
0x413: {  	s29 =	sadd.s32 $0x1, s29  }
0x414: {  	_ =	swait.ge [sflag:s25], $0x8000;
	p0 =	sne.s32 s29, s20  }
.Ltmp16:
0x415: {  	[sflag:s25] =	ssyncset.done $0x0;
	(pc) =	sbr.rel @p0 .LBB2_1-.Ltmp16, $4  }
0x416: {  	[sflag:s25] =	ssyncadd.s32 $0xFFFF8000  }
0x417: {  	_ =	swait.ge [sflag:s28], $0x8000  }
0x418: {  	[sflag:s28] =	ssyncset.done $0x0  }
0x419: {  	[sflag:s28] =	ssyncadd.s32 $0xFFFF8000  }
0x41a: {  	_ =	sfence.sel $0x180000  }
0x41b: {  	[bflag:$0x0] =	sbarrier.arrive $0xFFFF  }
0x41c: {  	p0 =	sne.s32 s2, $0x0;
	_ =	strace $0x90000047  }
0x41d: {  	s0 =	sadd.s32 @!p0 $0x100000, s0;
	[bflag:$0x2] =	sbarrier.arrive $0xFFFF  }
0x41e: {  	[sflag:s0] =	ssyncadd.tile.s32 @!p0 $0x1;
	_ =	shalt  }
.Lfunc_end2:
_tile_overlayer_lowered:
.L_overlay_start_2:
0x41f: {  	(tag) =	ssettag $0x2  }
0x420: {  	s0 =	rddreg [dreg:$0x0];
	s2 =	stileid.u32  }
0x421: {  	s1 =	rddreg [dreg:$0x1];
	p0 =	sne.s32 s2, $0x0  }
0x422: {  	s3 =	rddreg [dreg:$0x2];
	[bflag:$0x3] =	sbarrier.arrive $0xFFFF;
	s2 =	simm.s32 @!p0 $0x1C05  }
0x423: {  	[timem:s3], [sflag:s2] =	dma.local @!p0 [hbm:s0], s1  }
0x424: {  	s0 =	simm.s32 @!p0 $0x5  }
0x425: {  	_ =	swait.ge @!p0 [sflag:s0], s1  }
0x426: {  	s1 =	ssub.s32 @!p0 $0x0, s1;
	[sflag:s0] =	ssyncset.done @!p0 $0x0  }
0x427: {  	[sflag:s0] =	ssyncadd.s32 @!p0 s1  }
0x428: {  	[bflag:$0x3] =	sbarrier.arrive $0xFFFF  }
0x429: {  	_ =	shalt  }

</sc_bundles>
